<compile_context>
chip_gen: v7x
topology: tpu7x:2x2x1
jax: 0.10.2.dev20260603
libtpu: 0.0.44.dev20260713+nightly
codegen_flags: <defaults>
</compile_context>

<pallas_src>
import functools

import jax
import jax.numpy as jnp
from jax import lax
from jax.experimental import pallas as pl
from jax.experimental.pallas import tpu as pltpu
from jax.experimental.pallas import tpu_sc as plsc

VOCAB = 1000000
D = 32
B = 16384
NC = 2
NS = 16
NW = NC * NS
BPW = B // NW
WAVE = 8
NWAVES = BPW // WAVE
BW = 128
NBUF = 3

_mesh = plsc.VectorSubcoreMesh(core_axis_name="c", subcore_axis_name="s")


@functools.partial(
    pl.kernel,
    mesh=_mesh,
    compiler_params=pltpu.CompilerParams(needs_layout_passes=False),
    out_type=[
        jax.ShapeDtypeStruct((D, B), jnp.float32),
        jax.ShapeDtypeStruct((16,), jnp.float32),
    ],
    scratch_types=[
        pltpu.VMEM((BPW + 16,), jnp.int32),
        pltpu.VMEM((NBUF * WAVE * D, BW), jnp.float32),
        pltpu.VMEM((D, BPW), jnp.float32),
        pltpu.VMEM((16,), jnp.float32),
        pltpu.SemaphoreType.DMA,
        pltpu.SemaphoreType.DMA,
        pltpu.SemaphoreType.DMA,
    ],
)
def _policy_gather(idx_hbm, xt_hbm, sig_hbm, out_hbm, sig_out_hbm,
                   idx_v, ring_v, out_v, sig_v, sem0, sem1, sem2):
    wid = lax.axis_index("s") * NC + lax.axis_index("c")
    sems = (sem0, sem1, sem2)

    pltpu.sync_copy(idx_hbm.at[pl.ds(BPW * wid, BPW)], idx_v.at[pl.ds(0, BPW)])

    jlane = lax.broadcasted_iota(jnp.int32, (16,), 0)

    def fire(g, buf):
        idx16 = idx_v[pl.ds(g * WAVE, 16)]
        pagev = (idx16 >> 7) << 7
        for l in range(WAVE):
            off = pl.multiple_of(pagev[l], BW)
            pltpu.async_copy(
                xt_hbm.at[:, pl.ds(off, BW)],
                ring_v.at[pl.ds((buf * WAVE + l) * D, D), :],
                sems[buf])

    def drain_and_extract(g, buf):
        for l in range(WAVE):
            pltpu.make_async_copy(
                xt_hbm.at[:, pl.ds(0, BW)],
                ring_v.at[pl.ds((buf * WAVE + l) * D, D), :],
                sems[buf]).wait()
        idx16 = idx_v[pl.ds(g * WAVE, 16)]
        lanev = idx16 & (BW - 1)
        base = buf * WAVE * D
        for l in range(WAVE):
            lane = jnp.full((16,), 0, jnp.int32) + lanev[l]
            col = jnp.full((16,), 0, jnp.int32) + (g * WAVE + l)
            r0 = jlane + (base + l * D)
            v0 = plsc.load_gather(ring_v, [r0, lane])
            plsc.store_scatter(out_v, [jlane, col], v0)
            v1 = plsc.load_gather(ring_v, [r0 + 16, lane])
            plsc.store_scatter(out_v, [jlane + 16, col], v1)

    fire(0, 0)
    fire(1, 1)

    @pl.loop(0, NWAVES // NBUF)
    def _trio(h):
        for k in range(NBUF):
            g = h * NBUF + k
            nxt_buf = (k + 2) % NBUF
            pl.when(g + 2 < NWAVES)(
                functools.partial(fire, g + 2, nxt_buf))
            drain_and_extract(g, k)

    drain_and_extract(NWAVES - 1, (NWAVES - 1) % NBUF)

    pltpu.sync_copy(out_v, out_hbm.at[:, pl.ds(BPW * wid, BPW)])

    @pl.when(wid == 0)
    def _clip_sigma():
        pltpu.sync_copy(sig_hbm, sig_v)
        v = sig_v[...]
        sig_v[...] = jnp.minimum(jnp.maximum(v, jnp.float32(-2.5)),
                                 jnp.float32(0.0))
        pltpu.sync_copy(sig_v, sig_out_hbm)


def kernel(indices, X, log_sigma):
    xt = X.T
    sig16 = jnp.broadcast_to(log_sigma, (16,))
    outt, sig = _policy_gather(indices, xt, sig16)
    return outt.T, sig[:1]

# --- scband reference (transcript-rebuilt; emitter-appended) ---
"""Pipeline reference for scband-policy-tensor-5841155523054 (READ-ONLY COPY).

The authoritative reference and input builder live on the scoring server;
editing this copy changes nothing except your own understanding.
"""

import jax, jax.numpy as jnp
import numpy as np

VOCAB = 1000000
EMBED_DIM = 32
BATCH = 16384


def setup_inputs(seed: int = 0) -> dict:
    key = jax.random.key(seed)
    k_idx, k_X = jax.random.split(key)
    indices = jax.random.randint(k_idx, (BATCH,), 0, VOCAB, dtype=jnp.int64 if jax.config.jax_enable_x64 else jnp.int32).astype(jnp.int32)
    X = jax.random.normal(k_X, (VOCAB, EMBED_DIM), dtype=jnp.float32)
    log_sigma = jnp.zeros((1,), dtype=jnp.float32)
    return {"indices": indices, "X": X, "log_sigma": log_sigma}


def reference(indices, X, log_sigma):
    # res = self.X[indices]
    res = jnp.take(X, indices, axis=0)
    # gaussian model: also return clamped log_sigma
    sig = jnp.clip(log_sigma, -2.5, 0.0)
    return (res, sig)

if __name__ == "__main__":
    import jax
    _d = setup_inputs()
    print(jax.jit(kernel)(*tuple(_d.values())))

</pallas_src>

<mosaic_0001>
#map = affine_map<(d0, d1) -> (0)>
#map1 = affine_map<(d0, d1) -> (0, 0)>
module attributes {stable_mosaic.version = 14 : i64} {
  func.func @_policy_gather(%arg0: i32, %arg1: i32, %arg2: memref<16384xi32, #tpu.memory_space<hbm>>, %arg3: memref<32x1000000xf32, #tpu.memory_space<hbm>>, %arg4: memref<16xf32, #tpu.memory_space<hbm>>, %arg5: memref<32x16384xf32, #tpu.memory_space<hbm>>, %arg6: memref<16xf32, #tpu.memory_space<hbm>>, %arg7: memref<528xi32, #tpu.memory_space<vmem>>, %arg8: memref<768x128xf32, #tpu.memory_space<vmem>>, %arg9: memref<32x512xf32, #tpu.memory_space<vmem>>, %arg10: memref<16xf32, #tpu.memory_space<vmem>>, %arg11: memref<!tpu.dma_semaphore, #tpu.memory_space<semaphore_mem>>, %arg12: memref<!tpu.dma_semaphore, #tpu.memory_space<semaphore_mem>>, %arg13: memref<!tpu.dma_semaphore, #tpu.memory_space<semaphore_mem>>) attributes {dimension_semantics = [#tpu.dimension_semantics<core_parallel>, #tpu.dimension_semantics<subcore_parallel>], iteration_bounds = array<i64: 2, 16>, scalar_prefetch = 0 : i64, scratch_operands = 7 : i64, tpu.core_type = #tpu.core_type<sc_vector_subcore>, window_params = [{transform_indices = #map}, {transform_indices = #map1}, {transform_indices = #map}, {transform_indices = #map1}, {transform_indices = #map}]} {
    %mul3A = arith.constant 2 : i32
    %mul3A_0 = arith.muli %arg1, %mul3A : i32
    %add3A = arith.addi %mul3A_0, %arg0 : i32
    %mul3A_1 = arith.constant 512 : i32
    %mul3A_2 = arith.muli %mul3A_1, %add3A : i32
    "tpu.region"() ({
      %run_scoped3A = tpu.sem_alloc : memref<!tpu.dma_semaphore, #tpu.memory_space<semaphore_mem>>
      %dma_start3A_501 = arith.constant 0 : i32
      %dma_start3A_502 = tpu.memref_slice %arg7[%dma_start3A_501] : memref<528xi32, #tpu.memory_space<vmem>> -> memref<512xi32, #tpu.memory_space<vmem>>
      %dma_start3A_503 = tpu.memref_slice %arg2[%mul3A_2] : memref<16384xi32, #tpu.memory_space<hbm>> -> memref<512xi32, #tpu.memory_space<hbm>>
      %dma_start3A_504 = arith.constant 0 : i32
      %dma_start3A_505 = tpu.memref_slice %arg7[%dma_start3A_504] : memref<528xi32, #tpu.memory_space<vmem>> -> memref<512xi32, #tpu.memory_space<vmem>>
      %dma_start3A_506 = tpu.memref_slice %arg2[%mul3A_2] : memref<16384xi32, #tpu.memory_space<hbm>> -> memref<512xi32, #tpu.memory_space<hbm>>
      tpu.enqueue_dma source(%dma_start3A_506 : memref<512xi32, #tpu.memory_space<hbm>>) target(%dma_start3A_505 : memref<512xi32, #tpu.memory_space<vmem>>) target_semaphore(%run_scoped3A : memref<!tpu.dma_semaphore, #tpu.memory_space<semaphore_mem>>)
      %dma_wait3A_507 = arith.constant 0 : i32
      %dma_wait3A_508 = tpu.memref_slice %arg7[%dma_wait3A_507] : memref<528xi32, #tpu.memory_space<vmem>> -> memref<512xi32, #tpu.memory_space<vmem>>
      %dma_wait3A_509 = tpu.memref_slice %arg2[%mul3A_2] : memref<16384xi32, #tpu.memory_space<hbm>> -> memref<512xi32, #tpu.memory_space<hbm>>
      %dma_wait3A_510 = arith.constant 0 : i32
      %dma_wait3A_511 = tpu.memref_slice %arg7[%dma_wait3A_510] : memref<528xi32, #tpu.memory_space<vmem>> -> memref<512xi32, #tpu.memory_space<vmem>>
      %dma_wait3A_512 = tpu.memref_slice %arg2[%mul3A_2] : memref<16384xi32, #tpu.memory_space<hbm>> -> memref<512xi32, #tpu.memory_space<hbm>>
      tpu.wait_dma2 semaphore(%run_scoped3A : memref<!tpu.dma_semaphore, #tpu.memory_space<semaphore_mem>>) src(%dma_wait3A_512 : memref<512xi32, #tpu.memory_space<hbm>>) dst(%dma_wait3A_511 : memref<512xi32, #tpu.memory_space<vmem>>)
      tpu.yield
    }) : () -> ()
    %iota3A = tpu.iota {dimensions = array<i32: 0>} : vector<16xi32>
    %get3A = arith.constant 0 : index
    %get3A_3 = tpu.vector_load %arg7[%get3A] {strides = array<i32>} : memref<528xi32, #tpu.memory_space<vmem>>, vector<16xi32>,
    %shift_right_arithmetic3A = arith.constant 7 : i32
    %shift_right_arithmetic3A_4 = vector.broadcast %shift_right_arithmetic3A : i32 to vector<16xi32>
    %shift_right_arithmetic3A_5 = arith.shrsi %get3A_3, %shift_right_arithmetic3A_4 : vector<16xi32>
    %shift_left3A = arith.constant 7 : i32
    %shift_left3A_6 = vector.broadcast %shift_left3A : i32 to vector<16xi32>
    %shift_left3A_7 = arith.shli %shift_right_arithmetic3A_5, %shift_left3A_6 : vector<16xi32>
    %slice3A = vector.extract_strided_slice %shift_left3A_7 {offsets = [0], sizes = [1], strides = [1]} : vector<16xi32> to vector<1xi32>
    %squeeze3A = vector.extract %slice3A[0] : i32 from vector<1xi32>
    %multiple_of3A = tpu.assume_multiple %squeeze3A, 128 : i32
    %dma_start3A = arith.constant 0 : i32
    %dma_start3A_8 = arith.constant 0 : i32
    %dma_start3A_9 = tpu.memref_slice %arg8[%dma_start3A, %dma_start3A_8] : memref<768x128xf32, #tpu.memory_space<vmem>> -> memref<32x128xf32, #tpu.memory_space<vmem>>
    %dma_start3A_10 = arith.constant 0 : i32
    %dma_start3A_11 = tpu.memref_slice %arg3[%dma_start3A_10, %multiple_of3A] : memref<32x1000000xf32, #tpu.memory_space<hbm>> -> memref<32x128xf32, #tpu.memory_space<hbm>>
    %dma_start3A_12 = arith.constant 0 : i32
    %dma_start3A_13 = arith.constant 0 : i32
    %dma_start3A_14 = tpu.memref_slice %arg8[%dma_start3A_12, %dma_start3A_13] : memref<768x128xf32, #tpu.memory_space<vmem>> -> memref<32x128xf32, #tpu.memory_space<vmem>>
    %dma_start3A_15 = arith.constant 0 : i32
    %dma_start3A_16 = tpu.memref_slice %arg3[%dma_start3A_15, %multiple_of3A] : memref<32x1000000xf32, #tpu.memory_space<hbm>> -> memref<32x128xf32, #tpu.memory_space<hbm>>
    tpu.enqueue_dma source(%dma_start3A_16 : memref<32x128xf32, #tpu.memory_space<hbm>>) target(%dma_start3A_14 : memref<32x128xf32, #tpu.memory_space<vmem>>) target_semaphore(%arg11 : memref<!tpu.dma_semaphore, #tpu.memory_space<semaphore_mem>>)
    %slice3A_17 = vector.extract_strided_slice %shift_left3A_7 {offsets = [1], sizes = [1], strides = [1]} : vector<16xi32> to vector<1xi32>
    %squeeze3A_18 = vector.extract %slice3A_17[0] : i32 from vector<1xi32>
    %multiple_of3A_19 = tpu.assume_multiple %squeeze3A_18, 128 : i32
    %dma_start3A_20 = arith.constant 32 : i32
    %dma_start3A_21 = arith.constant 0 : i32
    %dma_start3A_22 = tpu.memref_slice %arg8[%dma_start3A_20, %dma_start3A_21] : memref<768x128xf32, #tpu.memory_space<vmem>> -> memref<32x128xf32, #tpu.memory_space<vmem>>
    %dma_start3A_23 = arith.constant 0 : i32
    %dma_start3A_24 = tpu.memref_slice %arg3[%dma_start3A_23, %multiple_of3A_19] : memref<32x1000000xf32, #tpu.memory_space<hbm>> -> memref<32x128xf32, #tpu.memory_space<hbm>>
    %dma_start3A_25 = arith.constant 32 : i32
    %dma_start3A_26 = arith.constant 0 : i32
    %dma_start3A_27 = tpu.memref_slice %arg8[%dma_start3A_25, %dma_start3A_26] : memref<768x128xf32, #tpu.memory_space<vmem>> -> memref<32x128xf32, #tpu.memory_space<vmem>>
    %dma_start3A_28 = arith.constant 0 : i32
    %dma_start3A_29 = tpu.memref_slice %arg3[%dma_start3A_28, %multiple_of3A_19] : memref<32x1000000xf32, #tpu.memory_space<hbm>> -> memref<32x128xf32, #tpu.memory_space<hbm>>
    tpu.enqueue_dma source(%dma_start3A_29 : memref<32x128xf32, #tpu.memory_space<hbm>>) target(%dma_start3A_27 : memref<32x128xf32, #tpu.memory_space<vmem>>) target_semaphore(%arg11 : memref<!tpu.dma_semaphore, #tpu.memory_space<semaphore_mem>>)
    %slice3A_30 = vector.extract_strided_slice %shift_left3A_7 {offsets = [2], sizes = [1], strides = [1]} : vector<16xi32> to vector<1xi32>
    %squeeze3A_31 = vector.extract %slice3A_30[0] : i32 from vector<1xi32>
    %multiple_of3A_32 = tpu.assume_multiple %squeeze3A_31, 128 : i32
    %dma_start3A_33 = arith.constant 64 : i32
    %dma_start3A_34 = arith.constant 0 : i32
    %dma_start3A_35 = tpu.memref_slice %arg8[%dma_start3A_33, %dma_start3A_34] : memref<768x128xf32, #tpu.memory_space<vmem>> -> memref<32x128xf32, #tpu.memory_space<vmem>>
    %dma_start3A_36 = arith.constant 0 : i32
    %dma_start3A_37 = tpu.memref_slice %arg3[%dma_start3A_36, %multiple_of3A_32] : memref<32x1000000xf32, #tpu.memory_space<hbm>> -> memref<32x128xf32, #tpu.memory_space<hbm>>
    %dma_start3A_38 = arith.constant 64 : i32
    %dma_start3A_39 = arith.constant 0 : i32
    %dma_start3A_40 = tpu.memref_slice %arg8[%dma_start3A_38, %dma_start3A_39] : memref<768x128xf32, #tpu.memory_space<vmem>> -> memref<32x128xf32, #tpu.memory_space<vmem>>
    %dma_start3A_41 = arith.constant 0 : i32
    %dma_start3A_42 = tpu.memref_slice %arg3[%dma_start3A_41, %multiple_of3A_32] : memref<32x1000000xf32, #tpu.memory_space<hbm>> -> memref<32x128xf32, #tpu.memory_space<hbm>>
    tpu.enqueue_dma source(%dma_start3A_42 : memref<32x128xf32, #tpu.memory_space<hbm>>) target(%dma_start3A_40 : memref<32x128xf32, #tpu.memory_space<vmem>>) target_semaphore(%arg11 : memref<!tpu.dma_semaphore, #tpu.memory_space<semaphore_mem>>)
    %slice3A_43 = vector.extract_strided_slice %shift_left3A_7 {offsets = [3], sizes = [1], strides = [1]} : vector<16xi32> to vector<1xi32>
    %squeeze3A_44 = vector.extract %slice3A_43[0] : i32 from vector<1xi32>
    %multiple_of3A_45 = tpu.assume_multiple %squeeze3A_44, 128 : i32
    %dma_start3A_46 = arith.constant 96 : i32
    %dma_start3A_47 = arith.constant 0 : i32
    %dma_start3A_48 = tpu.memref_slice %arg8[%dma_start3A_46, %dma_start3A_47] : memref<768x128xf32, #tpu.memory_space<vmem>> -> memref<32x128xf32, #tpu.memory_space<vmem>>
    %dma_start3A_49 = arith.constant 0 : i32
    %dma_start3A_50 = tpu.memref_slice %arg3[%dma_start3A_49, %multiple_of3A_45] : memref<32x1000000xf32, #tpu.memory_space<hbm>> -> memref<32x128xf32, #tpu.memory_space<hbm>>
    %dma_start3A_51 = arith.constant 96 : i32
    %dma_start3A_52 = arith.constant 0 : i32
    %dma_start3A_53 = tpu.memref_slice %arg8[%dma_start3A_51, %dma_start3A_52] : memref<768x128xf32, #tpu.memory_space<vmem>> -> memref<32x128xf32, #tpu.memory_space<vmem>>
    %dma_start3A_54 = arith.constant 0 : i32
    %dma_start3A_55 = tpu.memref_slice %arg3[%dma_start3A_54, %multiple_of3A_45] : memref<32x1000000xf32, #tpu.memory_space<hbm>> -> memref<32x128xf32, #tpu.memory_space<hbm>>
    tpu.enqueue_dma source(%dma_start3A_55 : memref<32x128xf32, #tpu.memory_space<hbm>>) target(%dma_start3A_53 : memref<32x128xf32, #tpu.memory_space<vmem>>) target_semaphore(%arg11 : memref<!tpu.dma_semaphore, #tpu.memory_space<semaphore_mem>>)
    %slice3A_56 = vector.extract_strided_slice %shift_left3A_7 {offsets = [4], sizes = [1], strides = [1]} : vector<16xi32> to vector<1xi32>
    %squeeze3A_57 = vector.extract %slice3A_56[0] : i32 from vector<1xi32>
    %multiple_of3A_58 = tpu.assume_multiple %squeeze3A_57, 128 : i32
    %dma_start3A_59 = arith.constant 128 : i32
    %dma_start3A_60 = arith.constant 0 : i32
    %dma_start3A_61 = tpu.memref_slice %arg8[%dma_start3A_59, %dma_start3A_60] : memref<768x128xf32, #tpu.memory_space<vmem>> -> memref<32x128xf32, #tpu.memory_space<vmem>>
    %dma_start3A_62 = arith.constant 0 : i32
    %dma_start3A_63 = tpu.memref_slice %arg3[%dma_start3A_62, %multiple_of3A_58] : memref<32x1000000xf32, #tpu.memory_space<hbm>> -> memref<32x128xf32, #tpu.memory_space<hbm>>
    %dma_start3A_64 = arith.constant 128 : i32
    %dma_start3A_65 = arith.constant 0 : i32
    %dma_start3A_66 = tpu.memref_slice %arg8[%dma_start3A_64, %dma_start3A_65] : memref<768x128xf32, #tpu.memory_space<vmem>> -> memref<32x128xf32, #tpu.memory_space<vmem>>
    %dma_start3A_67 = arith.constant 0 : i32
    %dma_start3A_68 = tpu.memref_slice %arg3[%dma_start3A_67, %multiple_of3A_58] : memref<32x1000000xf32, #tpu.memory_space<hbm>> -> memref<32x128xf32, #tpu.memory_space<hbm>>
    tpu.enqueue_dma source(%dma_start3A_68 : memref<32x128xf32, #tpu.memory_space<hbm>>) target(%dma_start3A_66 : memref<32x128xf32, #tpu.memory_space<vmem>>) target_semaphore(%arg11 : memref<!tpu.dma_semaphore, #tpu.memory_space<semaphore_mem>>)
    %slice3A_69 = vector.extract_strided_slice %shift_left3A_7 {offsets = [5], sizes = [1], strides = [1]} : vector<16xi32> to vector<1xi32>
    %squeeze3A_70 = vector.extract %slice3A_69[0] : i32 from vector<1xi32>
    %multiple_of3A_71 = tpu.assume_multiple %squeeze3A_70, 128 : i32
    %dma_start3A_72 = arith.constant 160 : i32
    %dma_start3A_73 = arith.constant 0 : i32
    %dma_start3A_74 = tpu.memref_slice %arg8[%dma_start3A_72, %dma_start3A_73] : memref<768x128xf32, #tpu.memory_space<vmem>> -> memref<32x128xf32, #tpu.memory_space<vmem>>
    %dma_start3A_75 = arith.constant 0 : i32
    %dma_start3A_76 = tpu.memref_slice %arg3[%dma_start3A_75, %multiple_of3A_71] : memref<32x1000000xf32, #tpu.memory_space<hbm>> -> memref<32x128xf32, #tpu.memory_space<hbm>>
    %dma_start3A_77 = arith.constant 160 : i32
    %dma_start3A_78 = arith.constant 0 : i32
    %dma_start3A_79 = tpu.memref_slice %arg8[%dma_start3A_77, %dma_start3A_78] : memref<768x128xf32, #tpu.memory_space<vmem>> -> memref<32x128xf32, #tpu.memory_space<vmem>>
    %dma_start3A_80 = arith.constant 0 : i32
    %dma_start3A_81 = tpu.memref_slice %arg3[%dma_start3A_80, %multiple_of3A_71] : memref<32x1000000xf32, #tpu.memory_space<hbm>> -> memref<32x128xf32, #tpu.memory_space<hbm>>
    tpu.enqueue_dma source(%dma_start3A_81 : memref<32x128xf32, #tpu.memory_space<hbm>>) target(%dma_start3A_79 : memref<32x128xf32, #tpu.memory_space<vmem>>) target_semaphore(%arg11 : memref<!tpu.dma_semaphore, #tpu.memory_space<semaphore_mem>>)
    %slice3A_82 = vector.extract_strided_slice %shift_left3A_7 {offsets = [6], sizes = [1], strides = [1]} : vector<16xi32> to vector<1xi32>
    %squeeze3A_83 = vector.extract %slice3A_82[0] : i32 from vector<1xi32>
    %multiple_of3A_84 = tpu.assume_multiple %squeeze3A_83, 128 : i32
    %dma_start3A_85 = arith.constant 192 : i32
    %dma_start3A_86 = arith.constant 0 : i32
    %dma_start3A_87 = tpu.memref_slice %arg8[%dma_start3A_85, %dma_start3A_86] : memref<768x128xf32, #tpu.memory_space<vmem>> -> memref<32x128xf32, #tpu.memory_space<vmem>>
    %dma_start3A_88 = arith.constant 0 : i32
    %dma_start3A_89 = tpu.memref_slice %arg3[%dma_start3A_88, %multiple_of3A_84] : memref<32x1000000xf32, #tpu.memory_space<hbm>> -> memref<32x128xf32, #tpu.memory_space<hbm>>
    %dma_start3A_90 = arith.constant 192 : i32
    %dma_start3A_91 = arith.constant 0 : i32
    %dma_start3A_92 = tpu.memref_slice %arg8[%dma_start3A_90, %dma_start3A_91] : memref<768x128xf32, #tpu.memory_space<vmem>> -> memref<32x128xf32, #tpu.memory_space<vmem>>
    %dma_start3A_93 = arith.constant 0 : i32
    %dma_start3A_94 = tpu.memref_slice %arg3[%dma_start3A_93, %multiple_of3A_84] : memref<32x1000000xf32, #tpu.memory_space<hbm>> -> memref<32x128xf32, #tpu.memory_space<hbm>>
    tpu.enqueue_dma source(%dma_start3A_94 : memref<32x128xf32, #tpu.memory_space<hbm>>) target(%dma_start3A_92 : memref<32x128xf32, #tpu.memory_space<vmem>>) target_semaphore(%arg11 : memref<!tpu.dma_semaphore, #tpu.memory_space<semaphore_mem>>)
    %slice3A_95 = vector.extract_strided_slice %shift_left3A_7 {offsets = [7], sizes = [1], strides = [1]} : vector<16xi32> to vector<1xi32>
    %squeeze3A_96 = vector.extract %slice3A_95[0] : i32 from vector<1xi32>
    %multiple_of3A_97 = tpu.assume_multiple %squeeze3A_96, 128 : i32
    %dma_start3A_98 = arith.constant 224 : i32
    %dma_start3A_99 = arith.constant 0 : i32
    %dma_start3A_100 = tpu.memref_slice %arg8[%dma_start3A_98, %dma_start3A_99] : memref<768x128xf32, #tpu.memory_space<vmem>> -> memref<32x128xf32, #tpu.memory_space<vmem>>
    %dma_start3A_101 = arith.constant 0 : i32
    %dma_start3A_102 = tpu.memref_slice %arg3[%dma_start3A_101, %multiple_of3A_97] : memref<32x1000000xf32, #tpu.memory_space<hbm>> -> memref<32x128xf32, #tpu.memory_space<hbm>>
    %dma_start3A_103 = arith.constant 224 : i32
    %dma_start3A_104 = arith.constant 0 : i32
    %dma_start3A_105 = tpu.memref_slice %arg8[%dma_start3A_103, %dma_start3A_104] : memref<768x128xf32, #tpu.memory_space<vmem>> -> memref<32x128xf32, #tpu.memory_space<vmem>>
    %dma_start3A_106 = arith.constant 0 : i32
    %dma_start3A_107 = tpu.memref_slice %arg3[%dma_start3A_106, %multiple_of3A_97] : memref<32x1000000xf32, #tpu.memory_space<hbm>> -> memref<32x128xf32, #tpu.memory_space<hbm>>
    tpu.enqueue_dma source(%dma_start3A_107 : memref<32x128xf32, #tpu.memory_space<hbm>>) target(%dma_start3A_105 : memref<32x128xf32, #tpu.memory_space<vmem>>) target_semaphore(%arg11 : memref<!tpu.dma_semaphore, #tpu.memory_space<semaphore_mem>>)
    %get3A_108 = arith.constant 8 : index
    %get3A_109 = tpu.vector_load %arg7[%get3A_108] {strides = array<i32>} : memref<528xi32, #tpu.memory_space<vmem>>, vector<16xi32>,
    %shift_right_arithmetic3A_110 = arith.constant 7 : i32
    %shift_right_arithmetic3A_111 = vector.broadcast %shift_right_arithmetic3A_110 : i32 to vector<16xi32>
    %shift_right_arithmetic3A_112 = arith.shrsi %get3A_109, %shift_right_arithmetic3A_111 : vector<16xi32>
    %shift_left3A_113 = arith.constant 7 : i32
    %shift_left3A_114 = vector.broadcast %shift_left3A_113 : i32 to vector<16xi32>
    %shift_left3A_115 = arith.shli %shift_right_arithmetic3A_112, %shift_left3A_114 : vector<16xi32>
    %slice3A_116 = vector.extract_strided_slice %shift_left3A_115 {offsets = [0], sizes = [1], strides = [1]} : vector<16xi32> to vector<1xi32>
    %squeeze3A_117 = vector.extract %slice3A_116[0] : i32 from vector<1xi32>
    %multiple_of3A_118 = tpu.assume_multiple %squeeze3A_117, 128 : i32
    %dma_start3A_119 = arith.constant 256 : i32
    %dma_start3A_120 = arith.constant 0 : i32
    %dma_start3A_121 = tpu.memref_slice %arg8[%dma_start3A_119, %dma_start3A_120] : memref<768x128xf32, #tpu.memory_space<vmem>> -> memref<32x128xf32, #tpu.memory_space<vmem>>
    %dma_start3A_122 = arith.constant 0 : i32
    %dma_start3A_123 = tpu.memref_slice %arg3[%dma_start3A_122, %multiple_of3A_118] : memref<32x1000000xf32, #tpu.memory_space<hbm>> -> memref<32x128xf32, #tpu.memory_space<hbm>>
    %dma_start3A_124 = arith.constant 256 : i32
    %dma_start3A_125 = arith.constant 0 : i32
    %dma_start3A_126 = tpu.memref_slice %arg8[%dma_start3A_124, %dma_start3A_125] : memref<768x128xf32, #tpu.memory_space<vmem>> -> memref<32x128xf32, #tpu.memory_space<vmem>>
    %dma_start3A_127 = arith.constant 0 : i32
    %dma_start3A_128 = tpu.memref_slice %arg3[%dma_start3A_127, %multiple_of3A_118] : memref<32x1000000xf32, #tpu.memory_space<hbm>> -> memref<32x128xf32, #tpu.memory_space<hbm>>
    tpu.enqueue_dma source(%dma_start3A_128 : memref<32x128xf32, #tpu.memory_space<hbm>>) target(%dma_start3A_126 : memref<32x128xf32, #tpu.memory_space<vmem>>) target_semaphore(%arg12 : memref<!tpu.dma_semaphore, #tpu.memory_space<semaphore_mem>>)
    %slice3A_129 = vector.extract_strided_slice %shift_left3A_115 {offsets = [1], sizes = [1], strides = [1]} : vector<16xi32> to vector<1xi32>
    %squeeze3A_130 = vector.extract %slice3A_129[0] : i32 from vector<1xi32>
    %multiple_of3A_131 = tpu.assume_multiple %squeeze3A_130, 128 : i32
    %dma_start3A_132 = arith.constant 288 : i32
    %dma_start3A_133 = arith.constant 0 : i32
    %dma_start3A_134 = tpu.memref_slice %arg8[%dma_start3A_132, %dma_start3A_133] : memref<768x128xf32, #tpu.memory_space<vmem>> -> memref<32x128xf32, #tpu.memory_space<vmem>>
    %dma_start3A_135 = arith.constant 0 : i32
    %dma_start3A_136 = tpu.memref_slice %arg3[%dma_start3A_135, %multiple_of3A_131] : memref<32x1000000xf32, #tpu.memory_space<hbm>> -> memref<32x128xf32, #tpu.memory_space<hbm>>
    %dma_start3A_137 = arith.constant 288 : i32
    %dma_start3A_138 = arith.constant 0 : i32
    %dma_start3A_139 = tpu.memref_slice %arg8[%dma_start3A_137, %dma_start3A_138] : memref<768x128xf32, #tpu.memory_space<vmem>> -> memref<32x128xf32, #tpu.memory_space<vmem>>
    %dma_start3A_140 = arith.constant 0 : i32
    %dma_start3A_141 = tpu.memref_slice %arg3[%dma_start3A_140, %multiple_of3A_131] : memref<32x1000000xf32, #tpu.memory_space<hbm>> -> memref<32x128xf32, #tpu.memory_space<hbm>>
    tpu.enqueue_dma source(%dma_start3A_141 : memref<32x128xf32, #tpu.memory_space<hbm>>) target(%dma_start3A_139 : memref<32x128xf32, #tpu.memory_space<vmem>>) target_semaphore(%arg12 : memref<!tpu.dma_semaphore, #tpu.memory_space<semaphore_mem>>)
    %slice3A_142 = vector.extract_strided_slice %shift_left3A_115 {offsets = [2], sizes = [1], strides = [1]} : vector<16xi32> to vector<1xi32>
    %squeeze3A_143 = vector.extract %slice3A_142[0] : i32 from vector<1xi32>
    %multiple_of3A_144 = tpu.assume_multiple %squeeze3A_143, 128 : i32
    %dma_start3A_145 = arith.constant 320 : i32
    %dma_start3A_146 = arith.constant 0 : i32
    %dma_start3A_147 = tpu.memref_slice %arg8[%dma_start3A_145, %dma_start3A_146] : memref<768x128xf32, #tpu.memory_space<vmem>> -> memref<32x128xf32, #tpu.memory_space<vmem>>
    %dma_start3A_148 = arith.constant 0 : i32
    %dma_start3A_149 = tpu.memref_slice %arg3[%dma_start3A_148, %multiple_of3A_144] : memref<32x1000000xf32, #tpu.memory_space<hbm>> -> memref<32x128xf32, #tpu.memory_space<hbm>>
    %dma_start3A_150 = arith.constant 320 : i32
    %dma_start3A_151 = arith.constant 0 : i32
    %dma_start3A_152 = tpu.memref_slice %arg8[%dma_start3A_150, %dma_start3A_151] : memref<768x128xf32, #tpu.memory_space<vmem>> -> memref<32x128xf32, #tpu.memory_space<vmem>>
    %dma_start3A_153 = arith.constant 0 : i32
    %dma_start3A_154 = tpu.memref_slice %arg3[%dma_start3A_153, %multiple_of3A_144] : memref<32x1000000xf32, #tpu.memory_space<hbm>> -> memref<32x128xf32, #tpu.memory_space<hbm>>
    tpu.enqueue_dma source(%dma_start3A_154 : memref<32x128xf32, #tpu.memory_space<hbm>>) target(%dma_start3A_152 : memref<32x128xf32, #tpu.memory_space<vmem>>) target_semaphore(%arg12 : memref<!tpu.dma_semaphore, #tpu.memory_space<semaphore_mem>>)
    %slice3A_155 = vector.extract_strided_slice %shift_left3A_115 {offsets = [3], sizes = [1], strides = [1]} : vector<16xi32> to vector<1xi32>
    %squeeze3A_156 = vector.extract %slice3A_155[0] : i32 from vector<1xi32>
    %multiple_of3A_157 = tpu.assume_multiple %squeeze3A_156, 128 : i32
    %dma_start3A_158 = arith.constant 352 : i32
    %dma_start3A_159 = arith.constant 0 : i32
    %dma_start3A_160 = tpu.memref_slice %arg8[%dma_start3A_158, %dma_start3A_159] : memref<768x128xf32, #tpu.memory_space<vmem>> -> memref<32x128xf32, #tpu.memory_space<vmem>>
    %dma_start3A_161 = arith.constant 0 : i32
    %dma_start3A_162 = tpu.memref_slice %arg3[%dma_start3A_161, %multiple_of3A_157] : memref<32x1000000xf32, #tpu.memory_space<hbm>> -> memref<32x128xf32, #tpu.memory_space<hbm>>
    %dma_start3A_163 = arith.constant 352 : i32
    %dma_start3A_164 = arith.constant 0 : i32
    %dma_start3A_165 = tpu.memref_slice %arg8[%dma_start3A_163, %dma_start3A_164] : memref<768x128xf32, #tpu.memory_space<vmem>> -> memref<32x128xf32, #tpu.memory_space<vmem>>
    %dma_start3A_166 = arith.constant 0 : i32
    %dma_start3A_167 = tpu.memref_slice %arg3[%dma_start3A_166, %multiple_of3A_157] : memref<32x1000000xf32, #tpu.memory_space<hbm>> -> memref<32x128xf32, #tpu.memory_space<hbm>>
    tpu.enqueue_dma source(%dma_start3A_167 : memref<32x128xf32, #tpu.memory_space<hbm>>) target(%dma_start3A_165 : memref<32x128xf32, #tpu.memory_space<vmem>>) target_semaphore(%arg12 : memref<!tpu.dma_semaphore, #tpu.memory_space<semaphore_mem>>)
    %slice3A_168 = vector.extract_strided_slice %shift_left3A_115 {offsets = [4], sizes = [1], strides = [1]} : vector<16xi32> to vector<1xi32>
    %squeeze3A_169 = vector.extract %slice3A_168[0] : i32 from vector<1xi32>
    %multiple_of3A_170 = tpu.assume_multiple %squeeze3A_169, 128 : i32
    %dma_start3A_171 = arith.constant 384 : i32
    %dma_start3A_172 = arith.constant 0 : i32
    %dma_start3A_173 = tpu.memref_slice %arg8[%dma_start3A_171, %dma_start3A_172] : memref<768x128xf32, #tpu.memory_space<vmem>> -> memref<32x128xf32, #tpu.memory_space<vmem>>
    %dma_start3A_174 = arith.constant 0 : i32
    %dma_start3A_175 = tpu.memref_slice %arg3[%dma_start3A_174, %multiple_of3A_170] : memref<32x1000000xf32, #tpu.memory_space<hbm>> -> memref<32x128xf32, #tpu.memory_space<hbm>>
    %dma_start3A_176 = arith.constant 384 : i32
    %dma_start3A_177 = arith.constant 0 : i32
    %dma_start3A_178 = tpu.memref_slice %arg8[%dma_start3A_176, %dma_start3A_177] : memref<768x128xf32, #tpu.memory_space<vmem>> -> memref<32x128xf32, #tpu.memory_space<vmem>>
    %dma_start3A_179 = arith.constant 0 : i32
    %dma_start3A_180 = tpu.memref_slice %arg3[%dma_start3A_179, %multiple_of3A_170] : memref<32x1000000xf32, #tpu.memory_space<hbm>> -> memref<32x128xf32, #tpu.memory_space<hbm>>
    tpu.enqueue_dma source(%dma_start3A_180 : memref<32x128xf32, #tpu.memory_space<hbm>>) target(%dma_start3A_178 : memref<32x128xf32, #tpu.memory_space<vmem>>) target_semaphore(%arg12 : memref<!tpu.dma_semaphore, #tpu.memory_space<semaphore_mem>>)
    %slice3A_181 = vector.extract_strided_slice %shift_left3A_115 {offsets = [5], sizes = [1], strides = [1]} : vector<16xi32> to vector<1xi32>
    %squeeze3A_182 = vector.extract %slice3A_181[0] : i32 from vector<1xi32>
    %multiple_of3A_183 = tpu.assume_multiple %squeeze3A_182, 128 : i32
    %dma_start3A_184 = arith.constant 416 : i32
    %dma_start3A_185 = arith.constant 0 : i32
    %dma_start3A_186 = tpu.memref_slice %arg8[%dma_start3A_184, %dma_start3A_185] : memref<768x128xf32, #tpu.memory_space<vmem>> -> memref<32x128xf32, #tpu.memory_space<vmem>>
    %dma_start3A_187 = arith.constant 0 : i32
    %dma_start3A_188 = tpu.memref_slice %arg3[%dma_start3A_187, %multiple_of3A_183] : memref<32x1000000xf32, #tpu.memory_space<hbm>> -> memref<32x128xf32, #tpu.memory_space<hbm>>
    %dma_start3A_189 = arith.constant 416 : i32
    %dma_start3A_190 = arith.constant 0 : i32
    %dma_start3A_191 = tpu.memref_slice %arg8[%dma_start3A_189, %dma_start3A_190] : memref<768x128xf32, #tpu.memory_space<vmem>> -> memref<32x128xf32, #tpu.memory_space<vmem>>
    %dma_start3A_192 = arith.constant 0 : i32
    %dma_start3A_193 = tpu.memref_slice %arg3[%dma_start3A_192, %multiple_of3A_183] : memref<32x1000000xf32, #tpu.memory_space<hbm>> -> memref<32x128xf32, #tpu.memory_space<hbm>>
    tpu.enqueue_dma source(%dma_start3A_193 : memref<32x128xf32, #tpu.memory_space<hbm>>) target(%dma_start3A_191 : memref<32x128xf32, #tpu.memory_space<vmem>>) target_semaphore(%arg12 : memref<!tpu.dma_semaphore, #tpu.memory_space<semaphore_mem>>)
    %slice3A_194 = vector.extract_strided_slice %shift_left3A_115 {offsets = [6], sizes = [1], strides = [1]} : vector<16xi32> to vector<1xi32>
    %squeeze3A_195 = vector.extract %slice3A_194[0] : i32 from vector<1xi32>
    %multiple_of3A_196 = tpu.assume_multiple %squeeze3A_195, 128 : i32
    %dma_start3A_197 = arith.constant 448 : i32
    %dma_start3A_198 = arith.constant 0 : i32
    %dma_start3A_199 = tpu.memref_slice %arg8[%dma_start3A_197, %dma_start3A_198] : memref<768x128xf32, #tpu.memory_space<vmem>> -> memref<32x128xf32, #tpu.memory_space<vmem>>
    %dma_start3A_200 = arith.constant 0 : i32
    %dma_start3A_201 = tpu.memref_slice %arg3[%dma_start3A_200, %multiple_of3A_196] : memref<32x1000000xf32, #tpu.memory_space<hbm>> -> memref<32x128xf32, #tpu.memory_space<hbm>>
    %dma_start3A_202 = arith.constant 448 : i32
    %dma_start3A_203 = arith.constant 0 : i32
    %dma_start3A_204 = tpu.memref_slice %arg8[%dma_start3A_202, %dma_start3A_203] : memref<768x128xf32, #tpu.memory_space<vmem>> -> memref<32x128xf32, #tpu.memory_space<vmem>>
    %dma_start3A_205 = arith.constant 0 : i32
    %dma_start3A_206 = tpu.memref_slice %arg3[%dma_start3A_205, %multiple_of3A_196] : memref<32x1000000xf32, #tpu.memory_space<hbm>> -> memref<32x128xf32, #tpu.memory_space<hbm>>
    tpu.enqueue_dma source(%dma_start3A_206 : memref<32x128xf32, #tpu.memory_space<hbm>>) target(%dma_start3A_204 : memref<32x128xf32, #tpu.memory_space<vmem>>) target_semaphore(%arg12 : memref<!tpu.dma_semaphore, #tpu.memory_space<semaphore_mem>>)
    %slice3A_207 = vector.extract_strided_slice %shift_left3A_115 {offsets = [7], sizes = [1], strides = [1]} : vector<16xi32> to vector<1xi32>
    %squeeze3A_208 = vector.extract %slice3A_207[0] : i32 from vector<1xi32>
    %multiple_of3A_209 = tpu.assume_multiple %squeeze3A_208, 128 : i32
    %dma_start3A_210 = arith.constant 480 : i32
    %dma_start3A_211 = arith.constant 0 : i32
    %dma_start3A_212 = tpu.memref_slice %arg8[%dma_start3A_210, %dma_start3A_211] : memref<768x128xf32, #tpu.memory_space<vmem>> -> memref<32x128xf32, #tpu.memory_space<vmem>>
    %dma_start3A_213 = arith.constant 0 : i32
    %dma_start3A_214 = tpu.memref_slice %arg3[%dma_start3A_213, %multiple_of3A_209] : memref<32x1000000xf32, #tpu.memory_space<hbm>> -> memref<32x128xf32, #tpu.memory_space<hbm>>
    %dma_start3A_215 = arith.constant 480 : i32
    %dma_start3A_216 = arith.constant 0 : i32
    %dma_start3A_217 = tpu.memref_slice %arg8[%dma_start3A_215, %dma_start3A_216] : memref<768x128xf32, #tpu.memory_space<vmem>> -> memref<32x128xf32, #tpu.memory_space<vmem>>
    %dma_start3A_218 = arith.constant 0 : i32
    %dma_start3A_219 = tpu.memref_slice %arg3[%dma_start3A_218, %multiple_of3A_209] : memref<32x1000000xf32, #tpu.memory_space<hbm>> -> memref<32x128xf32, #tpu.memory_space<hbm>>
    tpu.enqueue_dma source(%dma_start3A_219 : memref<32x128xf32, #tpu.memory_space<hbm>>) target(%dma_start3A_217 : memref<32x128xf32, #tpu.memory_space<vmem>>) target_semaphore(%arg12 : memref<!tpu.dma_semaphore, #tpu.memory_space<semaphore_mem>>)
    %scan3A = arith.constant 0 : i32
    %scan3A_220 = arith.constant 21 : i32
    %scan3A_221 = arith.addi %scan3A, %scan3A_220 : i32
    %scan3A_222 = arith.constant 1 : i32
    scf.for %scan3A_501 = %scan3A to %scan3A_221 step %scan3A_222  : i32 {
      %mul3A_502 = arith.constant 1 : i32
      %mul3A_503 = arith.muli %scan3A_501, %mul3A_502 : i32
      %add3A_504 = arith.constant 0 : i32
      %add3A_505 = arith.addi %add3A_504, %mul3A_503 : i32
      %mul3A_506 = arith.constant 3 : i32
      %mul3A_507 = arith.muli %add3A_505, %mul3A_506 : i32
      %add3A_508 = arith.constant 0 : i32
      %add3A_509 = arith.addi %mul3A_507, %add3A_508 : i32
      %add3A_510 = arith.constant 2 : i32
      %add3A_511 = arith.addi %add3A_509, %add3A_510 : i32
      %lt3A = arith.constant 64 : i32
      %lt3A_512 = arith.cmpi slt, %add3A_511, %lt3A : i32
      %add3A_513 = arith.constant 2 : i32
      %add3A_514 = arith.addi %add3A_509, %add3A_513 : i32
      %convert_element_type3A_515 = arith.extui %lt3A_512 : i1 to i32
      %cond3A_516 = arith.constant 0 : i32
      %cond3A_517 = arith.cmpi ne, %convert_element_type3A_515, %cond3A_516 : i32
      scf.if %cond3A_517 {
        %mul3A_1453 = arith.constant 8 : i32
        %mul3A_1454 = arith.muli %add3A_514, %mul3A_1453 : i32
        %get3A_1455 = arith.index_cast %mul3A_1454 : i32 to index
        %get3A_1456 = tpu.vector_load %arg7[%get3A_1455] {strides = array<i32>} : memref<528xi32, #tpu.memory_space<vmem>>, vector<16xi32>,
        %shift_right_arithmetic3A_1457 = arith.constant 7 : i32
        %shift_right_arithmetic3A_1458 = vector.broadcast %shift_right_arithmetic3A_1457 : i32 to vector<16xi32>
        %shift_right_arithmetic3A_1459 = arith.shrsi %get3A_1456, %shift_right_arithmetic3A_1458 : vector<16xi32>
        %shift_left3A_1460 = arith.constant 7 : i32
        %shift_left3A_1461 = vector.broadcast %shift_left3A_1460 : i32 to vector<16xi32>
        %shift_left3A_1462 = arith.shli %shift_right_arithmetic3A_1459, %shift_left3A_1461 : vector<16xi32>
        %slice3A_1463 = vector.extract_strided_slice %shift_left3A_1462 {offsets = [0], sizes = [1], strides = [1]} : vector<16xi32> to vector<1xi32>
        %squeeze3A_1464 = vector.extract %slice3A_1463[0] : i32 from vector<1xi32>
        %multiple_of3A_1465 = tpu.assume_multiple %squeeze3A_1464, 128 : i32
        %dma_start3A_1466 = arith.constant 512 : i32
        %dma_start3A_1467 = arith.constant 0 : i32
        %dma_start3A_1468 = tpu.memref_slice %arg8[%dma_start3A_1466, %dma_start3A_1467] : memref<768x128xf32, #tpu.memory_space<vmem>> -> memref<32x128xf32, #tpu.memory_space<vmem>>
        %dma_start3A_1469 = arith.constant 0 : i32
        %dma_start3A_1470 = tpu.memref_slice %arg3[%dma_start3A_1469, %multiple_of3A_1465] : memref<32x1000000xf32, #tpu.memory_space<hbm>> -> memref<32x128xf32, #tpu.memory_space<hbm>>
        %dma_start3A_1471 = arith.constant 512 : i32
        %dma_start3A_1472 = arith.constant 0 : i32
        %dma_start3A_1473 = tpu.memref_slice %arg8[%dma_start3A_1471, %dma_start3A_1472] : memref<768x128xf32, #tpu.memory_space<vmem>> -> memref<32x128xf32, #tpu.memory_space<vmem>>
        %dma_start3A_1474 = arith.constant 0 : i32
        %dma_start3A_1475 = tpu.memref_slice %arg3[%dma_start3A_1474, %multiple_of3A_1465] : memref<32x1000000xf32, #tpu.memory_space<hbm>> -> memref<32x128xf32, #tpu.memory_space<hbm>>
        tpu.enqueue_dma source(%dma_start3A_1475 : memref<32x128xf32, #tpu.memory_space<hbm>>) target(%dma_start3A_1473 : memref<32x128xf32, #tpu.memory_space<vmem>>) target_semaphore(%arg13 : memref<!tpu.dma_semaphore, #tpu.memory_space<semaphore_mem>>)
        %slice3A_1476 = vector.extract_strided_slice %shift_left3A_1462 {offsets = [1], sizes = [1], strides = [1]} : vector<16xi32> to vector<1xi32>
        %squeeze3A_1477 = vector.extract %slice3A_1476[0] : i32 from vector<1xi32>
        %multiple_of3A_1478 = tpu.assume_multiple %squeeze3A_1477, 128 : i32
        %dma_start3A_1479 = arith.constant 544 : i32
        %dma_start3A_1480 = arith.constant 0 : i32
        %dma_start3A_1481 = tpu.memref_slice %arg8[%dma_start3A_1479, %dma_start3A_1480] : memref<768x128xf32, #tpu.memory_space<vmem>> -> memref<32x128xf32, #tpu.memory_space<vmem>>
        %dma_start3A_1482 = arith.constant 0 : i32
        %dma_start3A_1483 = tpu.memref_slice %arg3[%dma_start3A_1482, %multiple_of3A_1478] : memref<32x1000000xf32, #tpu.memory_space<hbm>> -> memref<32x128xf32, #tpu.memory_space<hbm>>
        %dma_start3A_1484 = arith.constant 544 : i32
        %dma_start3A_1485 = arith.constant 0 : i32
        %dma_start3A_1486 = tpu.memref_slice %arg8[%dma_start3A_1484, %dma_start3A_1485] : memref<768x128xf32, #tpu.memory_space<vmem>> -> memref<32x128xf32, #tpu.memory_space<vmem>>
        %dma_start3A_1487 = arith.constant 0 : i32
        %dma_start3A_1488 = tpu.memref_slice %arg3[%dma_start3A_1487, %multiple_of3A_1478] : memref<32x1000000xf32, #tpu.memory_space<hbm>> -> memref<32x128xf32, #tpu.memory_space<hbm>>
        tpu.enqueue_dma source(%dma_start3A_1488 : memref<32x128xf32, #tpu.memory_space<hbm>>) target(%dma_start3A_1486 : memref<32x128xf32, #tpu.memory_space<vmem>>) target_semaphore(%arg13 : memref<!tpu.dma_semaphore, #tpu.memory_space<semaphore_mem>>)
        %slice3A_1489 = vector.extract_strided_slice %shift_left3A_1462 {offsets = [2], sizes = [1], strides = [1]} : vector<16xi32> to vector<1xi32>
        %squeeze3A_1490 = vector.extract %slice3A_1489[0] : i32 from vector<1xi32>
        %multiple_of3A_1491 = tpu.assume_multiple %squeeze3A_1490, 128 : i32
        %dma_start3A_1492 = arith.constant 576 : i32
        %dma_start3A_1493 = arith.constant 0 : i32
        %dma_start3A_1494 = tpu.memref_slice %arg8[%dma_start3A_1492, %dma_start3A_1493] : memref<768x128xf32, #tpu.memory_space<vmem>> -> memref<32x128xf32, #tpu.memory_space<vmem>>
        %dma_start3A_1495 = arith.constant 0 : i32
        %dma_start3A_1496 = tpu.memref_slice %arg3[%dma_start3A_1495, %multiple_of3A_1491] : memref<32x1000000xf32, #tpu.memory_space<hbm>> -> memref<32x128xf32, #tpu.memory_space<hbm>>
        %dma_start3A_1497 = arith.constant 576 : i32
        %dma_start3A_1498 = arith.constant 0 : i32
        %dma_start3A_1499 = tpu.memref_slice %arg8[%dma_start3A_1497, %dma_start3A_1498] : memref<768x128xf32, #tpu.memory_space<vmem>> -> memref<32x128xf32, #tpu.memory_space<vmem>>
        %dma_start3A_1500 = arith.constant 0 : i32
        %dma_start3A_1501 = tpu.memref_slice %arg3[%dma_start3A_1500, %multiple_of3A_1491] : memref<32x1000000xf32, #tpu.memory_space<hbm>> -> memref<32x128xf32, #tpu.memory_space<hbm>>
        tpu.enqueue_dma source(%dma_start3A_1501 : memref<32x128xf32, #tpu.memory_space<hbm>>) target(%dma_start3A_1499 : memref<32x128xf32, #tpu.memory_space<vmem>>) target_semaphore(%arg13 : memref<!tpu.dma_semaphore, #tpu.memory_space<semaphore_mem>>)
        %slice3A_1502 = vector.extract_strided_slice %shift_left3A_1462 {offsets = [3], sizes = [1], strides = [1]} : vector<16xi32> to vector<1xi32>
        %squeeze3A_1503 = vector.extract %slice3A_1502[0] : i32 from vector<1xi32>
        %multiple_of3A_1504 = tpu.assume_multiple %squeeze3A_1503, 128 : i32
        %dma_start3A_1505 = arith.constant 608 : i32
        %dma_start3A_1506 = arith.constant 0 : i32
        %dma_start3A_1507 = tpu.memref_slice %arg8[%dma_start3A_1505, %dma_start3A_1506] : memref<768x128xf32, #tpu.memory_space<vmem>> -> memref<32x128xf32, #tpu.memory_space<vmem>>
        %dma_start3A_1508 = arith.constant 0 : i32
        %dma_start3A_1509 = tpu.memref_slice %arg3[%dma_start3A_1508, %multiple_of3A_1504] : memref<32x1000000xf32, #tpu.memory_space<hbm>> -> memref<32x128xf32, #tpu.memory_space<hbm>>
        %dma_start3A_1510 = arith.constant 608 : i32
        %dma_start3A_1511 = arith.constant 0 : i32
        %dma_start3A_1512 = tpu.memref_slice %arg8[%dma_start3A_1510, %dma_start3A_1511] : memref<768x128xf32, #tpu.memory_space<vmem>> -> memref<32x128xf32, #tpu.memory_space<vmem>>
        %dma_start3A_1513 = arith.constant 0 : i32
        %dma_start3A_1514 = tpu.memref_slice %arg3[%dma_start3A_1513, %multiple_of3A_1504] : memref<32x1000000xf32, #tpu.memory_space<hbm>> -> memref<32x128xf32, #tpu.memory_space<hbm>>
        tpu.enqueue_dma source(%dma_start3A_1514 : memref<32x128xf32, #tpu.memory_space<hbm>>) target(%dma_start3A_1512 : memref<32x128xf32, #tpu.memory_space<vmem>>) target_semaphore(%arg13 : memref<!tpu.dma_semaphore, #tpu.memory_space<semaphore_mem>>)
        %slice3A_1515 = vector.extract_strided_slice %shift_left3A_1462 {offsets = [4], sizes = [1], strides = [1]} : vector<16xi32> to vector<1xi32>
        %squeeze3A_1516 = vector.extract %slice3A_1515[0] : i32 from vector<1xi32>
        %multiple_of3A_1517 = tpu.assume_multiple %squeeze3A_1516, 128 : i32
        %dma_start3A_1518 = arith.constant 640 : i32
        %dma_start3A_1519 = arith.constant 0 : i32
        %dma_start3A_1520 = tpu.memref_slice %arg8[%dma_start3A_1518, %dma_start3A_1519] : memref<768x128xf32, #tpu.memory_space<vmem>> -> memref<32x128xf32, #tpu.memory_space<vmem>>
        %dma_start3A_1521 = arith.constant 0 : i32
        %dma_start3A_1522 = tpu.memref_slice %arg3[%dma_start3A_1521, %multiple_of3A_1517] : memref<32x1000000xf32, #tpu.memory_space<hbm>> -> memref<32x128xf32, #tpu.memory_space<hbm>>
        %dma_start3A_1523 = arith.constant 640 : i32
        %dma_start3A_1524 = arith.constant 0 : i32
        %dma_start3A_1525 = tpu.memref_slice %arg8[%dma_start3A_1523, %dma_start3A_1524] : memref<768x128xf32, #tpu.memory_space<vmem>> -> memref<32x128xf32, #tpu.memory_space<vmem>>
        %dma_start3A_1526 = arith.constant 0 : i32
        %dma_start3A_1527 = tpu.memref_slice %arg3[%dma_start3A_1526, %multiple_of3A_1517] : memref<32x1000000xf32, #tpu.memory_space<hbm>> -> memref<32x128xf32, #tpu.memory_space<hbm>>
        tpu.enqueue_dma source(%dma_start3A_1527 : memref<32x128xf32, #tpu.memory_space<hbm>>) target(%dma_start3A_1525 : memref<32x128xf32, #tpu.memory_space<vmem>>) target_semaphore(%arg13 : memref<!tpu.dma_semaphore, #tpu.memory_space<semaphore_mem>>)
        %slice3A_1528 = vector.extract_strided_slice %shift_left3A_1462 {offsets = [5], sizes = [1], strides = [1]} : vector<16xi32> to vector<1xi32>
        %squeeze3A_1529 = vector.extract %slice3A_1528[0] : i32 from vector<1xi32>
        %multiple_of3A_1530 = tpu.assume_multiple %squeeze3A_1529, 128 : i32
        %dma_start3A_1531 = arith.constant 672 : i32
        %dma_start3A_1532 = arith.constant 0 : i32
        %dma_start3A_1533 = tpu.memref_slice %arg8[%dma_start3A_1531, %dma_start3A_1532] : memref<768x128xf32, #tpu.memory_space<vmem>> -> memref<32x128xf32, #tpu.memory_space<vmem>>
        %dma_start3A_1534 = arith.constant 0 : i32
        %dma_start3A_1535 = tpu.memref_slice %arg3[%dma_start3A_1534, %multiple_of3A_1530] : memref<32x1000000xf32, #tpu.memory_space<hbm>> -> memref<32x128xf32, #tpu.memory_space<hbm>>
        %dma_start3A_1536 = arith.constant 672 : i32
        %dma_start3A_1537 = arith.constant 0 : i32
        %dma_start3A_1538 = tpu.memref_slice %arg8[%dma_start3A_1536, %dma_start3A_1537] : memref<768x128xf32, #tpu.memory_space<vmem>> -> memref<32x128xf32, #tpu.memory_space<vmem>>
        %dma_start3A_1539 = arith.constant 0 : i32
        %dma_start3A_1540 = tpu.memref_slice %arg3[%dma_start3A_1539, %multiple_of3A_1530] : memref<32x1000000xf32, #tpu.memory_space<hbm>> -> memref<32x128xf32, #tpu.memory_space<hbm>>
        tpu.enqueue_dma source(%dma_start3A_1540 : memref<32x128xf32, #tpu.memory_space<hbm>>) target(%dma_start3A_1538 : memref<32x128xf32, #tpu.memory_space<vmem>>) target_semaphore(%arg13 : memref<!tpu.dma_semaphore, #tpu.memory_space<semaphore_mem>>)
        %slice3A_1541 = vector.extract_strided_slice %shift_left3A_1462 {offsets = [6], sizes = [1], strides = [1]} : vector<16xi32> to vector<1xi32>
        %squeeze3A_1542 = vector.extract %slice3A_1541[0] : i32 from vector<1xi32>
        %multiple_of3A_1543 = tpu.assume_multiple %squeeze3A_1542, 128 : i32
        %dma_start3A_1544 = arith.constant 704 : i32
        %dma_start3A_1545 = arith.constant 0 : i32
        %dma_start3A_1546 = tpu.memref_slice %arg8[%dma_start3A_1544, %dma_start3A_1545] : memref<768x128xf32, #tpu.memory_space<vmem>> -> memref<32x128xf32, #tpu.memory_space<vmem>>
        %dma_start3A_1547 = arith.constant 0 : i32
        %dma_start3A_1548 = tpu.memref_slice %arg3[%dma_start3A_1547, %multiple_of3A_1543] : memref<32x1000000xf32, #tpu.memory_space<hbm>> -> memref<32x128xf32, #tpu.memory_space<hbm>>
        %dma_start3A_1549 = arith.constant 704 : i32
        %dma_start3A_1550 = arith.constant 0 : i32
        %dma_start3A_1551 = tpu.memref_slice %arg8[%dma_start3A_1549, %dma_start3A_1550] : memref<768x128xf32, #tpu.memory_space<vmem>> -> memref<32x128xf32, #tpu.memory_space<vmem>>
        %dma_start3A_1552 = arith.constant 0 : i32
        %dma_start3A_1553 = tpu.memref_slice %arg3[%dma_start3A_1552, %multiple_of3A_1543] : memref<32x1000000xf32, #tpu.memory_space<hbm>> -> memref<32x128xf32, #tpu.memory_space<hbm>>
        tpu.enqueue_dma source(%dma_start3A_1553 : memref<32x128xf32, #tpu.memory_space<hbm>>) target(%dma_start3A_1551 : memref<32x128xf32, #tpu.memory_space<vmem>>) target_semaphore(%arg13 : memref<!tpu.dma_semaphore, #tpu.memory_space<semaphore_mem>>)
        %slice3A_1554 = vector.extract_strided_slice %shift_left3A_1462 {offsets = [7], sizes = [1], strides = [1]} : vector<16xi32> to vector<1xi32>
        %squeeze3A_1555 = vector.extract %slice3A_1554[0] : i32 from vector<1xi32>
        %multiple_of3A_1556 = tpu.assume_multiple %squeeze3A_1555, 128 : i32
        %dma_start3A_1557 = arith.constant 736 : i32
        %dma_start3A_1558 = arith.constant 0 : i32
        %dma_start3A_1559 = tpu.memref_slice %arg8[%dma_start3A_1557, %dma_start3A_1558] : memref<768x128xf32, #tpu.memory_space<vmem>> -> memref<32x128xf32, #tpu.memory_space<vmem>>
        %dma_start3A_1560 = arith.constant 0 : i32
        %dma_start3A_1561 = tpu.memref_slice %arg3[%dma_start3A_1560, %multiple_of3A_1556] : memref<32x1000000xf32, #tpu.memory_space<hbm>> -> memref<32x128xf32, #tpu.memory_space<hbm>>
        %dma_start3A_1562 = arith.constant 736 : i32
        %dma_start3A_1563 = arith.constant 0 : i32
        %dma_start3A_1564 = tpu.memref_slice %arg8[%dma_start3A_1562, %dma_start3A_1563] : memref<768x128xf32, #tpu.memory_space<vmem>> -> memref<32x128xf32, #tpu.memory_space<vmem>>
        %dma_start3A_1565 = arith.constant 0 : i32
        %dma_start3A_1566 = tpu.memref_slice %arg3[%dma_start3A_1565, %multiple_of3A_1556] : memref<32x1000000xf32, #tpu.memory_space<hbm>> -> memref<32x128xf32, #tpu.memory_space<hbm>>
        tpu.enqueue_dma source(%dma_start3A_1566 : memref<32x128xf32, #tpu.memory_space<hbm>>) target(%dma_start3A_1564 : memref<32x128xf32, #tpu.memory_space<vmem>>) target_semaphore(%arg13 : memref<!tpu.dma_semaphore, #tpu.memory_space<semaphore_mem>>)
      } else {
      }
      %dma_wait3A_518 = arith.constant 0 : i32
      %dma_wait3A_519 = arith.constant 0 : i32
      %dma_wait3A_520 = tpu.memref_slice %arg8[%dma_wait3A_518, %dma_wait3A_519] : memref<768x128xf32, #tpu.memory_space<vmem>> -> memref<32x128xf32, #tpu.memory_space<vmem>>
      %dma_wait3A_521 = arith.constant 0 : i32
      %dma_wait3A_522 = arith.constant 0 : i32
      %dma_wait3A_523 = tpu.memref_slice %arg3[%dma_wait3A_521, %dma_wait3A_522] : memref<32x1000000xf32, #tpu.memory_space<hbm>> -> memref<32x128xf32, #tpu.memory_space<hbm>>
      %dma_wait3A_524 = arith.constant 0 : i32
      %dma_wait3A_525 = arith.constant 0 : i32
      %dma_wait3A_526 = tpu.memref_slice %arg8[%dma_wait3A_524, %dma_wait3A_525] : memref<768x128xf32, #tpu.memory_space<vmem>> -> memref<32x128xf32, #tpu.memory_space<vmem>>
      %dma_wait3A_527 = arith.constant 0 : i32
      %dma_wait3A_528 = arith.constant 0 : i32
      %dma_wait3A_529 = tpu.memref_slice %arg3[%dma_wait3A_527, %dma_wait3A_528] : memref<32x1000000xf32, #tpu.memory_space<hbm>> -> memref<32x128xf32, #tpu.memory_space<hbm>>
      tpu.wait_dma2 semaphore(%arg11 : memref<!tpu.dma_semaphore, #tpu.memory_space<semaphore_mem>>) src(%dma_wait3A_529 : memref<32x128xf32, #tpu.memory_space<hbm>>) dst(%dma_wait3A_526 : memref<32x128xf32, #tpu.memory_space<vmem>>)
      %dma_wait3A_530 = arith.constant 32 : i32
      %dma_wait3A_531 = arith.constant 0 : i32
      %dma_wait3A_532 = tpu.memref_slice %arg8[%dma_wait3A_530, %dma_wait3A_531] : memref<768x128xf32, #tpu.memory_space<vmem>> -> memref<32x128xf32, #tpu.memory_space<vmem>>
      %dma_wait3A_533 = arith.constant 0 : i32
      %dma_wait3A_534 = arith.constant 0 : i32
      %dma_wait3A_535 = tpu.memref_slice %arg3[%dma_wait3A_533, %dma_wait3A_534] : memref<32x1000000xf32, #tpu.memory_space<hbm>> -> memref<32x128xf32, #tpu.memory_space<hbm>>
      %dma_wait3A_536 = arith.constant 32 : i32
      %dma_wait3A_537 = arith.constant 0 : i32
      %dma_wait3A_538 = tpu.memref_slice %arg8[%dma_wait3A_536, %dma_wait3A_537] : memref<768x128xf32, #tpu.memory_space<vmem>> -> memref<32x128xf32, #tpu.memory_space<vmem>>
      %dma_wait3A_539 = arith.constant 0 : i32
      %dma_wait3A_540 = arith.constant 0 : i32
      %dma_wait3A_541 = tpu.memref_slice %arg3[%dma_wait3A_539, %dma_wait3A_540] : memref<32x1000000xf32, #tpu.memory_space<hbm>> -> memref<32x128xf32, #tpu.memory_space<hbm>>
      tpu.wait_dma2 semaphore(%arg11 : memref<!tpu.dma_semaphore, #tpu.memory_space<semaphore_mem>>) src(%dma_wait3A_541 : memref<32x128xf32, #tpu.memory_space<hbm>>) dst(%dma_wait3A_538 : memref<32x128xf32, #tpu.memory_space<vmem>>)
      %dma_wait3A_542 = arith.constant 64 : i32
      %dma_wait3A_543 = arith.constant 0 : i32
      %dma_wait3A_544 = tpu.memref_slice %arg8[%dma_wait3A_542, %dma_wait3A_543] : memref<768x128xf32, #tpu.memory_space<vmem>> -> memref<32x128xf32, #tpu.memory_space<vmem>>
      %dma_wait3A_545 = arith.constant 0 : i32
      %dma_wait3A_546 = arith.constant 0 : i32
      %dma_wait3A_547 = tpu.memref_slice %arg3[%dma_wait3A_545, %dma_wait3A_546] : memref<32x1000000xf32, #tpu.memory_space<hbm>> -> memref<32x128xf32, #tpu.memory_space<hbm>>
      %dma_wait3A_548 = arith.constant 64 : i32
      %dma_wait3A_549 = arith.constant 0 : i32
      %dma_wait3A_550 = tpu.memref_slice %arg8[%dma_wait3A_548, %dma_wait3A_549] : memref<768x128xf32, #tpu.memory_space<vmem>> -> memref<32x128xf32, #tpu.memory_space<vmem>>
      %dma_wait3A_551 = arith.constant 0 : i32
      %dma_wait3A_552 = arith.constant 0 : i32
      %dma_wait3A_553 = tpu.memref_slice %arg3[%dma_wait3A_551, %dma_wait3A_552] : memref<32x1000000xf32, #tpu.memory_space<hbm>> -> memref<32x128xf32, #tpu.memory_space<hbm>>
      tpu.wait_dma2 semaphore(%arg11 : memref<!tpu.dma_semaphore, #tpu.memory_space<semaphore_mem>>) src(%dma_wait3A_553 : memref<32x128xf32, #tpu.memory_space<hbm>>) dst(%dma_wait3A_550 : memref<32x128xf32, #tpu.memory_space<vmem>>)
      %dma_wait3A_554 = arith.constant 96 : i32
      %dma_wait3A_555 = arith.constant 0 : i32
      %dma_wait3A_556 = tpu.memref_slice %arg8[%dma_wait3A_554, %dma_wait3A_555] : memref<768x128xf32, #tpu.memory_space<vmem>> -> memref<32x128xf32, #tpu.memory_space<vmem>>
      %dma_wait3A_557 = arith.constant 0 : i32
      %dma_wait3A_558 = arith.constant 0 : i32
      %dma_wait3A_559 = tpu.memref_slice %arg3[%dma_wait3A_557, %dma_wait3A_558] : memref<32x1000000xf32, #tpu.memory_space<hbm>> -> memref<32x128xf32, #tpu.memory_space<hbm>>
      %dma_wait3A_560 = arith.constant 96 : i32
      %dma_wait3A_561 = arith.constant 0 : i32
      %dma_wait3A_562 = tpu.memref_slice %arg8[%dma_wait3A_560, %dma_wait3A_561] : memref<768x128xf32, #tpu.memory_space<vmem>> -> memref<32x128xf32, #tpu.memory_space<vmem>>
      %dma_wait3A_563 = arith.constant 0 : i32
      %dma_wait3A_564 = arith.constant 0 : i32
      %dma_wait3A_565 = tpu.memref_slice %arg3[%dma_wait3A_563, %dma_wait3A_564] : memref<32x1000000xf32, #tpu.memory_space<hbm>> -> memref<32x128xf32, #tpu.memory_space<hbm>>
      tpu.wait_dma2 semaphore(%arg11 : memref<!tpu.dma_semaphore, #tpu.memory_space<semaphore_mem>>) src(%dma_wait3A_565 : memref<32x128xf32, #tpu.memory_space<hbm>>) dst(%dma_wait3A_562 : memref<32x128xf32, #tpu.memory_space<vmem>>)
      %dma_wait3A_566 = arith.constant 128 : i32
      %dma_wait3A_567 = arith.constant 0 : i32
      %dma_wait3A_568 = tpu.memref_slice %arg8[%dma_wait3A_566, %dma_wait3A_567] : memref<768x128xf32, #tpu.memory_space<vmem>> -> memref<32x128xf32, #tpu.memory_space<vmem>>
      %dma_wait3A_569 = arith.constant 0 : i32
      %dma_wait3A_570 = arith.constant 0 : i32
      %dma_wait3A_571 = tpu.memref_slice %arg3[%dma_wait3A_569, %dma_wait3A_570] : memref<32x1000000xf32, #tpu.memory_space<hbm>> -> memref<32x128xf32, #tpu.memory_space<hbm>>
      %dma_wait3A_572 = arith.constant 128 : i32
      %dma_wait3A_573 = arith.constant 0 : i32
      %dma_wait3A_574 = tpu.memref_slice %arg8[%dma_wait3A_572, %dma_wait3A_573] : memref<768x128xf32, #tpu.memory_space<vmem>> -> memref<32x128xf32, #tpu.memory_space<vmem>>
      %dma_wait3A_575 = arith.constant 0 : i32
      %dma_wait3A_576 = arith.constant 0 : i32
      %dma_wait3A_577 = tpu.memref_slice %arg3[%dma_wait3A_575, %dma_wait3A_576] : memref<32x1000000xf32, #tpu.memory_space<hbm>> -> memref<32x128xf32, #tpu.memory_space<hbm>>
      tpu.wait_dma2 semaphore(%arg11 : memref<!tpu.dma_semaphore, #tpu.memory_space<semaphore_mem>>) src(%dma_wait3A_577 : memref<32x128xf32, #tpu.memory_space<hbm>>) dst(%dma_wait3A_574 : memref<32x128xf32, #tpu.memory_space<vmem>>)
      %dma_wait3A_578 = arith.constant 160 : i32
      %dma_wait3A_579 = arith.constant 0 : i32
      %dma_wait3A_580 = tpu.memref_slice %arg8[%dma_wait3A_578, %dma_wait3A_579] : memref<768x128xf32, #tpu.memory_space<vmem>> -> memref<32x128xf32, #tpu.memory_space<vmem>>
      %dma_wait3A_581 = arith.constant 0 : i32
      %dma_wait3A_582 = arith.constant 0 : i32
      %dma_wait3A_583 = tpu.memref_slice %arg3[%dma_wait3A_581, %dma_wait3A_582] : memref<32x1000000xf32, #tpu.memory_space<hbm>> -> memref<32x128xf32, #tpu.memory_space<hbm>>
      %dma_wait3A_584 = arith.constant 160 : i32
      %dma_wait3A_585 = arith.constant 0 : i32
      %dma_wait3A_586 = tpu.memref_slice %arg8[%dma_wait3A_584, %dma_wait3A_585] : memref<768x128xf32, #tpu.memory_space<vmem>> -> memref<32x128xf32, #tpu.memory_space<vmem>>
      %dma_wait3A_587 = arith.constant 0 : i32
      %dma_wait3A_588 = arith.constant 0 : i32
      %dma_wait3A_589 = tpu.memref_slice %arg3[%dma_wait3A_587, %dma_wait3A_588] : memref<32x1000000xf32, #tpu.memory_space<hbm>> -> memref<32x128xf32, #tpu.memory_space<hbm>>
      tpu.wait_dma2 semaphore(%arg11 : memref<!tpu.dma_semaphore, #tpu.memory_space<semaphore_mem>>) src(%dma_wait3A_589 : memref<32x128xf32, #tpu.memory_space<hbm>>) dst(%dma_wait3A_586 : memref<32x128xf32, #tpu.memory_space<vmem>>)
      %dma_wait3A_590 = arith.constant 192 : i32
      %dma_wait3A_591 = arith.constant 0 : i32
      %dma_wait3A_592 = tpu.memref_slice %arg8[%dma_wait3A_590, %dma_wait3A_591] : memref<768x128xf32, #tpu.memory_space<vmem>> -> memref<32x128xf32, #tpu.memory_space<vmem>>
      %dma_wait3A_593 = arith.constant 0 : i32
      %dma_wait3A_594 = arith.constant 0 : i32
      %dma_wait3A_595 = tpu.memref_slice %arg3[%dma_wait3A_593, %dma_wait3A_594] : memref<32x1000000xf32, #tpu.memory_space<hbm>> -> memref<32x128xf32, #tpu.memory_space<hbm>>
      %dma_wait3A_596 = arith.constant 192 : i32
      %dma_wait3A_597 = arith.constant 0 : i32
      %dma_wait3A_598 = tpu.memref_slice %arg8[%dma_wait3A_596, %dma_wait3A_597] : memref<768x128xf32, #tpu.memory_space<vmem>> -> memref<32x128xf32, #tpu.memory_space<vmem>>
      %dma_wait3A_599 = arith.constant 0 : i32
      %dma_wait3A_600 = arith.constant 0 : i32
      %dma_wait3A_601 = tpu.memref_slice %arg3[%dma_wait3A_599, %dma_wait3A_600] : memref<32x1000000xf32, #tpu.memory_space<hbm>> -> memref<32x128xf32, #tpu.memory_space<hbm>>
      tpu.wait_dma2 semaphore(%arg11 : memref<!tpu.dma_semaphore, #tpu.memory_space<semaphore_mem>>) src(%dma_wait3A_601 : memref<32x128xf32, #tpu.memory_space<hbm>>) dst(%dma_wait3A_598 : memref<32x128xf32, #tpu.memory_space<vmem>>)
      %dma_wait3A_602 = arith.constant 224 : i32
      %dma_wait3A_603 = arith.constant 0 : i32
      %dma_wait3A_604 = tpu.memref_slice %arg8[%dma_wait3A_602, %dma_wait3A_603] : memref<768x128xf32, #tpu.memory_space<vmem>> -> memref<32x128xf32, #tpu.memory_space<vmem>>
      %dma_wait3A_605 = arith.constant 0 : i32
      %dma_wait3A_606 = arith.constant 0 : i32
      %dma_wait3A_607 = tpu.memref_slice %arg3[%dma_wait3A_605, %dma_wait3A_606] : memref<32x1000000xf32, #tpu.memory_space<hbm>> -> memref<32x128xf32, #tpu.memory_space<hbm>>
      %dma_wait3A_608 = arith.constant 224 : i32
      %dma_wait3A_609 = arith.constant 0 : i32
      %dma_wait3A_610 = tpu.memref_slice %arg8[%dma_wait3A_608, %dma_wait3A_609] : memref<768x128xf32, #tpu.memory_space<vmem>> -> memref<32x128xf32, #tpu.memory_space<vmem>>
      %dma_wait3A_611 = arith.constant 0 : i32
      %dma_wait3A_612 = arith.constant 0 : i32
      %dma_wait3A_613 = tpu.memref_slice %arg3[%dma_wait3A_611, %dma_wait3A_612] : memref<32x1000000xf32, #tpu.memory_space<hbm>> -> memref<32x128xf32, #tpu.memory_space<hbm>>
      tpu.wait_dma2 semaphore(%arg11 : memref<!tpu.dma_semaphore, #tpu.memory_space<semaphore_mem>>) src(%dma_wait3A_613 : memref<32x128xf32, #tpu.memory_space<hbm>>) dst(%dma_wait3A_610 : memref<32x128xf32, #tpu.memory_space<vmem>>)
      %mul3A_614 = arith.constant 8 : i32
      %mul3A_615 = arith.muli %add3A_509, %mul3A_614 : i32
      %get3A_616 = arith.index_cast %mul3A_615 : i32 to index
      %get3A_617 = tpu.vector_load %arg7[%get3A_616] {strides = array<i32>} : memref<528xi32, #tpu.memory_space<vmem>>, vector<16xi32>,
      %and3A_618 = arith.constant 127 : i32
      %and3A_619 = vector.broadcast %and3A_618 : i32 to vector<16xi32>
      %and3A_620 = arith.andi %get3A_617, %and3A_619 : vector<16xi32>
      %broadcast_in_dim3A_621 = arith.constant 0 : i32
      %broadcast_in_dim3A_622 = vector.broadcast %broadcast_in_dim3A_621 : i32 to vector<16xi32>
      %slice3A_623 = vector.extract_strided_slice %and3A_620 {offsets = [0], sizes = [1], strides = [1]} : vector<16xi32> to vector<1xi32>
      %squeeze3A_624 = vector.extract %slice3A_623[0] : i32 from vector<1xi32>
      %add3A_625 = vector.broadcast %squeeze3A_624 : i32 to vector<16xi32>
      %add3A_626 = arith.addi %broadcast_in_dim3A_622, %add3A_625 : vector<16xi32>
      %broadcast_in_dim3A_627 = arith.constant 0 : i32
      %broadcast_in_dim3A_628 = vector.broadcast %broadcast_in_dim3A_627 : i32 to vector<16xi32>
      %mul3A_629 = arith.constant 8 : i32
      %mul3A_630 = arith.muli %add3A_509, %mul3A_629 : i32
      %add3A_631 = arith.constant 0 : i32
      %add3A_632 = arith.addi %mul3A_630, %add3A_631 : i32
      %add3A_633 = vector.broadcast %add3A_632 : i32 to vector<16xi32>
      %add3A_634 = arith.addi %broadcast_in_dim3A_628, %add3A_633 : vector<16xi32>
      %add3A_635 = arith.constant 0 : i32
      %add3A_636 = vector.broadcast %add3A_635 : i32 to vector<16xi32>
      %add3A_637 = arith.addi %iota3A, %add3A_636 : vector<16xi32>
      %gather3A_638 = tpu.vector_load_idx %arg8[%add3A_637, %add3A_626] : memref<768x128xf32, #tpu.memory_space<vmem>>[vector<16xi32>, vector<16xi32>], vector<16xf32>,
      tpu.vector_store_idx %arg9[%iota3A, %add3A_634], %gather3A_638 : memref<32x512xf32, #tpu.memory_space<vmem>>[vector<16xi32>, vector<16xi32>], vector<16xf32>,
      %add3A_639 = arith.constant 16 : i32
      %add3A_640 = vector.broadcast %add3A_639 : i32 to vector<16xi32>
      %add3A_641 = arith.addi %add3A_637, %add3A_640 : vector<16xi32>
      %gather3A_642 = tpu.vector_load_idx %arg8[%add3A_641, %add3A_626] : memref<768x128xf32, #tpu.memory_space<vmem>>[vector<16xi32>, vector<16xi32>], vector<16xf32>,
      %add3A_643 = arith.constant 16 : i32
      %add3A_644 = vector.broadcast %add3A_643 : i32 to vector<16xi32>
      %add3A_645 = arith.addi %iota3A, %add3A_644 : vector<16xi32>
      tpu.vector_store_idx %arg9[%add3A_645, %add3A_634], %gather3A_642 : memref<32x512xf32, #tpu.memory_space<vmem>>[vector<16xi32>, vector<16xi32>], vector<16xf32>,
      %broadcast_in_dim3A_646 = arith.constant 0 : i32
      %broadcast_in_dim3A_647 = vector.broadcast %broadcast_in_dim3A_646 : i32 to vector<16xi32>
      %slice3A_648 = vector.extract_strided_slice %and3A_620 {offsets = [1], sizes = [1], strides = [1]} : vector<16xi32> to vector<1xi32>
      %squeeze3A_649 = vector.extract %slice3A_648[0] : i32 from vector<1xi32>
      %add3A_650 = vector.broadcast %squeeze3A_649 : i32 to vector<16xi32>
      %add3A_651 = arith.addi %broadcast_in_dim3A_647, %add3A_650 : vector<16xi32>
      %broadcast_in_dim3A_652 = arith.constant 0 : i32
      %broadcast_in_dim3A_653 = vector.broadcast %broadcast_in_dim3A_652 : i32 to vector<16xi32>
      %mul3A_654 = arith.constant 8 : i32
      %mul3A_655 = arith.muli %add3A_509, %mul3A_654 : i32
      %add3A_656 = arith.constant 1 : i32
      %add3A_657 = arith.addi %mul3A_655, %add3A_656 : i32
      %add3A_658 = vector.broadcast %add3A_657 : i32 to vector<16xi32>
      %add3A_659 = arith.addi %broadcast_in_dim3A_653, %add3A_658 : vector<16xi32>
      %add3A_660 = arith.constant 32 : i32
      %add3A_661 = vector.broadcast %add3A_660 : i32 to vector<16xi32>
      %add3A_662 = arith.addi %iota3A, %add3A_661 : vector<16xi32>
      %gather3A_663 = tpu.vector_load_idx %arg8[%add3A_662, %add3A_651] : memref<768x128xf32, #tpu.memory_space<vmem>>[vector<16xi32>, vector<16xi32>], vector<16xf32>,
      tpu.vector_store_idx %arg9[%iota3A, %add3A_659], %gather3A_663 : memref<32x512xf32, #tpu.memory_space<vmem>>[vector<16xi32>, vector<16xi32>], vector<16xf32>,
      %add3A_664 = arith.constant 16 : i32
      %add3A_665 = vector.broadcast %add3A_664 : i32 to vector<16xi32>
      %add3A_666 = arith.addi %add3A_662, %add3A_665 : vector<16xi32>
      %gather3A_667 = tpu.vector_load_idx %arg8[%add3A_666, %add3A_651] : memref<768x128xf32, #tpu.memory_space<vmem>>[vector<16xi32>, vector<16xi32>], vector<16xf32>,
      %add3A_668 = arith.constant 16 : i32
      %add3A_669 = vector.broadcast %add3A_668 : i32 to vector<16xi32>
      %add3A_670 = arith.addi %iota3A, %add3A_669 : vector<16xi32>
      tpu.vector_store_idx %arg9[%add3A_670, %add3A_659], %gather3A_667 : memref<32x512xf32, #tpu.memory_space<vmem>>[vector<16xi32>, vector<16xi32>], vector<16xf32>,
      %broadcast_in_dim3A_671 = arith.constant 0 : i32
      %broadcast_in_dim3A_672 = vector.broadcast %broadcast_in_dim3A_671 : i32 to vector<16xi32>
      %slice3A_673 = vector.extract_strided_slice %and3A_620 {offsets = [2], sizes = [1], strides = [1]} : vector<16xi32> to vector<1xi32>
      %squeeze3A_674 = vector.extract %slice3A_673[0] : i32 from vector<1xi32>
      %add3A_675 = vector.broadcast %squeeze3A_674 : i32 to vector<16xi32>
      %add3A_676 = arith.addi %broadcast_in_dim3A_672, %add3A_675 : vector<16xi32>
      %broadcast_in_dim3A_677 = arith.constant 0 : i32
      %broadcast_in_dim3A_678 = vector.broadcast %broadcast_in_dim3A_677 : i32 to vector<16xi32>
      %mul3A_679 = arith.constant 8 : i32
      %mul3A_680 = arith.muli %add3A_509, %mul3A_679 : i32
      %add3A_681 = arith.constant 2 : i32
      %add3A_682 = arith.addi %mul3A_680, %add3A_681 : i32
      %add3A_683 = vector.broadcast %add3A_682 : i32 to vector<16xi32>
      %add3A_684 = arith.addi %broadcast_in_dim3A_678, %add3A_683 : vector<16xi32>
      %add3A_685 = arith.constant 64 : i32
      %add3A_686 = vector.broadcast %add3A_685 : i32 to vector<16xi32>
      %add3A_687 = arith.addi %iota3A, %add3A_686 : vector<16xi32>
      %gather3A_688 = tpu.vector_load_idx %arg8[%add3A_687, %add3A_676] : memref<768x128xf32, #tpu.memory_space<vmem>>[vector<16xi32>, vector<16xi32>], vector<16xf32>,
      tpu.vector_store_idx %arg9[%iota3A, %add3A_684], %gather3A_688 : memref<32x512xf32, #tpu.memory_space<vmem>>[vector<16xi32>, vector<16xi32>], vector<16xf32>,
      %add3A_689 = arith.constant 16 : i32
      %add3A_690 = vector.broadcast %add3A_689 : i32 to vector<16xi32>
      %add3A_691 = arith.addi %add3A_687, %add3A_690 : vector<16xi32>
      %gather3A_692 = tpu.vector_load_idx %arg8[%add3A_691, %add3A_676] : memref<768x128xf32, #tpu.memory_space<vmem>>[vector<16xi32>, vector<16xi32>], vector<16xf32>,
      %add3A_693 = arith.constant 16 : i32
      %add3A_694 = vector.broadcast %add3A_693 : i32 to vector<16xi32>
      %add3A_695 = arith.addi %iota3A, %add3A_694 : vector<16xi32>
      tpu.vector_store_idx %arg9[%add3A_695, %add3A_684], %gather3A_692 : memref<32x512xf32, #tpu.memory_space<vmem>>[vector<16xi32>, vector<16xi32>], vector<16xf32>,
      %broadcast_in_dim3A_696 = arith.constant 0 : i32
      %broadcast_in_dim3A_697 = vector.broadcast %broadcast_in_dim3A_696 : i32 to vector<16xi32>
      %slice3A_698 = vector.extract_strided_slice %and3A_620 {offsets = [3], sizes = [1], strides = [1]} : vector<16xi32> to vector<1xi32>
      %squeeze3A_699 = vector.extract %slice3A_698[0] : i32 from vector<1xi32>
      %add3A_700 = vector.broadcast %squeeze3A_699 : i32 to vector<16xi32>
      %add3A_701 = arith.addi %broadcast_in_dim3A_697, %add3A_700 : vector<16xi32>
      %broadcast_in_dim3A_702 = arith.constant 0 : i32
      %broadcast_in_dim3A_703 = vector.broadcast %broadcast_in_dim3A_702 : i32 to vector<16xi32>
      %mul3A_704 = arith.constant 8 : i32
      %mul3A_705 = arith.muli %add3A_509, %mul3A_704 : i32
      %add3A_706 = arith.constant 3 : i32
      %add3A_707 = arith.addi %mul3A_705, %add3A_706 : i32
      %add3A_708 = vector.broadcast %add3A_707 : i32 to vector<16xi32>
      %add3A_709 = arith.addi %broadcast_in_dim3A_703, %add3A_708 : vector<16xi32>
      %add3A_710 = arith.constant 96 : i32
      %add3A_711 = vector.broadcast %add3A_710 : i32 to vector<16xi32>
      %add3A_712 = arith.addi %iota3A, %add3A_711 : vector<16xi32>
      %gather3A_713 = tpu.vector_load_idx %arg8[%add3A_712, %add3A_701] : memref<768x128xf32, #tpu.memory_space<vmem>>[vector<16xi32>, vector<16xi32>], vector<16xf32>,
      tpu.vector_store_idx %arg9[%iota3A, %add3A_709], %gather3A_713 : memref<32x512xf32, #tpu.memory_space<vmem>>[vector<16xi32>, vector<16xi32>], vector<16xf32>,
      %add3A_714 = arith.constant 16 : i32
      %add3A_715 = vector.broadcast %add3A_714 : i32 to vector<16xi32>
      %add3A_716 = arith.addi %add3A_712, %add3A_715 : vector<16xi32>
      %gather3A_717 = tpu.vector_load_idx %arg8[%add3A_716, %add3A_701] : memref<768x128xf32, #tpu.memory_space<vmem>>[vector<16xi32>, vector<16xi32>], vector<16xf32>,
      %add3A_718 = arith.constant 16 : i32
      %add3A_719 = vector.broadcast %add3A_718 : i32 to vector<16xi32>
      %add3A_720 = arith.addi %iota3A, %add3A_719 : vector<16xi32>
      tpu.vector_store_idx %arg9[%add3A_720, %add3A_709], %gather3A_717 : memref<32x512xf32, #tpu.memory_space<vmem>>[vector<16xi32>, vector<16xi32>], vector<16xf32>,
      %broadcast_in_dim3A_721 = arith.constant 0 : i32
      %broadcast_in_dim3A_722 = vector.broadcast %broadcast_in_dim3A_721 : i32 to vector<16xi32>
      %slice3A_723 = vector.extract_strided_slice %and3A_620 {offsets = [4], sizes = [1], strides = [1]} : vector<16xi32> to vector<1xi32>
      %squeeze3A_724 = vector.extract %slice3A_723[0] : i32 from vector<1xi32>
      %add3A_725 = vector.broadcast %squeeze3A_724 : i32 to vector<16xi32>
      %add3A_726 = arith.addi %broadcast_in_dim3A_722, %add3A_725 : vector<16xi32>
      %broadcast_in_dim3A_727 = arith.constant 0 : i32
      %broadcast_in_dim3A_728 = vector.broadcast %broadcast_in_dim3A_727 : i32 to vector<16xi32>
      %mul3A_729 = arith.constant 8 : i32
      %mul3A_730 = arith.muli %add3A_509, %mul3A_729 : i32
      %add3A_731 = arith.constant 4 : i32
      %add3A_732 = arith.addi %mul3A_730, %add3A_731 : i32
      %add3A_733 = vector.broadcast %add3A_732 : i32 to vector<16xi32>
      %add3A_734 = arith.addi %broadcast_in_dim3A_728, %add3A_733 : vector<16xi32>
      %add3A_735 = arith.constant 128 : i32
      %add3A_736 = vector.broadcast %add3A_735 : i32 to vector<16xi32>
      %add3A_737 = arith.addi %iota3A, %add3A_736 : vector<16xi32>
      %gather3A_738 = tpu.vector_load_idx %arg8[%add3A_737, %add3A_726] : memref<768x128xf32, #tpu.memory_space<vmem>>[vector<16xi32>, vector<16xi32>], vector<16xf32>,
      tpu.vector_store_idx %arg9[%iota3A, %add3A_734], %gather3A_738 : memref<32x512xf32, #tpu.memory_space<vmem>>[vector<16xi32>, vector<16xi32>], vector<16xf32>,
      %add3A_739 = arith.constant 16 : i32
      %add3A_740 = vector.broadcast %add3A_739 : i32 to vector<16xi32>
      %add3A_741 = arith.addi %add3A_737, %add3A_740 : vector<16xi32>
      %gather3A_742 = tpu.vector_load_idx %arg8[%add3A_741, %add3A_726] : memref<768x128xf32, #tpu.memory_space<vmem>>[vector<16xi32>, vector<16xi32>], vector<16xf32>,
      %add3A_743 = arith.constant 16 : i32
      %add3A_744 = vector.broadcast %add3A_743 : i32 to vector<16xi32>
      %add3A_745 = arith.addi %iota3A, %add3A_744 : vector<16xi32>
      tpu.vector_store_idx %arg9[%add3A_745, %add3A_734], %gather3A_742 : memref<32x512xf32, #tpu.memory_space<vmem>>[vector<16xi32>, vector<16xi32>], vector<16xf32>,
      %broadcast_in_dim3A_746 = arith.constant 0 : i32
      %broadcast_in_dim3A_747 = vector.broadcast %broadcast_in_dim3A_746 : i32 to vector<16xi32>
      %slice3A_748 = vector.extract_strided_slice %and3A_620 {offsets = [5], sizes = [1], strides = [1]} : vector<16xi32> to vector<1xi32>
      %squeeze3A_749 = vector.extract %slice3A_748[0] : i32 from vector<1xi32>
      %add3A_750 = vector.broadcast %squeeze3A_749 : i32 to vector<16xi32>
      %add3A_751 = arith.addi %broadcast_in_dim3A_747, %add3A_750 : vector<16xi32>
      %broadcast_in_dim3A_752 = arith.constant 0 : i32
      %broadcast_in_dim3A_753 = vector.broadcast %broadcast_in_dim3A_752 : i32 to vector<16xi32>
      %mul3A_754 = arith.constant 8 : i32
      %mul3A_755 = arith.muli %add3A_509, %mul3A_754 : i32
      %add3A_756 = arith.constant 5 : i32
      %add3A_757 = arith.addi %mul3A_755, %add3A_756 : i32
      %add3A_758 = vector.broadcast %add3A_757 : i32 to vector<16xi32>
      %add3A_759 = arith.addi %broadcast_in_dim3A_753, %add3A_758 : vector<16xi32>
      %add3A_760 = arith.constant 160 : i32
      %add3A_761 = vector.broadcast %add3A_760 : i32 to vector<16xi32>
      %add3A_762 = arith.addi %iota3A, %add3A_761 : vector<16xi32>
      %gather3A_763 = tpu.vector_load_idx %arg8[%add3A_762, %add3A_751] : memref<768x128xf32, #tpu.memory_space<vmem>>[vector<16xi32>, vector<16xi32>], vector<16xf32>,
      tpu.vector_store_idx %arg9[%iota3A, %add3A_759], %gather3A_763 : memref<32x512xf32, #tpu.memory_space<vmem>>[vector<16xi32>, vector<16xi32>], vector<16xf32>,
      %add3A_764 = arith.constant 16 : i32
      %add3A_765 = vector.broadcast %add3A_764 : i32 to vector<16xi32>
      %add3A_766 = arith.addi %add3A_762, %add3A_765 : vector<16xi32>
      %gather3A_767 = tpu.vector_load_idx %arg8[%add3A_766, %add3A_751] : memref<768x128xf32, #tpu.memory_space<vmem>>[vector<16xi32>, vector<16xi32>], vector<16xf32>,
      %add3A_768 = arith.constant 16 : i32
      %add3A_769 = vector.broadcast %add3A_768 : i32 to vector<16xi32>
      %add3A_770 = arith.addi %iota3A, %add3A_769 : vector<16xi32>
      tpu.vector_store_idx %arg9[%add3A_770, %add3A_759], %gather3A_767 : memref<32x512xf32, #tpu.memory_space<vmem>>[vector<16xi32>, vector<16xi32>], vector<16xf32>,
      %broadcast_in_dim3A_771 = arith.constant 0 : i32
      %broadcast_in_dim3A_772 = vector.broadcast %broadcast_in_dim3A_771 : i32 to vector<16xi32>
      %slice3A_773 = vector.extract_strided_slice %and3A_620 {offsets = [6], sizes = [1], strides = [1]} : vector<16xi32> to vector<1xi32>
      %squeeze3A_774 = vector.extract %slice3A_773[0] : i32 from vector<1xi32>
      %add3A_775 = vector.broadcast %squeeze3A_774 : i32 to vector<16xi32>
      %add3A_776 = arith.addi %broadcast_in_dim3A_772, %add3A_775 : vector<16xi32>
      %broadcast_in_dim3A_777 = arith.constant 0 : i32
      %broadcast_in_dim3A_778 = vector.broadcast %broadcast_in_dim3A_777 : i32 to vector<16xi32>
      %mul3A_779 = arith.constant 8 : i32
      %mul3A_780 = arith.muli %add3A_509, %mul3A_779 : i32
      %add3A_781 = arith.constant 6 : i32
      %add3A_782 = arith.addi %mul3A_780, %add3A_781 : i32
      %add3A_783 = vector.broadcast %add3A_782 : i32 to vector<16xi32>
      %add3A_784 = arith.addi %broadcast_in_dim3A_778, %add3A_783 : vector<16xi32>
      %add3A_785 = arith.constant 192 : i32
      %add3A_786 = vector.broadcast %add3A_785 : i32 to vector<16xi32>
      %add3A_787 = arith.addi %iota3A, %add3A_786 : vector<16xi32>
      %gather3A_788 = tpu.vector_load_idx %arg8[%add3A_787, %add3A_776] : memref<768x128xf32, #tpu.memory_space<vmem>>[vector<16xi32>, vector<16xi32>], vector<16xf32>,
      tpu.vector_store_idx %arg9[%iota3A, %add3A_784], %gather3A_788 : memref<32x512xf32, #tpu.memory_space<vmem>>[vector<16xi32>, vector<16xi32>], vector<16xf32>,
      %add3A_789 = arith.constant 16 : i32
      %add3A_790 = vector.broadcast %add3A_789 : i32 to vector<16xi32>
      %add3A_791 = arith.addi %add3A_787, %add3A_790 : vector<16xi32>
      %gather3A_792 = tpu.vector_load_idx %arg8[%add3A_791, %add3A_776] : memref<768x128xf32, #tpu.memory_space<vmem>>[vector<16xi32>, vector<16xi32>], vector<16xf32>,
      %add3A_793 = arith.constant 16 : i32
      %add3A_794 = vector.broadcast %add3A_793 : i32 to vector<16xi32>
      %add3A_795 = arith.addi %iota3A, %add3A_794 : vector<16xi32>
      tpu.vector_store_idx %arg9[%add3A_795, %add3A_784], %gather3A_792 : memref<32x512xf32, #tpu.memory_space<vmem>>[vector<16xi32>, vector<16xi32>], vector<16xf32>,
      %broadcast_in_dim3A_796 = arith.constant 0 : i32
      %broadcast_in_dim3A_797 = vector.broadcast %broadcast_in_dim3A_796 : i32 to vector<16xi32>
      %slice3A_798 = vector.extract_strided_slice %and3A_620 {offsets = [7], sizes = [1], strides = [1]} : vector<16xi32> to vector<1xi32>
      %squeeze3A_799 = vector.extract %slice3A_798[0] : i32 from vector<1xi32>
      %add3A_800 = vector.broadcast %squeeze3A_799 : i32 to vector<16xi32>
      %add3A_801 = arith.addi %broadcast_in_dim3A_797, %add3A_800 : vector<16xi32>
      %broadcast_in_dim3A_802 = arith.constant 0 : i32
      %broadcast_in_dim3A_803 = vector.broadcast %broadcast_in_dim3A_802 : i32 to vector<16xi32>
      %mul3A_804 = arith.constant 8 : i32
      %mul3A_805 = arith.muli %add3A_509, %mul3A_804 : i32
      %add3A_806 = arith.constant 7 : i32
      %add3A_807 = arith.addi %mul3A_805, %add3A_806 : i32
      %add3A_808 = vector.broadcast %add3A_807 : i32 to vector<16xi32>
      %add3A_809 = arith.addi %broadcast_in_dim3A_803, %add3A_808 : vector<16xi32>
      %add3A_810 = arith.constant 224 : i32
      %add3A_811 = vector.broadcast %add3A_810 : i32 to vector<16xi32>
      %add3A_812 = arith.addi %iota3A, %add3A_811 : vector<16xi32>
      %gather3A_813 = tpu.vector_load_idx %arg8[%add3A_812, %add3A_801] : memref<768x128xf32, #tpu.memory_space<vmem>>[vector<16xi32>, vector<16xi32>], vector<16xf32>,
      tpu.vector_store_idx %arg9[%iota3A, %add3A_809], %gather3A_813 : memref<32x512xf32, #tpu.memory_space<vmem>>[vector<16xi32>, vector<16xi32>], vector<16xf32>,
      %add3A_814 = arith.constant 16 : i32
      %add3A_815 = vector.broadcast %add3A_814 : i32 to vector<16xi32>
      %add3A_816 = arith.addi %add3A_812, %add3A_815 : vector<16xi32>
      %gather3A_817 = tpu.vector_load_idx %arg8[%add3A_816, %add3A_801] : memref<768x128xf32, #tpu.memory_space<vmem>>[vector<16xi32>, vector<16xi32>], vector<16xf32>,
      %add3A_818 = arith.constant 16 : i32
      %add3A_819 = vector.broadcast %add3A_818 : i32 to vector<16xi32>
      %add3A_820 = arith.addi %iota3A, %add3A_819 : vector<16xi32>
      tpu.vector_store_idx %arg9[%add3A_820, %add3A_809], %gather3A_817 : memref<32x512xf32, #tpu.memory_space<vmem>>[vector<16xi32>, vector<16xi32>], vector<16xf32>,
      %mul3A_821 = arith.constant 3 : i32
      %mul3A_822 = arith.muli %add3A_505, %mul3A_821 : i32
      %add3A_823 = arith.constant 1 : i32
      %add3A_824 = arith.addi %mul3A_822, %add3A_823 : i32
      %add3A_825 = arith.constant 2 : i32
      %add3A_826 = arith.addi %add3A_824, %add3A_825 : i32
      %lt3A_827 = arith.constant 64 : i32
      %lt3A_828 = arith.cmpi slt, %add3A_826, %lt3A_827 : i32
      %add3A_829 = arith.constant 2 : i32
      %add3A_830 = arith.addi %add3A_824, %add3A_829 : i32
      %convert_element_type3A_831 = arith.extui %lt3A_828 : i1 to i32
      %cond3A_832 = arith.constant 0 : i32
      %cond3A_833 = arith.cmpi ne, %convert_element_type3A_831, %cond3A_832 : i32
      scf.if %cond3A_833 {
        %mul3A_1453 = arith.constant 8 : i32
        %mul3A_1454 = arith.muli %add3A_830, %mul3A_1453 : i32
        %get3A_1455 = arith.index_cast %mul3A_1454 : i32 to index
        %get3A_1456 = tpu.vector_load %arg7[%get3A_1455] {strides = array<i32>} : memref<528xi32, #tpu.memory_space<vmem>>, vector<16xi32>,
        %shift_right_arithmetic3A_1457 = arith.constant 7 : i32
        %shift_right_arithmetic3A_1458 = vector.broadcast %shift_right_arithmetic3A_1457 : i32 to vector<16xi32>
        %shift_right_arithmetic3A_1459 = arith.shrsi %get3A_1456, %shift_right_arithmetic3A_1458 : vector<16xi32>
        %shift_left3A_1460 = arith.constant 7 : i32
        %shift_left3A_1461 = vector.broadcast %shift_left3A_1460 : i32 to vector<16xi32>
        %shift_left3A_1462 = arith.shli %shift_right_arithmetic3A_1459, %shift_left3A_1461 : vector<16xi32>
        %slice3A_1463 = vector.extract_strided_slice %shift_left3A_1462 {offsets = [0], sizes = [1], strides = [1]} : vector<16xi32> to vector<1xi32>
        %squeeze3A_1464 = vector.extract %slice3A_1463[0] : i32 from vector<1xi32>
        %multiple_of3A_1465 = tpu.assume_multiple %squeeze3A_1464, 128 : i32
        %dma_start3A_1466 = arith.constant 0 : i32
        %dma_start3A_1467 = arith.constant 0 : i32
        %dma_start3A_1468 = tpu.memref_slice %arg8[%dma_start3A_1466, %dma_start3A_1467] : memref<768x128xf32, #tpu.memory_space<vmem>> -> memref<32x128xf32, #tpu.memory_space<vmem>>
        %dma_start3A_1469 = arith.constant 0 : i32
        %dma_start3A_1470 = tpu.memref_slice %arg3[%dma_start3A_1469, %multiple_of3A_1465] : memref<32x1000000xf32, #tpu.memory_space<hbm>> -> memref<32x128xf32, #tpu.memory_space<hbm>>
        %dma_start3A_1471 = arith.constant 0 : i32
        %dma_start3A_1472 = arith.constant 0 : i32
        %dma_start3A_1473 = tpu.memref_slice %arg8[%dma_start3A_1471, %dma_start3A_1472] : memref<768x128xf32, #tpu.memory_space<vmem>> -> memref<32x128xf32, #tpu.memory_space<vmem>>
        %dma_start3A_1474 = arith.constant 0 : i32
        %dma_start3A_1475 = tpu.memref_slice %arg3[%dma_start3A_1474, %multiple_of3A_1465] : memref<32x1000000xf32, #tpu.memory_space<hbm>> -> memref<32x128xf32, #tpu.memory_space<hbm>>
        tpu.enqueue_dma source(%dma_start3A_1475 : memref<32x128xf32, #tpu.memory_space<hbm>>) target(%dma_start3A_1473 : memref<32x128xf32, #tpu.memory_space<vmem>>) target_semaphore(%arg11 : memref<!tpu.dma_semaphore, #tpu.memory_space<semaphore_mem>>)
        %slice3A_1476 = vector.extract_strided_slice %shift_left3A_1462 {offsets = [1], sizes = [1], strides = [1]} : vector<16xi32> to vector<1xi32>
        %squeeze3A_1477 = vector.extract %slice3A_1476[0] : i32 from vector<1xi32>
        %multiple_of3A_1478 = tpu.assume_multiple %squeeze3A_1477, 128 : i32
        %dma_start3A_1479 = arith.constant 32 : i32
        %dma_start3A_1480 = arith.constant 0 : i32
        %dma_start3A_1481 = tpu.memref_slice %arg8[%dma_start3A_1479, %dma_start3A_1480] : memref<768x128xf32, #tpu.memory_space<vmem>> -> memref<32x128xf32, #tpu.memory_space<vmem>>
        %dma_start3A_1482 = arith.constant 0 : i32
        %dma_start3A_1483 = tpu.memref_slice %arg3[%dma_start3A_1482, %multiple_of3A_1478] : memref<32x1000000xf32, #tpu.memory_space<hbm>> -> memref<32x128xf32, #tpu.memory_space<hbm>>
        %dma_start3A_1484 = arith.constant 32 : i32
        %dma_start3A_1485 = arith.constant 0 : i32
        %dma_start3A_1486 = tpu.memref_slice %arg8[%dma_start3A_1484, %dma_start3A_1485] : memref<768x128xf32, #tpu.memory_space<vmem>> -> memref<32x128xf32, #tpu.memory_space<vmem>>
        %dma_start3A_1487 = arith.constant 0 : i32
        %dma_start3A_1488 = tpu.memref_slice %arg3[%dma_start3A_1487, %multiple_of3A_1478] : memref<32x1000000xf32, #tpu.memory_space<hbm>> -> memref<32x128xf32, #tpu.memory_space<hbm>>
        tpu.enqueue_dma source(%dma_start3A_1488 : memref<32x128xf32, #tpu.memory_space<hbm>>) target(%dma_start3A_1486 : memref<32x128xf32, #tpu.memory_space<vmem>>) target_semaphore(%arg11 : memref<!tpu.dma_semaphore, #tpu.memory_space<semaphore_mem>>)
        %slice3A_1489 = vector.extract_strided_slice %shift_left3A_1462 {offsets = [2], sizes = [1], strides = [1]} : vector<16xi32> to vector<1xi32>
        %squeeze3A_1490 = vector.extract %slice3A_1489[0] : i32 from vector<1xi32>
        %multiple_of3A_1491 = tpu.assume_multiple %squeeze3A_1490, 128 : i32
        %dma_start3A_1492 = arith.constant 64 : i32
        %dma_start3A_1493 = arith.constant 0 : i32
        %dma_start3A_1494 = tpu.memref_slice %arg8[%dma_start3A_1492, %dma_start3A_1493] : memref<768x128xf32, #tpu.memory_space<vmem>> -> memref<32x128xf32, #tpu.memory_space<vmem>>
        %dma_start3A_1495 = arith.constant 0 : i32
        %dma_start3A_1496 = tpu.memref_slice %arg3[%dma_start3A_1495, %multiple_of3A_1491] : memref<32x1000000xf32, #tpu.memory_space<hbm>> -> memref<32x128xf32, #tpu.memory_space<hbm>>
        %dma_start3A_1497 = arith.constant 64 : i32
        %dma_start3A_1498 = arith.constant 0 : i32
        %dma_start3A_1499 = tpu.memref_slice %arg8[%dma_start3A_1497, %dma_start3A_1498] : memref<768x128xf32, #tpu.memory_space<vmem>> -> memref<32x128xf32, #tpu.memory_space<vmem>>
        %dma_start3A_1500 = arith.constant 0 : i32
        %dma_start3A_1501 = tpu.memref_slice %arg3[%dma_start3A_1500, %multiple_of3A_1491] : memref<32x1000000xf32, #tpu.memory_space<hbm>> -> memref<32x128xf32, #tpu.memory_space<hbm>>
        tpu.enqueue_dma source(%dma_start3A_1501 : memref<32x128xf32, #tpu.memory_space<hbm>>) target(%dma_start3A_1499 : memref<32x128xf32, #tpu.memory_space<vmem>>) target_semaphore(%arg11 : memref<!tpu.dma_semaphore, #tpu.memory_space<semaphore_mem>>)
        %slice3A_1502 = vector.extract_strided_slice %shift_left3A_1462 {offsets = [3], sizes = [1], strides = [1]} : vector<16xi32> to vector<1xi32>
        %squeeze3A_1503 = vector.extract %slice3A_1502[0] : i32 from vector<1xi32>
        %multiple_of3A_1504 = tpu.assume_multiple %squeeze3A_1503, 128 : i32
        %dma_start3A_1505 = arith.constant 96 : i32
        %dma_start3A_1506 = arith.constant 0 : i32
        %dma_start3A_1507 = tpu.memref_slice %arg8[%dma_start3A_1505, %dma_start3A_1506] : memref<768x128xf32, #tpu.memory_space<vmem>> -> memref<32x128xf32, #tpu.memory_space<vmem>>
        %dma_start3A_1508 = arith.constant 0 : i32
        %dma_start3A_1509 = tpu.memref_slice %arg3[%dma_start3A_1508, %multiple_of3A_1504] : memref<32x1000000xf32, #tpu.memory_space<hbm>> -> memref<32x128xf32, #tpu.memory_space<hbm>>
        %dma_start3A_1510 = arith.constant 96 : i32
        %dma_start3A_1511 = arith.constant 0 : i32
        %dma_start3A_1512 = tpu.memref_slice %arg8[%dma_start3A_1510, %dma_start3A_1511] : memref<768x128xf32, #tpu.memory_space<vmem>> -> memref<32x128xf32, #tpu.memory_space<vmem>>
        %dma_start3A_1513 = arith.constant 0 : i32
        %dma_start3A_1514 = tpu.memref_slice %arg3[%dma_start3A_1513, %multiple_of3A_1504] : memref<32x1000000xf32, #tpu.memory_space<hbm>> -> memref<32x128xf32, #tpu.memory_space<hbm>>
        tpu.enqueue_dma source(%dma_start3A_1514 : memref<32x128xf32, #tpu.memory_space<hbm>>) target(%dma_start3A_1512 : memref<32x128xf32, #tpu.memory_space<vmem>>) target_semaphore(%arg11 : memref<!tpu.dma_semaphore, #tpu.memory_space<semaphore_mem>>)
        %slice3A_1515 = vector.extract_strided_slice %shift_left3A_1462 {offsets = [4], sizes = [1], strides = [1]} : vector<16xi32> to vector<1xi32>
        %squeeze3A_1516 = vector.extract %slice3A_1515[0] : i32 from vector<1xi32>
        %multiple_of3A_1517 = tpu.assume_multiple %squeeze3A_1516, 128 : i32
        %dma_start3A_1518 = arith.constant 128 : i32
        %dma_start3A_1519 = arith.constant 0 : i32
        %dma_start3A_1520 = tpu.memref_slice %arg8[%dma_start3A_1518, %dma_start3A_1519] : memref<768x128xf32, #tpu.memory_space<vmem>> -> memref<32x128xf32, #tpu.memory_space<vmem>>
        %dma_start3A_1521 = arith.constant 0 : i32
        %dma_start3A_1522 = tpu.memref_slice %arg3[%dma_start3A_1521, %multiple_of3A_1517] : memref<32x1000000xf32, #tpu.memory_space<hbm>> -> memref<32x128xf32, #tpu.memory_space<hbm>>
        %dma_start3A_1523 = arith.constant 128 : i32
        %dma_start3A_1524 = arith.constant 0 : i32
        %dma_start3A_1525 = tpu.memref_slice %arg8[%dma_start3A_1523, %dma_start3A_1524] : memref<768x128xf32, #tpu.memory_space<vmem>> -> memref<32x128xf32, #tpu.memory_space<vmem>>
        %dma_start3A_1526 = arith.constant 0 : i32
        %dma_start3A_1527 = tpu.memref_slice %arg3[%dma_start3A_1526, %multiple_of3A_1517] : memref<32x1000000xf32, #tpu.memory_space<hbm>> -> memref<32x128xf32, #tpu.memory_space<hbm>>
        tpu.enqueue_dma source(%dma_start3A_1527 : memref<32x128xf32, #tpu.memory_space<hbm>>) target(%dma_start3A_1525 : memref<32x128xf32, #tpu.memory_space<vmem>>) target_semaphore(%arg11 : memref<!tpu.dma_semaphore, #tpu.memory_space<semaphore_mem>>)
        %slice3A_1528 = vector.extract_strided_slice %shift_left3A_1462 {offsets = [5], sizes = [1], strides = [1]} : vector<16xi32> to vector<1xi32>
        %squeeze3A_1529 = vector.extract %slice3A_1528[0] : i32 from vector<1xi32>
        %multiple_of3A_1530 = tpu.assume_multiple %squeeze3A_1529, 128 : i32
        %dma_start3A_1531 = arith.constant 160 : i32
        %dma_start3A_1532 = arith.constant 0 : i32
        %dma_start3A_1533 = tpu.memref_slice %arg8[%dma_start3A_1531, %dma_start3A_1532] : memref<768x128xf32, #tpu.memory_space<vmem>> -> memref<32x128xf32, #tpu.memory_space<vmem>>
        %dma_start3A_1534 = arith.constant 0 : i32
        %dma_start3A_1535 = tpu.memref_slice %arg3[%dma_start3A_1534, %multiple_of3A_1530] : memref<32x1000000xf32, #tpu.memory_space<hbm>> -> memref<32x128xf32, #tpu.memory_space<hbm>>
        %dma_start3A_1536 = arith.constant 160 : i32
        %dma_start3A_1537 = arith.constant 0 : i32
        %dma_start3A_1538 = tpu.memref_slice %arg8[%dma_start3A_1536, %dma_start3A_1537] : memref<768x128xf32, #tpu.memory_space<vmem>> -> memref<32x128xf32, #tpu.memory_space<vmem>>
        %dma_start3A_1539 = arith.constant 0 : i32
        %dma_start3A_1540 = tpu.memref_slice %arg3[%dma_start3A_1539, %multiple_of3A_1530] : memref<32x1000000xf32, #tpu.memory_space<hbm>> -> memref<32x128xf32, #tpu.memory_space<hbm>>
        tpu.enqueue_dma source(%dma_start3A_1540 : memref<32x128xf32, #tpu.memory_space<hbm>>) target(%dma_start3A_1538 : memref<32x128xf32, #tpu.memory_space<vmem>>) target_semaphore(%arg11 : memref<!tpu.dma_semaphore, #tpu.memory_space<semaphore_mem>>)
        %slice3A_1541 = vector.extract_strided_slice %shift_left3A_1462 {offsets = [6], sizes = [1], strides = [1]} : vector<16xi32> to vector<1xi32>
        %squeeze3A_1542 = vector.extract %slice3A_1541[0] : i32 from vector<1xi32>
        %multiple_of3A_1543 = tpu.assume_multiple %squeeze3A_1542, 128 : i32
        %dma_start3A_1544 = arith.constant 192 : i32
        %dma_start3A_1545 = arith.constant 0 : i32
        %dma_start3A_1546 = tpu.memref_slice %arg8[%dma_start3A_1544, %dma_start3A_1545] : memref<768x128xf32, #tpu.memory_space<vmem>> -> memref<32x128xf32, #tpu.memory_space<vmem>>
        %dma_start3A_1547 = arith.constant 0 : i32
        %dma_start3A_1548 = tpu.memref_slice %arg3[%dma_start3A_1547, %multiple_of3A_1543] : memref<32x1000000xf32, #tpu.memory_space<hbm>> -> memref<32x128xf32, #tpu.memory_space<hbm>>
        %dma_start3A_1549 = arith.constant 192 : i32
        %dma_start3A_1550 = arith.constant 0 : i32
        %dma_start3A_1551 = tpu.memref_slice %arg8[%dma_start3A_1549, %dma_start3A_1550] : memref<768x128xf32, #tpu.memory_space<vmem>> -> memref<32x128xf32, #tpu.memory_space<vmem>>
        %dma_start3A_1552 = arith.constant 0 : i32
        %dma_start3A_1553 = tpu.memref_slice %arg3[%dma_start3A_1552, %multiple_of3A_1543] : memref<32x1000000xf32, #tpu.memory_space<hbm>> -> memref<32x128xf32, #tpu.memory_space<hbm>>
        tpu.enqueue_dma source(%dma_start3A_1553 : memref<32x128xf32, #tpu.memory_space<hbm>>) target(%dma_start3A_1551 : memref<32x128xf32, #tpu.memory_space<vmem>>) target_semaphore(%arg11 : memref<!tpu.dma_semaphore, #tpu.memory_space<semaphore_mem>>)
        %slice3A_1554 = vector.extract_strided_slice %shift_left3A_1462 {offsets = [7], sizes = [1], strides = [1]} : vector<16xi32> to vector<1xi32>
        %squeeze3A_1555 = vector.extract %slice3A_1554[0] : i32 from vector<1xi32>
        %multiple_of3A_1556 = tpu.assume_multiple %squeeze3A_1555, 128 : i32
        %dma_start3A_1557 = arith.constant 224 : i32
        %dma_start3A_1558 = arith.constant 0 : i32
        %dma_start3A_1559 = tpu.memref_slice %arg8[%dma_start3A_1557, %dma_start3A_1558] : memref<768x128xf32, #tpu.memory_space<vmem>> -> memref<32x128xf32, #tpu.memory_space<vmem>>
        %dma_start3A_1560 = arith.constant 0 : i32
        %dma_start3A_1561 = tpu.memref_slice %arg3[%dma_start3A_1560, %multiple_of3A_1556] : memref<32x1000000xf32, #tpu.memory_space<hbm>> -> memref<32x128xf32, #tpu.memory_space<hbm>>
        %dma_start3A_1562 = arith.constant 224 : i32
        %dma_start3A_1563 = arith.constant 0 : i32
        %dma_start3A_1564 = tpu.memref_slice %arg8[%dma_start3A_1562, %dma_start3A_1563] : memref<768x128xf32, #tpu.memory_space<vmem>> -> memref<32x128xf32, #tpu.memory_space<vmem>>
        %dma_start3A_1565 = arith.constant 0 : i32
        %dma_start3A_1566 = tpu.memref_slice %arg3[%dma_start3A_1565, %multiple_of3A_1556] : memref<32x1000000xf32, #tpu.memory_space<hbm>> -> memref<32x128xf32, #tpu.memory_space<hbm>>
        tpu.enqueue_dma source(%dma_start3A_1566 : memref<32x128xf32, #tpu.memory_space<hbm>>) target(%dma_start3A_1564 : memref<32x128xf32, #tpu.memory_space<vmem>>) target_semaphore(%arg11 : memref<!tpu.dma_semaphore, #tpu.memory_space<semaphore_mem>>)
      } else {
      }
      %dma_wait3A_834 = arith.constant 256 : i32
      %dma_wait3A_835 = arith.constant 0 : i32
      %dma_wait3A_836 = tpu.memref_slice %arg8[%dma_wait3A_834, %dma_wait3A_835] : memref<768x128xf32, #tpu.memory_space<vmem>> -> memref<32x128xf32, #tpu.memory_space<vmem>>
      %dma_wait3A_837 = arith.constant 0 : i32
      %dma_wait3A_838 = arith.constant 0 : i32
      %dma_wait3A_839 = tpu.memref_slice %arg3[%dma_wait3A_837, %dma_wait3A_838] : memref<32x1000000xf32, #tpu.memory_space<hbm>> -> memref<32x128xf32, #tpu.memory_space<hbm>>
      %dma_wait3A_840 = arith.constant 256 : i32
      %dma_wait3A_841 = arith.constant 0 : i32
      %dma_wait3A_842 = tpu.memref_slice %arg8[%dma_wait3A_840, %dma_wait3A_841] : memref<768x128xf32, #tpu.memory_space<vmem>> -> memref<32x128xf32, #tpu.memory_space<vmem>>
      %dma_wait3A_843 = arith.constant 0 : i32
      %dma_wait3A_844 = arith.constant 0 : i32
      %dma_wait3A_845 = tpu.memref_slice %arg3[%dma_wait3A_843, %dma_wait3A_844] : memref<32x1000000xf32, #tpu.memory_space<hbm>> -> memref<32x128xf32, #tpu.memory_space<hbm>>
      tpu.wait_dma2 semaphore(%arg12 : memref<!tpu.dma_semaphore, #tpu.memory_space<semaphore_mem>>) src(%dma_wait3A_845 : memref<32x128xf32, #tpu.memory_space<hbm>>) dst(%dma_wait3A_842 : memref<32x128xf32, #tpu.memory_space<vmem>>)
      %dma_wait3A_846 = arith.constant 288 : i32
      %dma_wait3A_847 = arith.constant 0 : i32
      %dma_wait3A_848 = tpu.memref_slice %arg8[%dma_wait3A_846, %dma_wait3A_847] : memref<768x128xf32, #tpu.memory_space<vmem>> -> memref<32x128xf32, #tpu.memory_space<vmem>>
      %dma_wait3A_849 = arith.constant 0 : i32
      %dma_wait3A_850 = arith.constant 0 : i32
      %dma_wait3A_851 = tpu.memref_slice %arg3[%dma_wait3A_849, %dma_wait3A_850] : memref<32x1000000xf32, #tpu.memory_space<hbm>> -> memref<32x128xf32, #tpu.memory_space<hbm>>
      %dma_wait3A_852 = arith.constant 288 : i32
      %dma_wait3A_853 = arith.constant 0 : i32
      %dma_wait3A_854 = tpu.memref_slice %arg8[%dma_wait3A_852, %dma_wait3A_853] : memref<768x128xf32, #tpu.memory_space<vmem>> -> memref<32x128xf32, #tpu.memory_space<vmem>>
      %dma_wait3A_855 = arith.constant 0 : i32
      %dma_wait3A_856 = arith.constant 0 : i32
      %dma_wait3A_857 = tpu.memref_slice %arg3[%dma_wait3A_855, %dma_wait3A_856] : memref<32x1000000xf32, #tpu.memory_space<hbm>> -> memref<32x128xf32, #tpu.memory_space<hbm>>
      tpu.wait_dma2 semaphore(%arg12 : memref<!tpu.dma_semaphore, #tpu.memory_space<semaphore_mem>>) src(%dma_wait3A_857 : memref<32x128xf32, #tpu.memory_space<hbm>>) dst(%dma_wait3A_854 : memref<32x128xf32, #tpu.memory_space<vmem>>)
      %dma_wait3A_858 = arith.constant 320 : i32
      %dma_wait3A_859 = arith.constant 0 : i32
      %dma_wait3A_860 = tpu.memref_slice %arg8[%dma_wait3A_858, %dma_wait3A_859] : memref<768x128xf32, #tpu.memory_space<vmem>> -> memref<32x128xf32, #tpu.memory_space<vmem>>
      %dma_wait3A_861 = arith.constant 0 : i32
      %dma_wait3A_862 = arith.constant 0 : i32
      %dma_wait3A_863 = tpu.memref_slice %arg3[%dma_wait3A_861, %dma_wait3A_862] : memref<32x1000000xf32, #tpu.memory_space<hbm>> -> memref<32x128xf32, #tpu.memory_space<hbm>>
      %dma_wait3A_864 = arith.constant 320 : i32
      %dma_wait3A_865 = arith.constant 0 : i32
      %dma_wait3A_866 = tpu.memref_slice %arg8[%dma_wait3A_864, %dma_wait3A_865] : memref<768x128xf32, #tpu.memory_space<vmem>> -> memref<32x128xf32, #tpu.memory_space<vmem>>
      %dma_wait3A_867 = arith.constant 0 : i32
      %dma_wait3A_868 = arith.constant 0 : i32
      %dma_wait3A_869 = tpu.memref_slice %arg3[%dma_wait3A_867, %dma_wait3A_868] : memref<32x1000000xf32, #tpu.memory_space<hbm>> -> memref<32x128xf32, #tpu.memory_space<hbm>>
      tpu.wait_dma2 semaphore(%arg12 : memref<!tpu.dma_semaphore, #tpu.memory_space<semaphore_mem>>) src(%dma_wait3A_869 : memref<32x128xf32, #tpu.memory_space<hbm>>) dst(%dma_wait3A_866 : memref<32x128xf32, #tpu.memory_space<vmem>>)
      %dma_wait3A_870 = arith.constant 352 : i32
      %dma_wait3A_871 = arith.constant 0 : i32
      %dma_wait3A_872 = tpu.memref_slice %arg8[%dma_wait3A_870, %dma_wait3A_871] : memref<768x128xf32, #tpu.memory_space<vmem>> -> memref<32x128xf32, #tpu.memory_space<vmem>>
      %dma_wait3A_873 = arith.constant 0 : i32
      %dma_wait3A_874 = arith.constant 0 : i32
      %dma_wait3A_875 = tpu.memref_slice %arg3[%dma_wait3A_873, %dma_wait3A_874] : memref<32x1000000xf32, #tpu.memory_space<hbm>> -> memref<32x128xf32, #tpu.memory_space<hbm>>
      %dma_wait3A_876 = arith.constant 352 : i32
      %dma_wait3A_877 = arith.constant 0 : i32
      %dma_wait3A_878 = tpu.memref_slice %arg8[%dma_wait3A_876, %dma_wait3A_877] : memref<768x128xf32, #tpu.memory_space<vmem>> -> memref<32x128xf32, #tpu.memory_space<vmem>>
      %dma_wait3A_879 = arith.constant 0 : i32
      %dma_wait3A_880 = arith.constant 0 : i32
      %dma_wait3A_881 = tpu.memref_slice %arg3[%dma_wait3A_879, %dma_wait3A_880] : memref<32x1000000xf32, #tpu.memory_space<hbm>> -> memref<32x128xf32, #tpu.memory_space<hbm>>
      tpu.wait_dma2 semaphore(%arg12 : memref<!tpu.dma_semaphore, #tpu.memory_space<semaphore_mem>>) src(%dma_wait3A_881 : memref<32x128xf32, #tpu.memory_space<hbm>>) dst(%dma_wait3A_878 : memref<32x128xf32, #tpu.memory_space<vmem>>)
      %dma_wait3A_882 = arith.constant 384 : i32
      %dma_wait3A_883 = arith.constant 0 : i32
      %dma_wait3A_884 = tpu.memref_slice %arg8[%dma_wait3A_882, %dma_wait3A_883] : memref<768x128xf32, #tpu.memory_space<vmem>> -> memref<32x128xf32, #tpu.memory_space<vmem>>
      %dma_wait3A_885 = arith.constant 0 : i32
      %dma_wait3A_886 = arith.constant 0 : i32
      %dma_wait3A_887 = tpu.memref_slice %arg3[%dma_wait3A_885, %dma_wait3A_886] : memref<32x1000000xf32, #tpu.memory_space<hbm>> -> memref<32x128xf32, #tpu.memory_space<hbm>>
      %dma_wait3A_888 = arith.constant 384 : i32
      %dma_wait3A_889 = arith.constant 0 : i32
      %dma_wait3A_890 = tpu.memref_slice %arg8[%dma_wait3A_888, %dma_wait3A_889] : memref<768x128xf32, #tpu.memory_space<vmem>> -> memref<32x128xf32, #tpu.memory_space<vmem>>
      %dma_wait3A_891 = arith.constant 0 : i32
      %dma_wait3A_892 = arith.constant 0 : i32
      %dma_wait3A_893 = tpu.memref_slice %arg3[%dma_wait3A_891, %dma_wait3A_892] : memref<32x1000000xf32, #tpu.memory_space<hbm>> -> memref<32x128xf32, #tpu.memory_space<hbm>>
      tpu.wait_dma2 semaphore(%arg12 : memref<!tpu.dma_semaphore, #tpu.memory_space<semaphore_mem>>) src(%dma_wait3A_893 : memref<32x128xf32, #tpu.memory_space<hbm>>) dst(%dma_wait3A_890 : memref<32x128xf32, #tpu.memory_space<vmem>>)
      %dma_wait3A_894 = arith.constant 416 : i32
      %dma_wait3A_895 = arith.constant 0 : i32
      %dma_wait3A_896 = tpu.memref_slice %arg8[%dma_wait3A_894, %dma_wait3A_895] : memref<768x128xf32, #tpu.memory_space<vmem>> -> memref<32x128xf32, #tpu.memory_space<vmem>>
      %dma_wait3A_897 = arith.constant 0 : i32
      %dma_wait3A_898 = arith.constant 0 : i32
      %dma_wait3A_899 = tpu.memref_slice %arg3[%dma_wait3A_897, %dma_wait3A_898] : memref<32x1000000xf32, #tpu.memory_space<hbm>> -> memref<32x128xf32, #tpu.memory_space<hbm>>
      %dma_wait3A_900 = arith.constant 416 : i32
      %dma_wait3A_901 = arith.constant 0 : i32
      %dma_wait3A_902 = tpu.memref_slice %arg8[%dma_wait3A_900, %dma_wait3A_901] : memref<768x128xf32, #tpu.memory_space<vmem>> -> memref<32x128xf32, #tpu.memory_space<vmem>>
      %dma_wait3A_903 = arith.constant 0 : i32
      %dma_wait3A_904 = arith.constant 0 : i32
      %dma_wait3A_905 = tpu.memref_slice %arg3[%dma_wait3A_903, %dma_wait3A_904] : memref<32x1000000xf32, #tpu.memory_space<hbm>> -> memref<32x128xf32, #tpu.memory_space<hbm>>
      tpu.wait_dma2 semaphore(%arg12 : memref<!tpu.dma_semaphore, #tpu.memory_space<semaphore_mem>>) src(%dma_wait3A_905 : memref<32x128xf32, #tpu.memory_space<hbm>>) dst(%dma_wait3A_902 : memref<32x128xf32, #tpu.memory_space<vmem>>)
      %dma_wait3A_906 = arith.constant 448 : i32
      %dma_wait3A_907 = arith.constant 0 : i32
      %dma_wait3A_908 = tpu.memref_slice %arg8[%dma_wait3A_906, %dma_wait3A_907] : memref<768x128xf32, #tpu.memory_space<vmem>> -> memref<32x128xf32, #tpu.memory_space<vmem>>
      %dma_wait3A_909 = arith.constant 0 : i32
      %dma_wait3A_910 = arith.constant 0 : i32
      %dma_wait3A_911 = tpu.memref_slice %arg3[%dma_wait3A_909, %dma_wait3A_910] : memref<32x1000000xf32, #tpu.memory_space<hbm>> -> memref<32x128xf32, #tpu.memory_space<hbm>>
      %dma_wait3A_912 = arith.constant 448 : i32
      %dma_wait3A_913 = arith.constant 0 : i32
      %dma_wait3A_914 = tpu.memref_slice %arg8[%dma_wait3A_912, %dma_wait3A_913] : memref<768x128xf32, #tpu.memory_space<vmem>> -> memref<32x128xf32, #tpu.memory_space<vmem>>
      %dma_wait3A_915 = arith.constant 0 : i32
      %dma_wait3A_916 = arith.constant 0 : i32
      %dma_wait3A_917 = tpu.memref_slice %arg3[%dma_wait3A_915, %dma_wait3A_916] : memref<32x1000000xf32, #tpu.memory_space<hbm>> -> memref<32x128xf32, #tpu.memory_space<hbm>>
      tpu.wait_dma2 semaphore(%arg12 : memref<!tpu.dma_semaphore, #tpu.memory_space<semaphore_mem>>) src(%dma_wait3A_917 : memref<32x128xf32, #tpu.memory_space<hbm>>) dst(%dma_wait3A_914 : memref<32x128xf32, #tpu.memory_space<vmem>>)
      %dma_wait3A_918 = arith.constant 480 : i32
      %dma_wait3A_919 = arith.constant 0 : i32
      %dma_wait3A_920 = tpu.memref_slice %arg8[%dma_wait3A_918, %dma_wait3A_919] : memref<768x128xf32, #tpu.memory_space<vmem>> -> memref<32x128xf32, #tpu.memory_space<vmem>>
      %dma_wait3A_921 = arith.constant 0 : i32
      %dma_wait3A_922 = arith.constant 0 : i32
      %dma_wait3A_923 = tpu.memref_slice %arg3[%dma_wait3A_921, %dma_wait3A_922] : memref<32x1000000xf32, #tpu.memory_space<hbm>> -> memref<32x128xf32, #tpu.memory_space<hbm>>
      %dma_wait3A_924 = arith.constant 480 : i32
      %dma_wait3A_925 = arith.constant 0 : i32
      %dma_wait3A_926 = tpu.memref_slice %arg8[%dma_wait3A_924, %dma_wait3A_925] : memref<768x128xf32, #tpu.memory_space<vmem>> -> memref<32x128xf32, #tpu.memory_space<vmem>>
      %dma_wait3A_927 = arith.constant 0 : i32
      %dma_wait3A_928 = arith.constant 0 : i32
      %dma_wait3A_929 = tpu.memref_slice %arg3[%dma_wait3A_927, %dma_wait3A_928] : memref<32x1000000xf32, #tpu.memory_space<hbm>> -> memref<32x128xf32, #tpu.memory_space<hbm>>
      tpu.wait_dma2 semaphore(%arg12 : memref<!tpu.dma_semaphore, #tpu.memory_space<semaphore_mem>>) src(%dma_wait3A_929 : memref<32x128xf32, #tpu.memory_space<hbm>>) dst(%dma_wait3A_926 : memref<32x128xf32, #tpu.memory_space<vmem>>)
      %mul3A_930 = arith.constant 8 : i32
      %mul3A_931 = arith.muli %add3A_824, %mul3A_930 : i32
      %get3A_932 = arith.index_cast %mul3A_931 : i32 to index
      %get3A_933 = tpu.vector_load %arg7[%get3A_932] {strides = array<i32>} : memref<528xi32, #tpu.memory_space<vmem>>, vector<16xi32>,
      %and3A_934 = arith.constant 127 : i32
      %and3A_935 = vector.broadcast %and3A_934 : i32 to vector<16xi32>
      %and3A_936 = arith.andi %get3A_933, %and3A_935 : vector<16xi32>
      %broadcast_in_dim3A_937 = arith.constant 0 : i32
      %broadcast_in_dim3A_938 = vector.broadcast %broadcast_in_dim3A_937 : i32 to vector<16xi32>
      %slice3A_939 = vector.extract_strided_slice %and3A_936 {offsets = [0], sizes = [1], strides = [1]} : vector<16xi32> to vector<1xi32>
      %squeeze3A_940 = vector.extract %slice3A_939[0] : i32 from vector<1xi32>
      %add3A_941 = vector.broadcast %squeeze3A_940 : i32 to vector<16xi32>
      %add3A_942 = arith.addi %broadcast_in_dim3A_938, %add3A_941 : vector<16xi32>
      %broadcast_in_dim3A_943 = arith.constant 0 : i32
      %broadcast_in_dim3A_944 = vector.broadcast %broadcast_in_dim3A_943 : i32 to vector<16xi32>
      %mul3A_945 = arith.constant 8 : i32
      %mul3A_946 = arith.muli %add3A_824, %mul3A_945 : i32
      %add3A_947 = arith.constant 0 : i32
      %add3A_948 = arith.addi %mul3A_946, %add3A_947 : i32
      %add3A_949 = vector.broadcast %add3A_948 : i32 to vector<16xi32>
      %add3A_950 = arith.addi %broadcast_in_dim3A_944, %add3A_949 : vector<16xi32>
      %add3A_951 = arith.constant 256 : i32
      %add3A_952 = vector.broadcast %add3A_951 : i32 to vector<16xi32>
      %add3A_953 = arith.addi %iota3A, %add3A_952 : vector<16xi32>
      %gather3A_954 = tpu.vector_load_idx %arg8[%add3A_953, %add3A_942] : memref<768x128xf32, #tpu.memory_space<vmem>>[vector<16xi32>, vector<16xi32>], vector<16xf32>,
      tpu.vector_store_idx %arg9[%iota3A, %add3A_950], %gather3A_954 : memref<32x512xf32, #tpu.memory_space<vmem>>[vector<16xi32>, vector<16xi32>], vector<16xf32>,
      %add3A_955 = arith.constant 16 : i32
      %add3A_956 = vector.broadcast %add3A_955 : i32 to vector<16xi32>
      %add3A_957 = arith.addi %add3A_953, %add3A_956 : vector<16xi32>
      %gather3A_958 = tpu.vector_load_idx %arg8[%add3A_957, %add3A_942] : memref<768x128xf32, #tpu.memory_space<vmem>>[vector<16xi32>, vector<16xi32>], vector<16xf32>,
      %add3A_959 = arith.constant 16 : i32
      %add3A_960 = vector.broadcast %add3A_959 : i32 to vector<16xi32>
      %add3A_961 = arith.addi %iota3A, %add3A_960 : vector<16xi32>
      tpu.vector_store_idx %arg9[%add3A_961, %add3A_950], %gather3A_958 : memref<32x512xf32, #tpu.memory_space<vmem>>[vector<16xi32>, vector<16xi32>], vector<16xf32>,
      %broadcast_in_dim3A_962 = arith.constant 0 : i32
      %broadcast_in_dim3A_963 = vector.broadcast %broadcast_in_dim3A_962 : i32 to vector<16xi32>
      %slice3A_964 = vector.extract_strided_slice %and3A_936 {offsets = [1], sizes = [1], strides = [1]} : vector<16xi32> to vector<1xi32>
      %squeeze3A_965 = vector.extract %slice3A_964[0] : i32 from vector<1xi32>
      %add3A_966 = vector.broadcast %squeeze3A_965 : i32 to vector<16xi32>
      %add3A_967 = arith.addi %broadcast_in_dim3A_963, %add3A_966 : vector<16xi32>
      %broadcast_in_dim3A_968 = arith.constant 0 : i32
      %broadcast_in_dim3A_969 = vector.broadcast %broadcast_in_dim3A_968 : i32 to vector<16xi32>
      %mul3A_970 = arith.constant 8 : i32
      %mul3A_971 = arith.muli %add3A_824, %mul3A_970 : i32
      %add3A_972 = arith.constant 1 : i32
      %add3A_973 = arith.addi %mul3A_971, %add3A_972 : i32
      %add3A_974 = vector.broadcast %add3A_973 : i32 to vector<16xi32>
      %add3A_975 = arith.addi %broadcast_in_dim3A_969, %add3A_974 : vector<16xi32>
      %add3A_976 = arith.constant 288 : i32
      %add3A_977 = vector.broadcast %add3A_976 : i32 to vector<16xi32>
      %add3A_978 = arith.addi %iota3A, %add3A_977 : vector<16xi32>
      %gather3A_979 = tpu.vector_load_idx %arg8[%add3A_978, %add3A_967] : memref<768x128xf32, #tpu.memory_space<vmem>>[vector<16xi32>, vector<16xi32>], vector<16xf32>,
      tpu.vector_store_idx %arg9[%iota3A, %add3A_975], %gather3A_979 : memref<32x512xf32, #tpu.memory_space<vmem>>[vector<16xi32>, vector<16xi32>], vector<16xf32>,
      %add3A_980 = arith.constant 16 : i32
      %add3A_981 = vector.broadcast %add3A_980 : i32 to vector<16xi32>
      %add3A_982 = arith.addi %add3A_978, %add3A_981 : vector<16xi32>
      %gather3A_983 = tpu.vector_load_idx %arg8[%add3A_982, %add3A_967] : memref<768x128xf32, #tpu.memory_space<vmem>>[vector<16xi32>, vector<16xi32>], vector<16xf32>,
      %add3A_984 = arith.constant 16 : i32
      %add3A_985 = vector.broadcast %add3A_984 : i32 to vector<16xi32>
      %add3A_986 = arith.addi %iota3A, %add3A_985 : vector<16xi32>
      tpu.vector_store_idx %arg9[%add3A_986, %add3A_975], %gather3A_983 : memref<32x512xf32, #tpu.memory_space<vmem>>[vector<16xi32>, vector<16xi32>], vector<16xf32>,
      %broadcast_in_dim3A_987 = arith.constant 0 : i32
      %broadcast_in_dim3A_988 = vector.broadcast %broadcast_in_dim3A_987 : i32 to vector<16xi32>
      %slice3A_989 = vector.extract_strided_slice %and3A_936 {offsets = [2], sizes = [1], strides = [1]} : vector<16xi32> to vector<1xi32>
      %squeeze3A_990 = vector.extract %slice3A_989[0] : i32 from vector<1xi32>
      %add3A_991 = vector.broadcast %squeeze3A_990 : i32 to vector<16xi32>
      %add3A_992 = arith.addi %broadcast_in_dim3A_988, %add3A_991 : vector<16xi32>
      %broadcast_in_dim3A_993 = arith.constant 0 : i32
      %broadcast_in_dim3A_994 = vector.broadcast %broadcast_in_dim3A_993 : i32 to vector<16xi32>
      %mul3A_995 = arith.constant 8 : i32
      %mul3A_996 = arith.muli %add3A_824, %mul3A_995 : i32
      %add3A_997 = arith.constant 2 : i32
      %add3A_998 = arith.addi %mul3A_996, %add3A_997 : i32
      %add3A_999 = vector.broadcast %add3A_998 : i32 to vector<16xi32>
      %add3A_1000 = arith.addi %broadcast_in_dim3A_994, %add3A_999 : vector<16xi32>
      %add3A_1001 = arith.constant 320 : i32
      %add3A_1002 = vector.broadcast %add3A_1001 : i32 to vector<16xi32>
      %add3A_1003 = arith.addi %iota3A, %add3A_1002 : vector<16xi32>
      %gather3A_1004 = tpu.vector_load_idx %arg8[%add3A_1003, %add3A_992] : memref<768x128xf32, #tpu.memory_space<vmem>>[vector<16xi32>, vector<16xi32>], vector<16xf32>,
      tpu.vector_store_idx %arg9[%iota3A, %add3A_1000], %gather3A_1004 : memref<32x512xf32, #tpu.memory_space<vmem>>[vector<16xi32>, vector<16xi32>], vector<16xf32>,
      %add3A_1005 = arith.constant 16 : i32
      %add3A_1006 = vector.broadcast %add3A_1005 : i32 to vector<16xi32>
      %add3A_1007 = arith.addi %add3A_1003, %add3A_1006 : vector<16xi32>
      %gather3A_1008 = tpu.vector_load_idx %arg8[%add3A_1007, %add3A_992] : memref<768x128xf32, #tpu.memory_space<vmem>>[vector<16xi32>, vector<16xi32>], vector<16xf32>,
      %add3A_1009 = arith.constant 16 : i32
      %add3A_1010 = vector.broadcast %add3A_1009 : i32 to vector<16xi32>
      %add3A_1011 = arith.addi %iota3A, %add3A_1010 : vector<16xi32>
      tpu.vector_store_idx %arg9[%add3A_1011, %add3A_1000], %gather3A_1008 : memref<32x512xf32, #tpu.memory_space<vmem>>[vector<16xi32>, vector<16xi32>], vector<16xf32>,
      %broadcast_in_dim3A_1012 = arith.constant 0 : i32
      %broadcast_in_dim3A_1013 = vector.broadcast %broadcast_in_dim3A_1012 : i32 to vector<16xi32>
      %slice3A_1014 = vector.extract_strided_slice %and3A_936 {offsets = [3], sizes = [1], strides = [1]} : vector<16xi32> to vector<1xi32>
      %squeeze3A_1015 = vector.extract %slice3A_1014[0] : i32 from vector<1xi32>
      %add3A_1016 = vector.broadcast %squeeze3A_1015 : i32 to vector<16xi32>
      %add3A_1017 = arith.addi %broadcast_in_dim3A_1013, %add3A_1016 : vector<16xi32>
      %broadcast_in_dim3A_1018 = arith.constant 0 : i32
      %broadcast_in_dim3A_1019 = vector.broadcast %broadcast_in_dim3A_1018 : i32 to vector<16xi32>
      %mul3A_1020 = arith.constant 8 : i32
      %mul3A_1021 = arith.muli %add3A_824, %mul3A_1020 : i32
      %add3A_1022 = arith.constant 3 : i32
      %add3A_1023 = arith.addi %mul3A_1021, %add3A_1022 : i32
      %add3A_1024 = vector.broadcast %add3A_1023 : i32 to vector<16xi32>
      %add3A_1025 = arith.addi %broadcast_in_dim3A_1019, %add3A_1024 : vector<16xi32>
      %add3A_1026 = arith.constant 352 : i32
      %add3A_1027 = vector.broadcast %add3A_1026 : i32 to vector<16xi32>
      %add3A_1028 = arith.addi %iota3A, %add3A_1027 : vector<16xi32>
      %gather3A_1029 = tpu.vector_load_idx %arg8[%add3A_1028, %add3A_1017] : memref<768x128xf32, #tpu.memory_space<vmem>>[vector<16xi32>, vector<16xi32>], vector<16xf32>,
      tpu.vector_store_idx %arg9[%iota3A, %add3A_1025], %gather3A_1029 : memref<32x512xf32, #tpu.memory_space<vmem>>[vector<16xi32>, vector<16xi32>], vector<16xf32>,
      %add3A_1030 = arith.constant 16 : i32
      %add3A_1031 = vector.broadcast %add3A_1030 : i32 to vector<16xi32>
      %add3A_1032 = arith.addi %add3A_1028, %add3A_1031 : vector<16xi32>
      %gather3A_1033 = tpu.vector_load_idx %arg8[%add3A_1032, %add3A_1017] : memref<768x128xf32, #tpu.memory_space<vmem>>[vector<16xi32>, vector<16xi32>], vector<16xf32>,
      %add3A_1034 = arith.constant 16 : i32
      %add3A_1035 = vector.broadcast %add3A_1034 : i32 to vector<16xi32>
      %add3A_1036 = arith.addi %iota3A, %add3A_1035 : vector<16xi32>
      tpu.vector_store_idx %arg9[%add3A_1036, %add3A_1025], %gather3A_1033 : memref<32x512xf32, #tpu.memory_space<vmem>>[vector<16xi32>, vector<16xi32>], vector<16xf32>,
      %broadcast_in_dim3A_1037 = arith.constant 0 : i32
      %broadcast_in_dim3A_1038 = vector.broadcast %broadcast_in_dim3A_1037 : i32 to vector<16xi32>
      %slice3A_1039 = vector.extract_strided_slice %and3A_936 {offsets = [4], sizes = [1], strides = [1]} : vector<16xi32> to vector<1xi32>
      %squeeze3A_1040 = vector.extract %slice3A_1039[0] : i32 from vector<1xi32>
      %add3A_1041 = vector.broadcast %squeeze3A_1040 : i32 to vector<16xi32>
      %add3A_1042 = arith.addi %broadcast_in_dim3A_1038, %add3A_1041 : vector<16xi32>
      %broadcast_in_dim3A_1043 = arith.constant 0 : i32
      %broadcast_in_dim3A_1044 = vector.broadcast %broadcast_in_dim3A_1043 : i32 to vector<16xi32>
      %mul3A_1045 = arith.constant 8 : i32
      %mul3A_1046 = arith.muli %add3A_824, %mul3A_1045 : i32
      %add3A_1047 = arith.constant 4 : i32
      %add3A_1048 = arith.addi %mul3A_1046, %add3A_1047 : i32
      %add3A_1049 = vector.broadcast %add3A_1048 : i32 to vector<16xi32>
      %add3A_1050 = arith.addi %broadcast_in_dim3A_1044, %add3A_1049 : vector<16xi32>
      %add3A_1051 = arith.constant 384 : i32
      %add3A_1052 = vector.broadcast %add3A_1051 : i32 to vector<16xi32>
      %add3A_1053 = arith.addi %iota3A, %add3A_1052 : vector<16xi32>
      %gather3A_1054 = tpu.vector_load_idx %arg8[%add3A_1053, %add3A_1042] : memref<768x128xf32, #tpu.memory_space<vmem>>[vector<16xi32>, vector<16xi32>], vector<16xf32>,
      tpu.vector_store_idx %arg9[%iota3A, %add3A_1050], %gather3A_1054 : memref<32x512xf32, #tpu.memory_space<vmem>>[vector<16xi32>, vector<16xi32>], vector<16xf32>,
      %add3A_1055 = arith.constant 16 : i32
      %add3A_1056 = vector.broadcast %add3A_1055 : i32 to vector<16xi32>
      %add3A_1057 = arith.addi %add3A_1053, %add3A_1056 : vector<16xi32>
      %gather3A_1058 = tpu.vector_load_idx %arg8[%add3A_1057, %add3A_1042] : memref<768x128xf32, #tpu.memory_space<vmem>>[vector<16xi32>, vector<16xi32>], vector<16xf32>,
      %add3A_1059 = arith.constant 16 : i32
      %add3A_1060 = vector.broadcast %add3A_1059 : i32 to vector<16xi32>
      %add3A_1061 = arith.addi %iota3A, %add3A_1060 : vector<16xi32>
      tpu.vector_store_idx %arg9[%add3A_1061, %add3A_1050], %gather3A_1058 : memref<32x512xf32, #tpu.memory_space<vmem>>[vector<16xi32>, vector<16xi32>], vector<16xf32>,
      %broadcast_in_dim3A_1062 = arith.constant 0 : i32
      %broadcast_in_dim3A_1063 = vector.broadcast %broadcast_in_dim3A_1062 : i32 to vector<16xi32>
      %slice3A_1064 = vector.extract_strided_slice %and3A_936 {offsets = [5], sizes = [1], strides = [1]} : vector<16xi32> to vector<1xi32>
      %squeeze3A_1065 = vector.extract %slice3A_1064[0] : i32 from vector<1xi32>
      %add3A_1066 = vector.broadcast %squeeze3A_1065 : i32 to vector<16xi32>
      %add3A_1067 = arith.addi %broadcast_in_dim3A_1063, %add3A_1066 : vector<16xi32>
      %broadcast_in_dim3A_1068 = arith.constant 0 : i32
      %broadcast_in_dim3A_1069 = vector.broadcast %broadcast_in_dim3A_1068 : i32 to vector<16xi32>
      %mul3A_1070 = arith.constant 8 : i32
      %mul3A_1071 = arith.muli %add3A_824, %mul3A_1070 : i32
      %add3A_1072 = arith.constant 5 : i32
      %add3A_1073 = arith.addi %mul3A_1071, %add3A_1072 : i32
      %add3A_1074 = vector.broadcast %add3A_1073 : i32 to vector<16xi32>
      %add3A_1075 = arith.addi %broadcast_in_dim3A_1069, %add3A_1074 : vector<16xi32>
      %add3A_1076 = arith.constant 416 : i32
      %add3A_1077 = vector.broadcast %add3A_1076 : i32 to vector<16xi32>
      %add3A_1078 = arith.addi %iota3A, %add3A_1077 : vector<16xi32>
      %gather3A_1079 = tpu.vector_load_idx %arg8[%add3A_1078, %add3A_1067] : memref<768x128xf32, #tpu.memory_space<vmem>>[vector<16xi32>, vector<16xi32>], vector<16xf32>,
      tpu.vector_store_idx %arg9[%iota3A, %add3A_1075], %gather3A_1079 : memref<32x512xf32, #tpu.memory_space<vmem>>[vector<16xi32>, vector<16xi32>], vector<16xf32>,
      %add3A_1080 = arith.constant 16 : i32
      %add3A_1081 = vector.broadcast %add3A_1080 : i32 to vector<16xi32>
      %add3A_1082 = arith.addi %add3A_1078, %add3A_1081 : vector<16xi32>
      %gather3A_1083 = tpu.vector_load_idx %arg8[%add3A_1082, %add3A_1067] : memref<768x128xf32, #tpu.memory_space<vmem>>[vector<16xi32>, vector<16xi32>], vector<16xf32>,
      %add3A_1084 = arith.constant 16 : i32
      %add3A_1085 = vector.broadcast %add3A_1084 : i32 to vector<16xi32>
      %add3A_1086 = arith.addi %iota3A, %add3A_1085 : vector<16xi32>
      tpu.vector_store_idx %arg9[%add3A_1086, %add3A_1075], %gather3A_1083 : memref<32x512xf32, #tpu.memory_space<vmem>>[vector<16xi32>, vector<16xi32>], vector<16xf32>,
      %broadcast_in_dim3A_1087 = arith.constant 0 : i32
      %broadcast_in_dim3A_1088 = vector.broadcast %broadcast_in_dim3A_1087 : i32 to vector<16xi32>
      %slice3A_1089 = vector.extract_strided_slice %and3A_936 {offsets = [6], sizes = [1], strides = [1]} : vector<16xi32> to vector<1xi32>
      %squeeze3A_1090 = vector.extract %slice3A_1089[0] : i32 from vector<1xi32>
      %add3A_1091 = vector.broadcast %squeeze3A_1090 : i32 to vector<16xi32>
      %add3A_1092 = arith.addi %broadcast_in_dim3A_1088, %add3A_1091 : vector<16xi32>
      %broadcast_in_dim3A_1093 = arith.constant 0 : i32
      %broadcast_in_dim3A_1094 = vector.broadcast %broadcast_in_dim3A_1093 : i32 to vector<16xi32>
      %mul3A_1095 = arith.constant 8 : i32
      %mul3A_1096 = arith.muli %add3A_824, %mul3A_1095 : i32
      %add3A_1097 = arith.constant 6 : i32
      %add3A_1098 = arith.addi %mul3A_1096, %add3A_1097 : i32
      %add3A_1099 = vector.broadcast %add3A_1098 : i32 to vector<16xi32>
      %add3A_1100 = arith.addi %broadcast_in_dim3A_1094, %add3A_1099 : vector<16xi32>
      %add3A_1101 = arith.constant 448 : i32
      %add3A_1102 = vector.broadcast %add3A_1101 : i32 to vector<16xi32>
      %add3A_1103 = arith.addi %iota3A, %add3A_1102 : vector<16xi32>
      %gather3A_1104 = tpu.vector_load_idx %arg8[%add3A_1103, %add3A_1092] : memref<768x128xf32, #tpu.memory_space<vmem>>[vector<16xi32>, vector<16xi32>], vector<16xf32>,
      tpu.vector_store_idx %arg9[%iota3A, %add3A_1100], %gather3A_1104 : memref<32x512xf32, #tpu.memory_space<vmem>>[vector<16xi32>, vector<16xi32>], vector<16xf32>,
      %add3A_1105 = arith.constant 16 : i32
      %add3A_1106 = vector.broadcast %add3A_1105 : i32 to vector<16xi32>
      %add3A_1107 = arith.addi %add3A_1103, %add3A_1106 : vector<16xi32>
      %gather3A_1108 = tpu.vector_load_idx %arg8[%add3A_1107, %add3A_1092] : memref<768x128xf32, #tpu.memory_space<vmem>>[vector<16xi32>, vector<16xi32>], vector<16xf32>,
      %add3A_1109 = arith.constant 16 : i32
      %add3A_1110 = vector.broadcast %add3A_1109 : i32 to vector<16xi32>
      %add3A_1111 = arith.addi %iota3A, %add3A_1110 : vector<16xi32>
      tpu.vector_store_idx %arg9[%add3A_1111, %add3A_1100], %gather3A_1108 : memref<32x512xf32, #tpu.memory_space<vmem>>[vector<16xi32>, vector<16xi32>], vector<16xf32>,
      %broadcast_in_dim3A_1112 = arith.constant 0 : i32
      %broadcast_in_dim3A_1113 = vector.broadcast %broadcast_in_dim3A_1112 : i32 to vector<16xi32>
      %slice3A_1114 = vector.extract_strided_slice %and3A_936 {offsets = [7], sizes = [1], strides = [1]} : vector<16xi32> to vector<1xi32>
      %squeeze3A_1115 = vector.extract %slice3A_1114[0] : i32 from vector<1xi32>
      %add3A_1116 = vector.broadcast %squeeze3A_1115 : i32 to vector<16xi32>
      %add3A_1117 = arith.addi %broadcast_in_dim3A_1113, %add3A_1116 : vector<16xi32>
      %broadcast_in_dim3A_1118 = arith.constant 0 : i32
      %broadcast_in_dim3A_1119 = vector.broadcast %broadcast_in_dim3A_1118 : i32 to vector<16xi32>
      %mul3A_1120 = arith.constant 8 : i32
      %mul3A_1121 = arith.muli %add3A_824, %mul3A_1120 : i32
      %add3A_1122 = arith.constant 7 : i32
      %add3A_1123 = arith.addi %mul3A_1121, %add3A_1122 : i32
      %add3A_1124 = vector.broadcast %add3A_1123 : i32 to vector<16xi32>
      %add3A_1125 = arith.addi %broadcast_in_dim3A_1119, %add3A_1124 : vector<16xi32>
      %add3A_1126 = arith.constant 480 : i32
      %add3A_1127 = vector.broadcast %add3A_1126 : i32 to vector<16xi32>
      %add3A_1128 = arith.addi %iota3A, %add3A_1127 : vector<16xi32>
      %gather3A_1129 = tpu.vector_load_idx %arg8[%add3A_1128, %add3A_1117] : memref<768x128xf32, #tpu.memory_space<vmem>>[vector<16xi32>, vector<16xi32>], vector<16xf32>,
      tpu.vector_store_idx %arg9[%iota3A, %add3A_1125], %gather3A_1129 : memref<32x512xf32, #tpu.memory_space<vmem>>[vector<16xi32>, vector<16xi32>], vector<16xf32>,
      %add3A_1130 = arith.constant 16 : i32
      %add3A_1131 = vector.broadcast %add3A_1130 : i32 to vector<16xi32>
      %add3A_1132 = arith.addi %add3A_1128, %add3A_1131 : vector<16xi32>
      %gather3A_1133 = tpu.vector_load_idx %arg8[%add3A_1132, %add3A_1117] : memref<768x128xf32, #tpu.memory_space<vmem>>[vector<16xi32>, vector<16xi32>], vector<16xf32>,
      %add3A_1134 = arith.constant 16 : i32
      %add3A_1135 = vector.broadcast %add3A_1134 : i32 to vector<16xi32>
      %add3A_1136 = arith.addi %iota3A, %add3A_1135 : vector<16xi32>
      tpu.vector_store_idx %arg9[%add3A_1136, %add3A_1125], %gather3A_1133 : memref<32x512xf32, #tpu.memory_space<vmem>>[vector<16xi32>, vector<16xi32>], vector<16xf32>,
      %mul3A_1137 = arith.constant 3 : i32
      %mul3A_1138 = arith.muli %add3A_505, %mul3A_1137 : i32
      %add3A_1139 = arith.constant 2 : i32
      %add3A_1140 = arith.addi %mul3A_1138, %add3A_1139 : i32
      %add3A_1141 = arith.constant 2 : i32
      %add3A_1142 = arith.addi %add3A_1140, %add3A_1141 : i32
      %lt3A_1143 = arith.constant 64 : i32
      %lt3A_1144 = arith.cmpi slt, %add3A_1142, %lt3A_1143 : i32
      %add3A_1145 = arith.constant 2 : i32
      %add3A_1146 = arith.addi %add3A_1140, %add3A_1145 : i32
      %convert_element_type3A_1147 = arith.extui %lt3A_1144 : i1 to i32
      %cond3A_1148 = arith.constant 0 : i32
      %cond3A_1149 = arith.cmpi ne, %convert_element_type3A_1147, %cond3A_1148 : i32
      scf.if %cond3A_1149 {
        %mul3A_1453 = arith.constant 8 : i32
        %mul3A_1454 = arith.muli %add3A_1146, %mul3A_1453 : i32
        %get3A_1455 = arith.index_cast %mul3A_1454 : i32 to index
        %get3A_1456 = tpu.vector_load %arg7[%get3A_1455] {strides = array<i32>} : memref<528xi32, #tpu.memory_space<vmem>>, vector<16xi32>,
        %shift_right_arithmetic3A_1457 = arith.constant 7 : i32
        %shift_right_arithmetic3A_1458 = vector.broadcast %shift_right_arithmetic3A_1457 : i32 to vector<16xi32>
        %shift_right_arithmetic3A_1459 = arith.shrsi %get3A_1456, %shift_right_arithmetic3A_1458 : vector<16xi32>
        %shift_left3A_1460 = arith.constant 7 : i32
        %shift_left3A_1461 = vector.broadcast %shift_left3A_1460 : i32 to vector<16xi32>
        %shift_left3A_1462 = arith.shli %shift_right_arithmetic3A_1459, %shift_left3A_1461 : vector<16xi32>
        %slice3A_1463 = vector.extract_strided_slice %shift_left3A_1462 {offsets = [0], sizes = [1], strides = [1]} : vector<16xi32> to vector<1xi32>
        %squeeze3A_1464 = vector.extract %slice3A_1463[0] : i32 from vector<1xi32>
        %multiple_of3A_1465 = tpu.assume_multiple %squeeze3A_1464, 128 : i32
        %dma_start3A_1466 = arith.constant 256 : i32
        %dma_start3A_1467 = arith.constant 0 : i32
        %dma_start3A_1468 = tpu.memref_slice %arg8[%dma_start3A_1466, %dma_start3A_1467] : memref<768x128xf32, #tpu.memory_space<vmem>> -> memref<32x128xf32, #tpu.memory_space<vmem>>
        %dma_start3A_1469 = arith.constant 0 : i32
        %dma_start3A_1470 = tpu.memref_slice %arg3[%dma_start3A_1469, %multiple_of3A_1465] : memref<32x1000000xf32, #tpu.memory_space<hbm>> -> memref<32x128xf32, #tpu.memory_space<hbm>>
        %dma_start3A_1471 = arith.constant 256 : i32
        %dma_start3A_1472 = arith.constant 0 : i32
        %dma_start3A_1473 = tpu.memref_slice %arg8[%dma_start3A_1471, %dma_start3A_1472] : memref<768x128xf32, #tpu.memory_space<vmem>> -> memref<32x128xf32, #tpu.memory_space<vmem>>
        %dma_start3A_1474 = arith.constant 0 : i32
        %dma_start3A_1475 = tpu.memref_slice %arg3[%dma_start3A_1474, %multiple_of3A_1465] : memref<32x1000000xf32, #tpu.memory_space<hbm>> -> memref<32x128xf32, #tpu.memory_space<hbm>>
        tpu.enqueue_dma source(%dma_start3A_1475 : memref<32x128xf32, #tpu.memory_space<hbm>>) target(%dma_start3A_1473 : memref<32x128xf32, #tpu.memory_space<vmem>>) target_semaphore(%arg12 : memref<!tpu.dma_semaphore, #tpu.memory_space<semaphore_mem>>)
        %slice3A_1476 = vector.extract_strided_slice %shift_left3A_1462 {offsets = [1], sizes = [1], strides = [1]} : vector<16xi32> to vector<1xi32>
        %squeeze3A_1477 = vector.extract %slice3A_1476[0] : i32 from vector<1xi32>
        %multiple_of3A_1478 = tpu.assume_multiple %squeeze3A_1477, 128 : i32
        %dma_start3A_1479 = arith.constant 288 : i32
        %dma_start3A_1480 = arith.constant 0 : i32
        %dma_start3A_1481 = tpu.memref_slice %arg8[%dma_start3A_1479, %dma_start3A_1480] : memref<768x128xf32, #tpu.memory_space<vmem>> -> memref<32x128xf32, #tpu.memory_space<vmem>>
        %dma_start3A_1482 = arith.constant 0 : i32
        %dma_start3A_1483 = tpu.memref_slice %arg3[%dma_start3A_1482, %multiple_of3A_1478] : memref<32x1000000xf32, #tpu.memory_space<hbm>> -> memref<32x128xf32, #tpu.memory_space<hbm>>
        %dma_start3A_1484 = arith.constant 288 : i32
        %dma_start3A_1485 = arith.constant 0 : i32
        %dma_start3A_1486 = tpu.memref_slice %arg8[%dma_start3A_1484, %dma_start3A_1485] : memref<768x128xf32, #tpu.memory_space<vmem>> -> memref<32x128xf32, #tpu.memory_space<vmem>>
        %dma_start3A_1487 = arith.constant 0 : i32
        %dma_start3A_1488 = tpu.memref_slice %arg3[%dma_start3A_1487, %multiple_of3A_1478] : memref<32x1000000xf32, #tpu.memory_space<hbm>> -> memref<32x128xf32, #tpu.memory_space<hbm>>
        tpu.enqueue_dma source(%dma_start3A_1488 : memref<32x128xf32, #tpu.memory_space<hbm>>) target(%dma_start3A_1486 : memref<32x128xf32, #tpu.memory_space<vmem>>) target_semaphore(%arg12 : memref<!tpu.dma_semaphore, #tpu.memory_space<semaphore_mem>>)
        %slice3A_1489 = vector.extract_strided_slice %shift_left3A_1462 {offsets = [2], sizes = [1], strides = [1]} : vector<16xi32> to vector<1xi32>
        %squeeze3A_1490 = vector.extract %slice3A_1489[0] : i32 from vector<1xi32>
        %multiple_of3A_1491 = tpu.assume_multiple %squeeze3A_1490, 128 : i32
        %dma_start3A_1492 = arith.constant 320 : i32
        %dma_start3A_1493 = arith.constant 0 : i32
        %dma_start3A_1494 = tpu.memref_slice %arg8[%dma_start3A_1492, %dma_start3A_1493] : memref<768x128xf32, #tpu.memory_space<vmem>> -> memref<32x128xf32, #tpu.memory_space<vmem>>
        %dma_start3A_1495 = arith.constant 0 : i32
        %dma_start3A_1496 = tpu.memref_slice %arg3[%dma_start3A_1495, %multiple_of3A_1491] : memref<32x1000000xf32, #tpu.memory_space<hbm>> -> memref<32x128xf32, #tpu.memory_space<hbm>>
        %dma_start3A_1497 = arith.constant 320 : i32
        %dma_start3A_1498 = arith.constant 0 : i32
        %dma_start3A_1499 = tpu.memref_slice %arg8[%dma_start3A_1497, %dma_start3A_1498] : memref<768x128xf32, #tpu.memory_space<vmem>> -> memref<32x128xf32, #tpu.memory_space<vmem>>
        %dma_start3A_1500 = arith.constant 0 : i32
        %dma_start3A_1501 = tpu.memref_slice %arg3[%dma_start3A_1500, %multiple_of3A_1491] : memref<32x1000000xf32, #tpu.memory_space<hbm>> -> memref<32x128xf32, #tpu.memory_space<hbm>>
        tpu.enqueue_dma source(%dma_start3A_1501 : memref<32x128xf32, #tpu.memory_space<hbm>>) target(%dma_start3A_1499 : memref<32x128xf32, #tpu.memory_space<vmem>>) target_semaphore(%arg12 : memref<!tpu.dma_semaphore, #tpu.memory_space<semaphore_mem>>)
        %slice3A_1502 = vector.extract_strided_slice %shift_left3A_1462 {offsets = [3], sizes = [1], strides = [1]} : vector<16xi32> to vector<1xi32>
        %squeeze3A_1503 = vector.extract %slice3A_1502[0] : i32 from vector<1xi32>
        %multiple_of3A_1504 = tpu.assume_multiple %squeeze3A_1503, 128 : i32
        %dma_start3A_1505 = arith.constant 352 : i32
        %dma_start3A_1506 = arith.constant 0 : i32
        %dma_start3A_1507 = tpu.memref_slice %arg8[%dma_start3A_1505, %dma_start3A_1506] : memref<768x128xf32, #tpu.memory_space<vmem>> -> memref<32x128xf32, #tpu.memory_space<vmem>>
        %dma_start3A_1508 = arith.constant 0 : i32
        %dma_start3A_1509 = tpu.memref_slice %arg3[%dma_start3A_1508, %multiple_of3A_1504] : memref<32x1000000xf32, #tpu.memory_space<hbm>> -> memref<32x128xf32, #tpu.memory_space<hbm>>
        %dma_start3A_1510 = arith.constant 352 : i32
        %dma_start3A_1511 = arith.constant 0 : i32
        %dma_start3A_1512 = tpu.memref_slice %arg8[%dma_start3A_1510, %dma_start3A_1511] : memref<768x128xf32, #tpu.memory_space<vmem>> -> memref<32x128xf32, #tpu.memory_space<vmem>>
        %dma_start3A_1513 = arith.constant 0 : i32
        %dma_start3A_1514 = tpu.memref_slice %arg3[%dma_start3A_1513, %multiple_of3A_1504] : memref<32x1000000xf32, #tpu.memory_space<hbm>> -> memref<32x128xf32, #tpu.memory_space<hbm>>
        tpu.enqueue_dma source(%dma_start3A_1514 : memref<32x128xf32, #tpu.memory_space<hbm>>) target(%dma_start3A_1512 : memref<32x128xf32, #tpu.memory_space<vmem>>) target_semaphore(%arg12 : memref<!tpu.dma_semaphore, #tpu.memory_space<semaphore_mem>>)
        %slice3A_1515 = vector.extract_strided_slice %shift_left3A_1462 {offsets = [4], sizes = [1], strides = [1]} : vector<16xi32> to vector<1xi32>
        %squeeze3A_1516 = vector.extract %slice3A_1515[0] : i32 from vector<1xi32>
        %multiple_of3A_1517 = tpu.assume_multiple %squeeze3A_1516, 128 : i32
        %dma_start3A_1518 = arith.constant 384 : i32
        %dma_start3A_1519 = arith.constant 0 : i32
        %dma_start3A_1520 = tpu.memref_slice %arg8[%dma_start3A_1518, %dma_start3A_1519] : memref<768x128xf32, #tpu.memory_space<vmem>> -> memref<32x128xf32, #tpu.memory_space<vmem>>
        %dma_start3A_1521 = arith.constant 0 : i32
        %dma_start3A_1522 = tpu.memref_slice %arg3[%dma_start3A_1521, %multiple_of3A_1517] : memref<32x1000000xf32, #tpu.memory_space<hbm>> -> memref<32x128xf32, #tpu.memory_space<hbm>>
        %dma_start3A_1523 = arith.constant 384 : i32
        %dma_start3A_1524 = arith.constant 0 : i32
        %dma_start3A_1525 = tpu.memref_slice %arg8[%dma_start3A_1523, %dma_start3A_1524] : memref<768x128xf32, #tpu.memory_space<vmem>> -> memref<32x128xf32, #tpu.memory_space<vmem>>
        %dma_start3A_1526 = arith.constant 0 : i32
        %dma_start3A_1527 = tpu.memref_slice %arg3[%dma_start3A_1526, %multiple_of3A_1517] : memref<32x1000000xf32, #tpu.memory_space<hbm>> -> memref<32x128xf32, #tpu.memory_space<hbm>>
        tpu.enqueue_dma source(%dma_start3A_1527 : memref<32x128xf32, #tpu.memory_space<hbm>>) target(%dma_start3A_1525 : memref<32x128xf32, #tpu.memory_space<vmem>>) target_semaphore(%arg12 : memref<!tpu.dma_semaphore, #tpu.memory_space<semaphore_mem>>)
        %slice3A_1528 = vector.extract_strided_slice %shift_left3A_1462 {offsets = [5], sizes = [1], strides = [1]} : vector<16xi32> to vector<1xi32>
        %squeeze3A_1529 = vector.extract %slice3A_1528[0] : i32 from vector<1xi32>
        %multiple_of3A_1530 = tpu.assume_multiple %squeeze3A_1529, 128 : i32
        %dma_start3A_1531 = arith.constant 416 : i32
        %dma_start3A_1532 = arith.constant 0 : i32
        %dma_start3A_1533 = tpu.memref_slice %arg8[%dma_start3A_1531, %dma_start3A_1532] : memref<768x128xf32, #tpu.memory_space<vmem>> -> memref<32x128xf32, #tpu.memory_space<vmem>>
        %dma_start3A_1534 = arith.constant 0 : i32
        %dma_start3A_1535 = tpu.memref_slice %arg3[%dma_start3A_1534, %multiple_of3A_1530] : memref<32x1000000xf32, #tpu.memory_space<hbm>> -> memref<32x128xf32, #tpu.memory_space<hbm>>
        %dma_start3A_1536 = arith.constant 416 : i32
        %dma_start3A_1537 = arith.constant 0 : i32
        %dma_start3A_1538 = tpu.memref_slice %arg8[%dma_start3A_1536, %dma_start3A_1537] : memref<768x128xf32, #tpu.memory_space<vmem>> -> memref<32x128xf32, #tpu.memory_space<vmem>>
        %dma_start3A_1539 = arith.constant 0 : i32
        %dma_start3A_1540 = tpu.memref_slice %arg3[%dma_start3A_1539, %multiple_of3A_1530] : memref<32x1000000xf32, #tpu.memory_space<hbm>> -> memref<32x128xf32, #tpu.memory_space<hbm>>
        tpu.enqueue_dma source(%dma_start3A_1540 : memref<32x128xf32, #tpu.memory_space<hbm>>) target(%dma_start3A_1538 : memref<32x128xf32, #tpu.memory_space<vmem>>) target_semaphore(%arg12 : memref<!tpu.dma_semaphore, #tpu.memory_space<semaphore_mem>>)
        %slice3A_1541 = vector.extract_strided_slice %shift_left3A_1462 {offsets = [6], sizes = [1], strides = [1]} : vector<16xi32> to vector<1xi32>
        %squeeze3A_1542 = vector.extract %slice3A_1541[0] : i32 from vector<1xi32>
        %multiple_of3A_1543 = tpu.assume_multiple %squeeze3A_1542, 128 : i32
        %dma_start3A_1544 = arith.constant 448 : i32
        %dma_start3A_1545 = arith.constant 0 : i32
        %dma_start3A_1546 = tpu.memref_slice %arg8[%dma_start3A_1544, %dma_start3A_1545] : memref<768x128xf32, #tpu.memory_space<vmem>> -> memref<32x128xf32, #tpu.memory_space<vmem>>
        %dma_start3A_1547 = arith.constant 0 : i32
        %dma_start3A_1548 = tpu.memref_slice %arg3[%dma_start3A_1547, %multiple_of3A_1543] : memref<32x1000000xf32, #tpu.memory_space<hbm>> -> memref<32x128xf32, #tpu.memory_space<hbm>>
        %dma_start3A_1549 = arith.constant 448 : i32
        %dma_start3A_1550 = arith.constant 0 : i32
        %dma_start3A_1551 = tpu.memref_slice %arg8[%dma_start3A_1549, %dma_start3A_1550] : memref<768x128xf32, #tpu.memory_space<vmem>> -> memref<32x128xf32, #tpu.memory_space<vmem>>
        %dma_start3A_1552 = arith.constant 0 : i32
        %dma_start3A_1553 = tpu.memref_slice %arg3[%dma_start3A_1552, %multiple_of3A_1543] : memref<32x1000000xf32, #tpu.memory_space<hbm>> -> memref<32x128xf32, #tpu.memory_space<hbm>>
        tpu.enqueue_dma source(%dma_start3A_1553 : memref<32x128xf32, #tpu.memory_space<hbm>>) target(%dma_start3A_1551 : memref<32x128xf32, #tpu.memory_space<vmem>>) target_semaphore(%arg12 : memref<!tpu.dma_semaphore, #tpu.memory_space<semaphore_mem>>)
        %slice3A_1554 = vector.extract_strided_slice %shift_left3A_1462 {offsets = [7], sizes = [1], strides = [1]} : vector<16xi32> to vector<1xi32>
        %squeeze3A_1555 = vector.extract %slice3A_1554[0] : i32 from vector<1xi32>
        %multiple_of3A_1556 = tpu.assume_multiple %squeeze3A_1555, 128 : i32
        %dma_start3A_1557 = arith.constant 480 : i32
        %dma_start3A_1558 = arith.constant 0 : i32
        %dma_start3A_1559 = tpu.memref_slice %arg8[%dma_start3A_1557, %dma_start3A_1558] : memref<768x128xf32, #tpu.memory_space<vmem>> -> memref<32x128xf32, #tpu.memory_space<vmem>>
        %dma_start3A_1560 = arith.constant 0 : i32
        %dma_start3A_1561 = tpu.memref_slice %arg3[%dma_start3A_1560, %multiple_of3A_1556] : memref<32x1000000xf32, #tpu.memory_space<hbm>> -> memref<32x128xf32, #tpu.memory_space<hbm>>
        %dma_start3A_1562 = arith.constant 480 : i32
        %dma_start3A_1563 = arith.constant 0 : i32
        %dma_start3A_1564 = tpu.memref_slice %arg8[%dma_start3A_1562, %dma_start3A_1563] : memref<768x128xf32, #tpu.memory_space<vmem>> -> memref<32x128xf32, #tpu.memory_space<vmem>>
        %dma_start3A_1565 = arith.constant 0 : i32
        %dma_start3A_1566 = tpu.memref_slice %arg3[%dma_start3A_1565, %multiple_of3A_1556] : memref<32x1000000xf32, #tpu.memory_space<hbm>> -> memref<32x128xf32, #tpu.memory_space<hbm>>
        tpu.enqueue_dma source(%dma_start3A_1566 : memref<32x128xf32, #tpu.memory_space<hbm>>) target(%dma_start3A_1564 : memref<32x128xf32, #tpu.memory_space<vmem>>) target_semaphore(%arg12 : memref<!tpu.dma_semaphore, #tpu.memory_space<semaphore_mem>>)
      } else {
      }
      %dma_wait3A_1150 = arith.constant 512 : i32
      %dma_wait3A_1151 = arith.constant 0 : i32
      %dma_wait3A_1152 = tpu.memref_slice %arg8[%dma_wait3A_1150, %dma_wait3A_1151] : memref<768x128xf32, #tpu.memory_space<vmem>> -> memref<32x128xf32, #tpu.memory_space<vmem>>
      %dma_wait3A_1153 = arith.constant 0 : i32
      %dma_wait3A_1154 = arith.constant 0 : i32
      %dma_wait3A_1155 = tpu.memref_slice %arg3[%dma_wait3A_1153, %dma_wait3A_1154] : memref<32x1000000xf32, #tpu.memory_space<hbm>> -> memref<32x128xf32, #tpu.memory_space<hbm>>
      %dma_wait3A_1156 = arith.constant 512 : i32
      %dma_wait3A_1157 = arith.constant 0 : i32
      %dma_wait3A_1158 = tpu.memref_slice %arg8[%dma_wait3A_1156, %dma_wait3A_1157] : memref<768x128xf32, #tpu.memory_space<vmem>> -> memref<32x128xf32, #tpu.memory_space<vmem>>
      %dma_wait3A_1159 = arith.constant 0 : i32
      %dma_wait3A_1160 = arith.constant 0 : i32
      %dma_wait3A_1161 = tpu.memref_slice %arg3[%dma_wait3A_1159, %dma_wait3A_1160] : memref<32x1000000xf32, #tpu.memory_space<hbm>> -> memref<32x128xf32, #tpu.memory_space<hbm>>
      tpu.wait_dma2 semaphore(%arg13 : memref<!tpu.dma_semaphore, #tpu.memory_space<semaphore_mem>>) src(%dma_wait3A_1161 : memref<32x128xf32, #tpu.memory_space<hbm>>) dst(%dma_wait3A_1158 : memref<32x128xf32, #tpu.memory_space<vmem>>)
      %dma_wait3A_1162 = arith.constant 544 : i32
      %dma_wait3A_1163 = arith.constant 0 : i32
      %dma_wait3A_1164 = tpu.memref_slice %arg8[%dma_wait3A_1162, %dma_wait3A_1163] : memref<768x128xf32, #tpu.memory_space<vmem>> -> memref<32x128xf32, #tpu.memory_space<vmem>>
      %dma_wait3A_1165 = arith.constant 0 : i32
      %dma_wait3A_1166 = arith.constant 0 : i32
      %dma_wait3A_1167 = tpu.memref_slice %arg3[%dma_wait3A_1165, %dma_wait3A_1166] : memref<32x1000000xf32, #tpu.memory_space<hbm>> -> memref<32x128xf32, #tpu.memory_space<hbm>>
      %dma_wait3A_1168 = arith.constant 544 : i32
      %dma_wait3A_1169 = arith.constant 0 : i32
      %dma_wait3A_1170 = tpu.memref_slice %arg8[%dma_wait3A_1168, %dma_wait3A_1169] : memref<768x128xf32, #tpu.memory_space<vmem>> -> memref<32x128xf32, #tpu.memory_space<vmem>>
      %dma_wait3A_1171 = arith.constant 0 : i32
      %dma_wait3A_1172 = arith.constant 0 : i32
      %dma_wait3A_1173 = tpu.memref_slice %arg3[%dma_wait3A_1171, %dma_wait3A_1172] : memref<32x1000000xf32, #tpu.memory_space<hbm>> -> memref<32x128xf32, #tpu.memory_space<hbm>>
      tpu.wait_dma2 semaphore(%arg13 : memref<!tpu.dma_semaphore, #tpu.memory_space<semaphore_mem>>) src(%dma_wait3A_1173 : memref<32x128xf32, #tpu.memory_space<hbm>>) dst(%dma_wait3A_1170 : memref<32x128xf32, #tpu.memory_space<vmem>>)
      %dma_wait3A_1174 = arith.constant 576 : i32
      %dma_wait3A_1175 = arith.constant 0 : i32
      %dma_wait3A_1176 = tpu.memref_slice %arg8[%dma_wait3A_1174, %dma_wait3A_1175] : memref<768x128xf32, #tpu.memory_space<vmem>> -> memref<32x128xf32, #tpu.memory_space<vmem>>
      %dma_wait3A_1177 = arith.constant 0 : i32
      %dma_wait3A_1178 = arith.constant 0 : i32
      %dma_wait3A_1179 = tpu.memref_slice %arg3[%dma_wait3A_1177, %dma_wait3A_1178] : memref<32x1000000xf32, #tpu.memory_space<hbm>> -> memref<32x128xf32, #tpu.memory_space<hbm>>
      %dma_wait3A_1180 = arith.constant 576 : i32
      %dma_wait3A_1181 = arith.constant 0 : i32
      %dma_wait3A_1182 = tpu.memref_slice %arg8[%dma_wait3A_1180, %dma_wait3A_1181] : memref<768x128xf32, #tpu.memory_space<vmem>> -> memref<32x128xf32, #tpu.memory_space<vmem>>
      %dma_wait3A_1183 = arith.constant 0 : i32
      %dma_wait3A_1184 = arith.constant 0 : i32
      %dma_wait3A_1185 = tpu.memref_slice %arg3[%dma_wait3A_1183, %dma_wait3A_1184] : memref<32x1000000xf32, #tpu.memory_space<hbm>> -> memref<32x128xf32, #tpu.memory_space<hbm>>
      tpu.wait_dma2 semaphore(%arg13 : memref<!tpu.dma_semaphore, #tpu.memory_space<semaphore_mem>>) src(%dma_wait3A_1185 : memref<32x128xf32, #tpu.memory_space<hbm>>) dst(%dma_wait3A_1182 : memref<32x128xf32, #tpu.memory_space<vmem>>)
      %dma_wait3A_1186 = arith.constant 608 : i32
      %dma_wait3A_1187 = arith.constant 0 : i32
      %dma_wait3A_1188 = tpu.memref_slice %arg8[%dma_wait3A_1186, %dma_wait3A_1187] : memref<768x128xf32, #tpu.memory_space<vmem>> -> memref<32x128xf32, #tpu.memory_space<vmem>>
      %dma_wait3A_1189 = arith.constant 0 : i32
      %dma_wait3A_1190 = arith.constant 0 : i32
      %dma_wait3A_1191 = tpu.memref_slice %arg3[%dma_wait3A_1189, %dma_wait3A_1190] : memref<32x1000000xf32, #tpu.memory_space<hbm>> -> memref<32x128xf32, #tpu.memory_space<hbm>>
      %dma_wait3A_1192 = arith.constant 608 : i32
      %dma_wait3A_1193 = arith.constant 0 : i32
      %dma_wait3A_1194 = tpu.memref_slice %arg8[%dma_wait3A_1192, %dma_wait3A_1193] : memref<768x128xf32, #tpu.memory_space<vmem>> -> memref<32x128xf32, #tpu.memory_space<vmem>>
      %dma_wait3A_1195 = arith.constant 0 : i32
      %dma_wait3A_1196 = arith.constant 0 : i32
      %dma_wait3A_1197 = tpu.memref_slice %arg3[%dma_wait3A_1195, %dma_wait3A_1196] : memref<32x1000000xf32, #tpu.memory_space<hbm>> -> memref<32x128xf32, #tpu.memory_space<hbm>>
      tpu.wait_dma2 semaphore(%arg13 : memref<!tpu.dma_semaphore, #tpu.memory_space<semaphore_mem>>) src(%dma_wait3A_1197 : memref<32x128xf32, #tpu.memory_space<hbm>>) dst(%dma_wait3A_1194 : memref<32x128xf32, #tpu.memory_space<vmem>>)
      %dma_wait3A_1198 = arith.constant 640 : i32
      %dma_wait3A_1199 = arith.constant 0 : i32
      %dma_wait3A_1200 = tpu.memref_slice %arg8[%dma_wait3A_1198, %dma_wait3A_1199] : memref<768x128xf32, #tpu.memory_space<vmem>> -> memref<32x128xf32, #tpu.memory_space<vmem>>
      %dma_wait3A_1201 = arith.constant 0 : i32
      %dma_wait3A_1202 = arith.constant 0 : i32
      %dma_wait3A_1203 = tpu.memref_slice %arg3[%dma_wait3A_1201, %dma_wait3A_1202] : memref<32x1000000xf32, #tpu.memory_space<hbm>> -> memref<32x128xf32, #tpu.memory_space<hbm>>
      %dma_wait3A_1204 = arith.constant 640 : i32
      %dma_wait3A_1205 = arith.constant 0 : i32
      %dma_wait3A_1206 = tpu.memref_slice %arg8[%dma_wait3A_1204, %dma_wait3A_1205] : memref<768x128xf32, #tpu.memory_space<vmem>> -> memref<32x128xf32, #tpu.memory_space<vmem>>
      %dma_wait3A_1207 = arith.constant 0 : i32
      %dma_wait3A_1208 = arith.constant 0 : i32
      %dma_wait3A_1209 = tpu.memref_slice %arg3[%dma_wait3A_1207, %dma_wait3A_1208] : memref<32x1000000xf32, #tpu.memory_space<hbm>> -> memref<32x128xf32, #tpu.memory_space<hbm>>
      tpu.wait_dma2 semaphore(%arg13 : memref<!tpu.dma_semaphore, #tpu.memory_space<semaphore_mem>>) src(%dma_wait3A_1209 : memref<32x128xf32, #tpu.memory_space<hbm>>) dst(%dma_wait3A_1206 : memref<32x128xf32, #tpu.memory_space<vmem>>)
      %dma_wait3A_1210 = arith.constant 672 : i32
      %dma_wait3A_1211 = arith.constant 0 : i32
      %dma_wait3A_1212 = tpu.memref_slice %arg8[%dma_wait3A_1210, %dma_wait3A_1211] : memref<768x128xf32, #tpu.memory_space<vmem>> -> memref<32x128xf32, #tpu.memory_space<vmem>>
      %dma_wait3A_1213 = arith.constant 0 : i32
      %dma_wait3A_1214 = arith.constant 0 : i32
      %dma_wait3A_1215 = tpu.memref_slice %arg3[%dma_wait3A_1213, %dma_wait3A_1214] : memref<32x1000000xf32, #tpu.memory_space<hbm>> -> memref<32x128xf32, #tpu.memory_space<hbm>>
      %dma_wait3A_1216 = arith.constant 672 : i32
      %dma_wait3A_1217 = arith.constant 0 : i32
      %dma_wait3A_1218 = tpu.memref_slice %arg8[%dma_wait3A_1216, %dma_wait3A_1217] : memref<768x128xf32, #tpu.memory_space<vmem>> -> memref<32x128xf32, #tpu.memory_space<vmem>>
      %dma_wait3A_1219 = arith.constant 0 : i32
      %dma_wait3A_1220 = arith.constant 0 : i32
      %dma_wait3A_1221 = tpu.memref_slice %arg3[%dma_wait3A_1219, %dma_wait3A_1220] : memref<32x1000000xf32, #tpu.memory_space<hbm>> -> memref<32x128xf32, #tpu.memory_space<hbm>>
      tpu.wait_dma2 semaphore(%arg13 : memref<!tpu.dma_semaphore, #tpu.memory_space<semaphore_mem>>) src(%dma_wait3A_1221 : memref<32x128xf32, #tpu.memory_space<hbm>>) dst(%dma_wait3A_1218 : memref<32x128xf32, #tpu.memory_space<vmem>>)
      %dma_wait3A_1222 = arith.constant 704 : i32
      %dma_wait3A_1223 = arith.constant 0 : i32
      %dma_wait3A_1224 = tpu.memref_slice %arg8[%dma_wait3A_1222, %dma_wait3A_1223] : memref<768x128xf32, #tpu.memory_space<vmem>> -> memref<32x128xf32, #tpu.memory_space<vmem>>
      %dma_wait3A_1225 = arith.constant 0 : i32
      %dma_wait3A_1226 = arith.constant 0 : i32
      %dma_wait3A_1227 = tpu.memref_slice %arg3[%dma_wait3A_1225, %dma_wait3A_1226] : memref<32x1000000xf32, #tpu.memory_space<hbm>> -> memref<32x128xf32, #tpu.memory_space<hbm>>
      %dma_wait3A_1228 = arith.constant 704 : i32
      %dma_wait3A_1229 = arith.constant 0 : i32
      %dma_wait3A_1230 = tpu.memref_slice %arg8[%dma_wait3A_1228, %dma_wait3A_1229] : memref<768x128xf32, #tpu.memory_space<vmem>> -> memref<32x128xf32, #tpu.memory_space<vmem>>
      %dma_wait3A_1231 = arith.constant 0 : i32
      %dma_wait3A_1232 = arith.constant 0 : i32
      %dma_wait3A_1233 = tpu.memref_slice %arg3[%dma_wait3A_1231, %dma_wait3A_1232] : memref<32x1000000xf32, #tpu.memory_space<hbm>> -> memref<32x128xf32, #tpu.memory_space<hbm>>
      tpu.wait_dma2 semaphore(%arg13 : memref<!tpu.dma_semaphore, #tpu.memory_space<semaphore_mem>>) src(%dma_wait3A_1233 : memref<32x128xf32, #tpu.memory_space<hbm>>) dst(%dma_wait3A_1230 : memref<32x128xf32, #tpu.memory_space<vmem>>)
      %dma_wait3A_1234 = arith.constant 736 : i32
      %dma_wait3A_1235 = arith.constant 0 : i32
      %dma_wait3A_1236 = tpu.memref_slice %arg8[%dma_wait3A_1234, %dma_wait3A_1235] : memref<768x128xf32, #tpu.memory_space<vmem>> -> memref<32x128xf32, #tpu.memory_space<vmem>>
      %dma_wait3A_1237 = arith.constant 0 : i32
      %dma_wait3A_1238 = arith.constant 0 : i32
      %dma_wait3A_1239 = tpu.memref_slice %arg3[%dma_wait3A_1237, %dma_wait3A_1238] : memref<32x1000000xf32, #tpu.memory_space<hbm>> -> memref<32x128xf32, #tpu.memory_space<hbm>>
      %dma_wait3A_1240 = arith.constant 736 : i32
      %dma_wait3A_1241 = arith.constant 0 : i32
      %dma_wait3A_1242 = tpu.memref_slice %arg8[%dma_wait3A_1240, %dma_wait3A_1241] : memref<768x128xf32, #tpu.memory_space<vmem>> -> memref<32x128xf32, #tpu.memory_space<vmem>>
      %dma_wait3A_1243 = arith.constant 0 : i32
      %dma_wait3A_1244 = arith.constant 0 : i32
      %dma_wait3A_1245 = tpu.memref_slice %arg3[%dma_wait3A_1243, %dma_wait3A_1244] : memref<32x1000000xf32, #tpu.memory_space<hbm>> -> memref<32x128xf32, #tpu.memory_space<hbm>>
      tpu.wait_dma2 semaphore(%arg13 : memref<!tpu.dma_semaphore, #tpu.memory_space<semaphore_mem>>) src(%dma_wait3A_1245 : memref<32x128xf32, #tpu.memory_space<hbm>>) dst(%dma_wait3A_1242 : memref<32x128xf32, #tpu.memory_space<vmem>>)
      %mul3A_1246 = arith.constant 8 : i32
      %mul3A_1247 = arith.muli %add3A_1140, %mul3A_1246 : i32
      %get3A_1248 = arith.index_cast %mul3A_1247 : i32 to index
      %get3A_1249 = tpu.vector_load %arg7[%get3A_1248] {strides = array<i32>} : memref<528xi32, #tpu.memory_space<vmem>>, vector<16xi32>,
      %and3A_1250 = arith.constant 127 : i32
      %and3A_1251 = vector.broadcast %and3A_1250 : i32 to vector<16xi32>
      %and3A_1252 = arith.andi %get3A_1249, %and3A_1251 : vector<16xi32>
      %broadcast_in_dim3A_1253 = arith.constant 0 : i32
      %broadcast_in_dim3A_1254 = vector.broadcast %broadcast_in_dim3A_1253 : i32 to vector<16xi32>
      %slice3A_1255 = vector.extract_strided_slice %and3A_1252 {offsets = [0], sizes = [1], strides = [1]} : vector<16xi32> to vector<1xi32>
      %squeeze3A_1256 = vector.extract %slice3A_1255[0] : i32 from vector<1xi32>
      %add3A_1257 = vector.broadcast %squeeze3A_1256 : i32 to vector<16xi32>
      %add3A_1258 = arith.addi %broadcast_in_dim3A_1254, %add3A_1257 : vector<16xi32>
      %broadcast_in_dim3A_1259 = arith.constant 0 : i32
      %broadcast_in_dim3A_1260 = vector.broadcast %broadcast_in_dim3A_1259 : i32 to vector<16xi32>
      %mul3A_1261 = arith.constant 8 : i32
      %mul3A_1262 = arith.muli %add3A_1140, %mul3A_1261 : i32
      %add3A_1263 = arith.constant 0 : i32
      %add3A_1264 = arith.addi %mul3A_1262, %add3A_1263 : i32
      %add3A_1265 = vector.broadcast %add3A_1264 : i32 to vector<16xi32>
      %add3A_1266 = arith.addi %broadcast_in_dim3A_1260, %add3A_1265 : vector<16xi32>
      %add3A_1267 = arith.constant 512 : i32
      %add3A_1268 = vector.broadcast %add3A_1267 : i32 to vector<16xi32>
      %add3A_1269 = arith.addi %iota3A, %add3A_1268 : vector<16xi32>
      %gather3A_1270 = tpu.vector_load_idx %arg8[%add3A_1269, %add3A_1258] : memref<768x128xf32, #tpu.memory_space<vmem>>[vector<16xi32>, vector<16xi32>], vector<16xf32>,
      tpu.vector_store_idx %arg9[%iota3A, %add3A_1266], %gather3A_1270 : memref<32x512xf32, #tpu.memory_space<vmem>>[vector<16xi32>, vector<16xi32>], vector<16xf32>,
      %add3A_1271 = arith.constant 16 : i32
      %add3A_1272 = vector.broadcast %add3A_1271 : i32 to vector<16xi32>
      %add3A_1273 = arith.addi %add3A_1269, %add3A_1272 : vector<16xi32>
      %gather3A_1274 = tpu.vector_load_idx %arg8[%add3A_1273, %add3A_1258] : memref<768x128xf32, #tpu.memory_space<vmem>>[vector<16xi32>, vector<16xi32>], vector<16xf32>,
      %add3A_1275 = arith.constant 16 : i32
      %add3A_1276 = vector.broadcast %add3A_1275 : i32 to vector<16xi32>
      %add3A_1277 = arith.addi %iota3A, %add3A_1276 : vector<16xi32>
      tpu.vector_store_idx %arg9[%add3A_1277, %add3A_1266], %gather3A_1274 : memref<32x512xf32, #tpu.memory_space<vmem>>[vector<16xi32>, vector<16xi32>], vector<16xf32>,
      %broadcast_in_dim3A_1278 = arith.constant 0 : i32
      %broadcast_in_dim3A_1279 = vector.broadcast %broadcast_in_dim3A_1278 : i32 to vector<16xi32>
      %slice3A_1280 = vector.extract_strided_slice %and3A_1252 {offsets = [1], sizes = [1], strides = [1]} : vector<16xi32> to vector<1xi32>
      %squeeze3A_1281 = vector.extract %slice3A_1280[0] : i32 from vector<1xi32>
      %add3A_1282 = vector.broadcast %squeeze3A_1281 : i32 to vector<16xi32>
      %add3A_1283 = arith.addi %broadcast_in_dim3A_1279, %add3A_1282 : vector<16xi32>
      %broadcast_in_dim3A_1284 = arith.constant 0 : i32
      %broadcast_in_dim3A_1285 = vector.broadcast %broadcast_in_dim3A_1284 : i32 to vector<16xi32>
      %mul3A_1286 = arith.constant 8 : i32
      %mul3A_1287 = arith.muli %add3A_1140, %mul3A_1286 : i32
      %add3A_1288 = arith.constant 1 : i32
      %add3A_1289 = arith.addi %mul3A_1287, %add3A_1288 : i32
      %add3A_1290 = vector.broadcast %add3A_1289 : i32 to vector<16xi32>
      %add3A_1291 = arith.addi %broadcast_in_dim3A_1285, %add3A_1290 : vector<16xi32>
      %add3A_1292 = arith.constant 544 : i32
      %add3A_1293 = vector.broadcast %add3A_1292 : i32 to vector<16xi32>
      %add3A_1294 = arith.addi %iota3A, %add3A_1293 : vector<16xi32>
      %gather3A_1295 = tpu.vector_load_idx %arg8[%add3A_1294, %add3A_1283] : memref<768x128xf32, #tpu.memory_space<vmem>>[vector<16xi32>, vector<16xi32>], vector<16xf32>,
      tpu.vector_store_idx %arg9[%iota3A, %add3A_1291], %gather3A_1295 : memref<32x512xf32, #tpu.memory_space<vmem>>[vector<16xi32>, vector<16xi32>], vector<16xf32>,
      %add3A_1296 = arith.constant 16 : i32
      %add3A_1297 = vector.broadcast %add3A_1296 : i32 to vector<16xi32>
      %add3A_1298 = arith.addi %add3A_1294, %add3A_1297 : vector<16xi32>
      %gather3A_1299 = tpu.vector_load_idx %arg8[%add3A_1298, %add3A_1283] : memref<768x128xf32, #tpu.memory_space<vmem>>[vector<16xi32>, vector<16xi32>], vector<16xf32>,
      %add3A_1300 = arith.constant 16 : i32
      %add3A_1301 = vector.broadcast %add3A_1300 : i32 to vector<16xi32>
      %add3A_1302 = arith.addi %iota3A, %add3A_1301 : vector<16xi32>
      tpu.vector_store_idx %arg9[%add3A_1302, %add3A_1291], %gather3A_1299 : memref<32x512xf32, #tpu.memory_space<vmem>>[vector<16xi32>, vector<16xi32>], vector<16xf32>,
      %broadcast_in_dim3A_1303 = arith.constant 0 : i32
      %broadcast_in_dim3A_1304 = vector.broadcast %broadcast_in_dim3A_1303 : i32 to vector<16xi32>
      %slice3A_1305 = vector.extract_strided_slice %and3A_1252 {offsets = [2], sizes = [1], strides = [1]} : vector<16xi32> to vector<1xi32>
      %squeeze3A_1306 = vector.extract %slice3A_1305[0] : i32 from vector<1xi32>
      %add3A_1307 = vector.broadcast %squeeze3A_1306 : i32 to vector<16xi32>
      %add3A_1308 = arith.addi %broadcast_in_dim3A_1304, %add3A_1307 : vector<16xi32>
      %broadcast_in_dim3A_1309 = arith.constant 0 : i32
      %broadcast_in_dim3A_1310 = vector.broadcast %broadcast_in_dim3A_1309 : i32 to vector<16xi32>
      %mul3A_1311 = arith.constant 8 : i32
      %mul3A_1312 = arith.muli %add3A_1140, %mul3A_1311 : i32
      %add3A_1313 = arith.constant 2 : i32
      %add3A_1314 = arith.addi %mul3A_1312, %add3A_1313 : i32
      %add3A_1315 = vector.broadcast %add3A_1314 : i32 to vector<16xi32>
      %add3A_1316 = arith.addi %broadcast_in_dim3A_1310, %add3A_1315 : vector<16xi32>
      %add3A_1317 = arith.constant 576 : i32
      %add3A_1318 = vector.broadcast %add3A_1317 : i32 to vector<16xi32>
      %add3A_1319 = arith.addi %iota3A, %add3A_1318 : vector<16xi32>
      %gather3A_1320 = tpu.vector_load_idx %arg8[%add3A_1319, %add3A_1308] : memref<768x128xf32, #tpu.memory_space<vmem>>[vector<16xi32>, vector<16xi32>], vector<16xf32>,
      tpu.vector_store_idx %arg9[%iota3A, %add3A_1316], %gather3A_1320 : memref<32x512xf32, #tpu.memory_space<vmem>>[vector<16xi32>, vector<16xi32>], vector<16xf32>,
      %add3A_1321 = arith.constant 16 : i32
      %add3A_1322 = vector.broadcast %add3A_1321 : i32 to vector<16xi32>
      %add3A_1323 = arith.addi %add3A_1319, %add3A_1322 : vector<16xi32>
      %gather3A_1324 = tpu.vector_load_idx %arg8[%add3A_1323, %add3A_1308] : memref<768x128xf32, #tpu.memory_space<vmem>>[vector<16xi32>, vector<16xi32>], vector<16xf32>,
      %add3A_1325 = arith.constant 16 : i32
      %add3A_1326 = vector.broadcast %add3A_1325 : i32 to vector<16xi32>
      %add3A_1327 = arith.addi %iota3A, %add3A_1326 : vector<16xi32>
      tpu.vector_store_idx %arg9[%add3A_1327, %add3A_1316], %gather3A_1324 : memref<32x512xf32, #tpu.memory_space<vmem>>[vector<16xi32>, vector<16xi32>], vector<16xf32>,
      %broadcast_in_dim3A_1328 = arith.constant 0 : i32
      %broadcast_in_dim3A_1329 = vector.broadcast %broadcast_in_dim3A_1328 : i32 to vector<16xi32>
      %slice3A_1330 = vector.extract_strided_slice %and3A_1252 {offsets = [3], sizes = [1], strides = [1]} : vector<16xi32> to vector<1xi32>
      %squeeze3A_1331 = vector.extract %slice3A_1330[0] : i32 from vector<1xi32>
      %add3A_1332 = vector.broadcast %squeeze3A_1331 : i32 to vector<16xi32>
      %add3A_1333 = arith.addi %broadcast_in_dim3A_1329, %add3A_1332 : vector<16xi32>
      %broadcast_in_dim3A_1334 = arith.constant 0 : i32
      %broadcast_in_dim3A_1335 = vector.broadcast %broadcast_in_dim3A_1334 : i32 to vector<16xi32>
      %mul3A_1336 = arith.constant 8 : i32
      %mul3A_1337 = arith.muli %add3A_1140, %mul3A_1336 : i32
      %add3A_1338 = arith.constant 3 : i32
      %add3A_1339 = arith.addi %mul3A_1337, %add3A_1338 : i32
      %add3A_1340 = vector.broadcast %add3A_1339 : i32 to vector<16xi32>
      %add3A_1341 = arith.addi %broadcast_in_dim3A_1335, %add3A_1340 : vector<16xi32>
      %add3A_1342 = arith.constant 608 : i32
      %add3A_1343 = vector.broadcast %add3A_1342 : i32 to vector<16xi32>
      %add3A_1344 = arith.addi %iota3A, %add3A_1343 : vector<16xi32>
      %gather3A_1345 = tpu.vector_load_idx %arg8[%add3A_1344, %add3A_1333] : memref<768x128xf32, #tpu.memory_space<vmem>>[vector<16xi32>, vector<16xi32>], vector<16xf32>,
      tpu.vector_store_idx %arg9[%iota3A, %add3A_1341], %gather3A_1345 : memref<32x512xf32, #tpu.memory_space<vmem>>[vector<16xi32>, vector<16xi32>], vector<16xf32>,
      %add3A_1346 = arith.constant 16 : i32
      %add3A_1347 = vector.broadcast %add3A_1346 : i32 to vector<16xi32>
      %add3A_1348 = arith.addi %add3A_1344, %add3A_1347 : vector<16xi32>
      %gather3A_1349 = tpu.vector_load_idx %arg8[%add3A_1348, %add3A_1333] : memref<768x128xf32, #tpu.memory_space<vmem>>[vector<16xi32>, vector<16xi32>], vector<16xf32>,
      %add3A_1350 = arith.constant 16 : i32
      %add3A_1351 = vector.broadcast %add3A_1350 : i32 to vector<16xi32>
      %add3A_1352 = arith.addi %iota3A, %add3A_1351 : vector<16xi32>
      tpu.vector_store_idx %arg9[%add3A_1352, %add3A_1341], %gather3A_1349 : memref<32x512xf32, #tpu.memory_space<vmem>>[vector<16xi32>, vector<16xi32>], vector<16xf32>,
      %broadcast_in_dim3A_1353 = arith.constant 0 : i32
      %broadcast_in_dim3A_1354 = vector.broadcast %broadcast_in_dim3A_1353 : i32 to vector<16xi32>
      %slice3A_1355 = vector.extract_strided_slice %and3A_1252 {offsets = [4], sizes = [1], strides = [1]} : vector<16xi32> to vector<1xi32>
      %squeeze3A_1356 = vector.extract %slice3A_1355[0] : i32 from vector<1xi32>
      %add3A_1357 = vector.broadcast %squeeze3A_1356 : i32 to vector<16xi32>
      %add3A_1358 = arith.addi %broadcast_in_dim3A_1354, %add3A_1357 : vector<16xi32>
      %broadcast_in_dim3A_1359 = arith.constant 0 : i32
      %broadcast_in_dim3A_1360 = vector.broadcast %broadcast_in_dim3A_1359 : i32 to vector<16xi32>
      %mul3A_1361 = arith.constant 8 : i32
      %mul3A_1362 = arith.muli %add3A_1140, %mul3A_1361 : i32
      %add3A_1363 = arith.constant 4 : i32
      %add3A_1364 = arith.addi %mul3A_1362, %add3A_1363 : i32
      %add3A_1365 = vector.broadcast %add3A_1364 : i32 to vector<16xi32>
      %add3A_1366 = arith.addi %broadcast_in_dim3A_1360, %add3A_1365 : vector<16xi32>
      %add3A_1367 = arith.constant 640 : i32
      %add3A_1368 = vector.broadcast %add3A_1367 : i32 to vector<16xi32>
      %add3A_1369 = arith.addi %iota3A, %add3A_1368 : vector<16xi32>
      %gather3A_1370 = tpu.vector_load_idx %arg8[%add3A_1369, %add3A_1358] : memref<768x128xf32, #tpu.memory_space<vmem>>[vector<16xi32>, vector<16xi32>], vector<16xf32>,
      tpu.vector_store_idx %arg9[%iota3A, %add3A_1366], %gather3A_1370 : memref<32x512xf32, #tpu.memory_space<vmem>>[vector<16xi32>, vector<16xi32>], vector<16xf32>,
      %add3A_1371 = arith.constant 16 : i32
      %add3A_1372 = vector.broadcast %add3A_1371 : i32 to vector<16xi32>
      %add3A_1373 = arith.addi %add3A_1369, %add3A_1372 : vector<16xi32>
      %gather3A_1374 = tpu.vector_load_idx %arg8[%add3A_1373, %add3A_1358] : memref<768x128xf32, #tpu.memory_space<vmem>>[vector<16xi32>, vector<16xi32>], vector<16xf32>,
      %add3A_1375 = arith.constant 16 : i32
      %add3A_1376 = vector.broadcast %add3A_1375 : i32 to vector<16xi32>
      %add3A_1377 = arith.addi %iota3A, %add3A_1376 : vector<16xi32>
      tpu.vector_store_idx %arg9[%add3A_1377, %add3A_1366], %gather3A_1374 : memref<32x512xf32, #tpu.memory_space<vmem>>[vector<16xi32>, vector<16xi32>], vector<16xf32>,
      %broadcast_in_dim3A_1378 = arith.constant 0 : i32
      %broadcast_in_dim3A_1379 = vector.broadcast %broadcast_in_dim3A_1378 : i32 to vector<16xi32>
      %slice3A_1380 = vector.extract_strided_slice %and3A_1252 {offsets = [5], sizes = [1], strides = [1]} : vector<16xi32> to vector<1xi32>
      %squeeze3A_1381 = vector.extract %slice3A_1380[0] : i32 from vector<1xi32>
      %add3A_1382 = vector.broadcast %squeeze3A_1381 : i32 to vector<16xi32>
      %add3A_1383 = arith.addi %broadcast_in_dim3A_1379, %add3A_1382 : vector<16xi32>
      %broadcast_in_dim3A_1384 = arith.constant 0 : i32
      %broadcast_in_dim3A_1385 = vector.broadcast %broadcast_in_dim3A_1384 : i32 to vector<16xi32>
      %mul3A_1386 = arith.constant 8 : i32
      %mul3A_1387 = arith.muli %add3A_1140, %mul3A_1386 : i32
      %add3A_1388 = arith.constant 5 : i32
      %add3A_1389 = arith.addi %mul3A_1387, %add3A_1388 : i32
      %add3A_1390 = vector.broadcast %add3A_1389 : i32 to vector<16xi32>
      %add3A_1391 = arith.addi %broadcast_in_dim3A_1385, %add3A_1390 : vector<16xi32>
      %add3A_1392 = arith.constant 672 : i32
      %add3A_1393 = vector.broadcast %add3A_1392 : i32 to vector<16xi32>
      %add3A_1394 = arith.addi %iota3A, %add3A_1393 : vector<16xi32>
      %gather3A_1395 = tpu.vector_load_idx %arg8[%add3A_1394, %add3A_1383] : memref<768x128xf32, #tpu.memory_space<vmem>>[vector<16xi32>, vector<16xi32>], vector<16xf32>,
      tpu.vector_store_idx %arg9[%iota3A, %add3A_1391], %gather3A_1395 : memref<32x512xf32, #tpu.memory_space<vmem>>[vector<16xi32>, vector<16xi32>], vector<16xf32>,
      %add3A_1396 = arith.constant 16 : i32
      %add3A_1397 = vector.broadcast %add3A_1396 : i32 to vector<16xi32>
      %add3A_1398 = arith.addi %add3A_1394, %add3A_1397 : vector<16xi32>
      %gather3A_1399 = tpu.vector_load_idx %arg8[%add3A_1398, %add3A_1383] : memref<768x128xf32, #tpu.memory_space<vmem>>[vector<16xi32>, vector<16xi32>], vector<16xf32>,
      %add3A_1400 = arith.constant 16 : i32
      %add3A_1401 = vector.broadcast %add3A_1400 : i32 to vector<16xi32>
      %add3A_1402 = arith.addi %iota3A, %add3A_1401 : vector<16xi32>
      tpu.vector_store_idx %arg9[%add3A_1402, %add3A_1391], %gather3A_1399 : memref<32x512xf32, #tpu.memory_space<vmem>>[vector<16xi32>, vector<16xi32>], vector<16xf32>,
      %broadcast_in_dim3A_1403 = arith.constant 0 : i32
      %broadcast_in_dim3A_1404 = vector.broadcast %broadcast_in_dim3A_1403 : i32 to vector<16xi32>
      %slice3A_1405 = vector.extract_strided_slice %and3A_1252 {offsets = [6], sizes = [1], strides = [1]} : vector<16xi32> to vector<1xi32>
      %squeeze3A_1406 = vector.extract %slice3A_1405[0] : i32 from vector<1xi32>
      %add3A_1407 = vector.broadcast %squeeze3A_1406 : i32 to vector<16xi32>
      %add3A_1408 = arith.addi %broadcast_in_dim3A_1404, %add3A_1407 : vector<16xi32>
      %broadcast_in_dim3A_1409 = arith.constant 0 : i32
      %broadcast_in_dim3A_1410 = vector.broadcast %broadcast_in_dim3A_1409 : i32 to vector<16xi32>
      %mul3A_1411 = arith.constant 8 : i32
      %mul3A_1412 = arith.muli %add3A_1140, %mul3A_1411 : i32
      %add3A_1413 = arith.constant 6 : i32
      %add3A_1414 = arith.addi %mul3A_1412, %add3A_1413 : i32
      %add3A_1415 = vector.broadcast %add3A_1414 : i32 to vector<16xi32>
      %add3A_1416 = arith.addi %broadcast_in_dim3A_1410, %add3A_1415 : vector<16xi32>
      %add3A_1417 = arith.constant 704 : i32
      %add3A_1418 = vector.broadcast %add3A_1417 : i32 to vector<16xi32>
      %add3A_1419 = arith.addi %iota3A, %add3A_1418 : vector<16xi32>
      %gather3A_1420 = tpu.vector_load_idx %arg8[%add3A_1419, %add3A_1408] : memref<768x128xf32, #tpu.memory_space<vmem>>[vector<16xi32>, vector<16xi32>], vector<16xf32>,
      tpu.vector_store_idx %arg9[%iota3A, %add3A_1416], %gather3A_1420 : memref<32x512xf32, #tpu.memory_space<vmem>>[vector<16xi32>, vector<16xi32>], vector<16xf32>,
      %add3A_1421 = arith.constant 16 : i32
      %add3A_1422 = vector.broadcast %add3A_1421 : i32 to vector<16xi32>
      %add3A_1423 = arith.addi %add3A_1419, %add3A_1422 : vector<16xi32>
      %gather3A_1424 = tpu.vector_load_idx %arg8[%add3A_1423, %add3A_1408] : memref<768x128xf32, #tpu.memory_space<vmem>>[vector<16xi32>, vector<16xi32>], vector<16xf32>,
      %add3A_1425 = arith.constant 16 : i32
      %add3A_1426 = vector.broadcast %add3A_1425 : i32 to vector<16xi32>
      %add3A_1427 = arith.addi %iota3A, %add3A_1426 : vector<16xi32>
      tpu.vector_store_idx %arg9[%add3A_1427, %add3A_1416], %gather3A_1424 : memref<32x512xf32, #tpu.memory_space<vmem>>[vector<16xi32>, vector<16xi32>], vector<16xf32>,
      %broadcast_in_dim3A_1428 = arith.constant 0 : i32
      %broadcast_in_dim3A_1429 = vector.broadcast %broadcast_in_dim3A_1428 : i32 to vector<16xi32>
      %slice3A_1430 = vector.extract_strided_slice %and3A_1252 {offsets = [7], sizes = [1], strides = [1]} : vector<16xi32> to vector<1xi32>
      %squeeze3A_1431 = vector.extract %slice3A_1430[0] : i32 from vector<1xi32>
      %add3A_1432 = vector.broadcast %squeeze3A_1431 : i32 to vector<16xi32>
      %add3A_1433 = arith.addi %broadcast_in_dim3A_1429, %add3A_1432 : vector<16xi32>
      %broadcast_in_dim3A_1434 = arith.constant 0 : i32
      %broadcast_in_dim3A_1435 = vector.broadcast %broadcast_in_dim3A_1434 : i32 to vector<16xi32>
      %mul3A_1436 = arith.constant 8 : i32
      %mul3A_1437 = arith.muli %add3A_1140, %mul3A_1436 : i32
      %add3A_1438 = arith.constant 7 : i32
      %add3A_1439 = arith.addi %mul3A_1437, %add3A_1438 : i32
      %add3A_1440 = vector.broadcast %add3A_1439 : i32 to vector<16xi32>
      %add3A_1441 = arith.addi %broadcast_in_dim3A_1435, %add3A_1440 : vector<16xi32>
      %add3A_1442 = arith.constant 736 : i32
      %add3A_1443 = vector.broadcast %add3A_1442 : i32 to vector<16xi32>
      %add3A_1444 = arith.addi %iota3A, %add3A_1443 : vector<16xi32>
      %gather3A_1445 = tpu.vector_load_idx %arg8[%add3A_1444, %add3A_1433] : memref<768x128xf32, #tpu.memory_space<vmem>>[vector<16xi32>, vector<16xi32>], vector<16xf32>,
      tpu.vector_store_idx %arg9[%iota3A, %add3A_1441], %gather3A_1445 : memref<32x512xf32, #tpu.memory_space<vmem>>[vector<16xi32>, vector<16xi32>], vector<16xf32>,
      %add3A_1446 = arith.constant 16 : i32
      %add3A_1447 = vector.broadcast %add3A_1446 : i32 to vector<16xi32>
      %add3A_1448 = arith.addi %add3A_1444, %add3A_1447 : vector<16xi32>
      %gather3A_1449 = tpu.vector_load_idx %arg8[%add3A_1448, %add3A_1433] : memref<768x128xf32, #tpu.memory_space<vmem>>[vector<16xi32>, vector<16xi32>], vector<16xf32>,
      %add3A_1450 = arith.constant 16 : i32
      %add3A_1451 = vector.broadcast %add3A_1450 : i32 to vector<16xi32>
      %add3A_1452 = arith.addi %iota3A, %add3A_1451 : vector<16xi32>
      tpu.vector_store_idx %arg9[%add3A_1452, %add3A_1441], %gather3A_1449 : memref<32x512xf32, #tpu.memory_space<vmem>>[vector<16xi32>, vector<16xi32>], vector<16xf32>,
    }
    %scan3A_223 = arith.constant 21 : i32
    %dma_wait3A = arith.constant 0 : i32
    %dma_wait3A_224 = arith.constant 0 : i32
    %dma_wait3A_225 = tpu.memref_slice %arg8[%dma_wait3A, %dma_wait3A_224] : memref<768x128xf32, #tpu.memory_space<vmem>> -> memref<32x128xf32, #tpu.memory_space<vmem>>
    %dma_wait3A_226 = arith.constant 0 : i32
    %dma_wait3A_227 = arith.constant 0 : i32
    %dma_wait3A_228 = tpu.memref_slice %arg3[%dma_wait3A_226, %dma_wait3A_227] : memref<32x1000000xf32, #tpu.memory_space<hbm>> -> memref<32x128xf32, #tpu.memory_space<hbm>>
    %dma_wait3A_229 = arith.constant 0 : i32
    %dma_wait3A_230 = arith.constant 0 : i32
    %dma_wait3A_231 = tpu.memref_slice %arg8[%dma_wait3A_229, %dma_wait3A_230] : memref<768x128xf32, #tpu.memory_space<vmem>> -> memref<32x128xf32, #tpu.memory_space<vmem>>
    %dma_wait3A_232 = arith.constant 0 : i32
    %dma_wait3A_233 = arith.constant 0 : i32
    %dma_wait3A_234 = tpu.memref_slice %arg3[%dma_wait3A_232, %dma_wait3A_233] : memref<32x1000000xf32, #tpu.memory_space<hbm>> -> memref<32x128xf32, #tpu.memory_space<hbm>>
    tpu.wait_dma2 semaphore(%arg11 : memref<!tpu.dma_semaphore, #tpu.memory_space<semaphore_mem>>) src(%dma_wait3A_234 : memref<32x128xf32, #tpu.memory_space<hbm>>) dst(%dma_wait3A_231 : memref<32x128xf32, #tpu.memory_space<vmem>>)
    %dma_wait3A_235 = arith.constant 32 : i32
    %dma_wait3A_236 = arith.constant 0 : i32
    %dma_wait3A_237 = tpu.memref_slice %arg8[%dma_wait3A_235, %dma_wait3A_236] : memref<768x128xf32, #tpu.memory_space<vmem>> -> memref<32x128xf32, #tpu.memory_space<vmem>>
    %dma_wait3A_238 = arith.constant 0 : i32
    %dma_wait3A_239 = arith.constant 0 : i32
    %dma_wait3A_240 = tpu.memref_slice %arg3[%dma_wait3A_238, %dma_wait3A_239] : memref<32x1000000xf32, #tpu.memory_space<hbm>> -> memref<32x128xf32, #tpu.memory_space<hbm>>
    %dma_wait3A_241 = arith.constant 32 : i32
    %dma_wait3A_242 = arith.constant 0 : i32
    %dma_wait3A_243 = tpu.memref_slice %arg8[%dma_wait3A_241, %dma_wait3A_242] : memref<768x128xf32, #tpu.memory_space<vmem>> -> memref<32x128xf32, #tpu.memory_space<vmem>>
    %dma_wait3A_244 = arith.constant 0 : i32
    %dma_wait3A_245 = arith.constant 0 : i32
    %dma_wait3A_246 = tpu.memref_slice %arg3[%dma_wait3A_244, %dma_wait3A_245] : memref<32x1000000xf32, #tpu.memory_space<hbm>> -> memref<32x128xf32, #tpu.memory_space<hbm>>
    tpu.wait_dma2 semaphore(%arg11 : memref<!tpu.dma_semaphore, #tpu.memory_space<semaphore_mem>>) src(%dma_wait3A_246 : memref<32x128xf32, #tpu.memory_space<hbm>>) dst(%dma_wait3A_243 : memref<32x128xf32, #tpu.memory_space<vmem>>)
    %dma_wait3A_247 = arith.constant 64 : i32
    %dma_wait3A_248 = arith.constant 0 : i32
    %dma_wait3A_249 = tpu.memref_slice %arg8[%dma_wait3A_247, %dma_wait3A_248] : memref<768x128xf32, #tpu.memory_space<vmem>> -> memref<32x128xf32, #tpu.memory_space<vmem>>
    %dma_wait3A_250 = arith.constant 0 : i32
    %dma_wait3A_251 = arith.constant 0 : i32
    %dma_wait3A_252 = tpu.memref_slice %arg3[%dma_wait3A_250, %dma_wait3A_251] : memref<32x1000000xf32, #tpu.memory_space<hbm>> -> memref<32x128xf32, #tpu.memory_space<hbm>>
    %dma_wait3A_253 = arith.constant 64 : i32
    %dma_wait3A_254 = arith.constant 0 : i32
    %dma_wait3A_255 = tpu.memref_slice %arg8[%dma_wait3A_253, %dma_wait3A_254] : memref<768x128xf32, #tpu.memory_space<vmem>> -> memref<32x128xf32, #tpu.memory_space<vmem>>
    %dma_wait3A_256 = arith.constant 0 : i32
    %dma_wait3A_257 = arith.constant 0 : i32
    %dma_wait3A_258 = tpu.memref_slice %arg3[%dma_wait3A_256, %dma_wait3A_257] : memref<32x1000000xf32, #tpu.memory_space<hbm>> -> memref<32x128xf32, #tpu.memory_space<hbm>>
    tpu.wait_dma2 semaphore(%arg11 : memref<!tpu.dma_semaphore, #tpu.memory_space<semaphore_mem>>) src(%dma_wait3A_258 : memref<32x128xf32, #tpu.memory_space<hbm>>) dst(%dma_wait3A_255 : memref<32x128xf32, #tpu.memory_space<vmem>>)
    %dma_wait3A_259 = arith.constant 96 : i32
    %dma_wait3A_260 = arith.constant 0 : i32
    %dma_wait3A_261 = tpu.memref_slice %arg8[%dma_wait3A_259, %dma_wait3A_260] : memref<768x128xf32, #tpu.memory_space<vmem>> -> memref<32x128xf32, #tpu.memory_space<vmem>>
    %dma_wait3A_262 = arith.constant 0 : i32
    %dma_wait3A_263 = arith.constant 0 : i32
    %dma_wait3A_264 = tpu.memref_slice %arg3[%dma_wait3A_262, %dma_wait3A_263] : memref<32x1000000xf32, #tpu.memory_space<hbm>> -> memref<32x128xf32, #tpu.memory_space<hbm>>
    %dma_wait3A_265 = arith.constant 96 : i32
    %dma_wait3A_266 = arith.constant 0 : i32
    %dma_wait3A_267 = tpu.memref_slice %arg8[%dma_wait3A_265, %dma_wait3A_266] : memref<768x128xf32, #tpu.memory_space<vmem>> -> memref<32x128xf32, #tpu.memory_space<vmem>>
    %dma_wait3A_268 = arith.constant 0 : i32
    %dma_wait3A_269 = arith.constant 0 : i32
    %dma_wait3A_270 = tpu.memref_slice %arg3[%dma_wait3A_268, %dma_wait3A_269] : memref<32x1000000xf32, #tpu.memory_space<hbm>> -> memref<32x128xf32, #tpu.memory_space<hbm>>
    tpu.wait_dma2 semaphore(%arg11 : memref<!tpu.dma_semaphore, #tpu.memory_space<semaphore_mem>>) src(%dma_wait3A_270 : memref<32x128xf32, #tpu.memory_space<hbm>>) dst(%dma_wait3A_267 : memref<32x128xf32, #tpu.memory_space<vmem>>)
    %dma_wait3A_271 = arith.constant 128 : i32
    %dma_wait3A_272 = arith.constant 0 : i32
    %dma_wait3A_273 = tpu.memref_slice %arg8[%dma_wait3A_271, %dma_wait3A_272] : memref<768x128xf32, #tpu.memory_space<vmem>> -> memref<32x128xf32, #tpu.memory_space<vmem>>
    %dma_wait3A_274 = arith.constant 0 : i32
    %dma_wait3A_275 = arith.constant 0 : i32
    %dma_wait3A_276 = tpu.memref_slice %arg3[%dma_wait3A_274, %dma_wait3A_275] : memref<32x1000000xf32, #tpu.memory_space<hbm>> -> memref<32x128xf32, #tpu.memory_space<hbm>>
    %dma_wait3A_277 = arith.constant 128 : i32
    %dma_wait3A_278 = arith.constant 0 : i32
    %dma_wait3A_279 = tpu.memref_slice %arg8[%dma_wait3A_277, %dma_wait3A_278] : memref<768x128xf32, #tpu.memory_space<vmem>> -> memref<32x128xf32, #tpu.memory_space<vmem>>
    %dma_wait3A_280 = arith.constant 0 : i32
    %dma_wait3A_281 = arith.constant 0 : i32
    %dma_wait3A_282 = tpu.memref_slice %arg3[%dma_wait3A_280, %dma_wait3A_281] : memref<32x1000000xf32, #tpu.memory_space<hbm>> -> memref<32x128xf32, #tpu.memory_space<hbm>>
    tpu.wait_dma2 semaphore(%arg11 : memref<!tpu.dma_semaphore, #tpu.memory_space<semaphore_mem>>) src(%dma_wait3A_282 : memref<32x128xf32, #tpu.memory_space<hbm>>) dst(%dma_wait3A_279 : memref<32x128xf32, #tpu.memory_space<vmem>>)
    %dma_wait3A_283 = arith.constant 160 : i32
    %dma_wait3A_284 = arith.constant 0 : i32
    %dma_wait3A_285 = tpu.memref_slice %arg8[%dma_wait3A_283, %dma_wait3A_284] : memref<768x128xf32, #tpu.memory_space<vmem>> -> memref<32x128xf32, #tpu.memory_space<vmem>>
    %dma_wait3A_286 = arith.constant 0 : i32
    %dma_wait3A_287 = arith.constant 0 : i32
    %dma_wait3A_288 = tpu.memref_slice %arg3[%dma_wait3A_286, %dma_wait3A_287] : memref<32x1000000xf32, #tpu.memory_space<hbm>> -> memref<32x128xf32, #tpu.memory_space<hbm>>
    %dma_wait3A_289 = arith.constant 160 : i32
    %dma_wait3A_290 = arith.constant 0 : i32
    %dma_wait3A_291 = tpu.memref_slice %arg8[%dma_wait3A_289, %dma_wait3A_290] : memref<768x128xf32, #tpu.memory_space<vmem>> -> memref<32x128xf32, #tpu.memory_space<vmem>>
    %dma_wait3A_292 = arith.constant 0 : i32
    %dma_wait3A_293 = arith.constant 0 : i32
    %dma_wait3A_294 = tpu.memref_slice %arg3[%dma_wait3A_292, %dma_wait3A_293] : memref<32x1000000xf32, #tpu.memory_space<hbm>> -> memref<32x128xf32, #tpu.memory_space<hbm>>
    tpu.wait_dma2 semaphore(%arg11 : memref<!tpu.dma_semaphore, #tpu.memory_space<semaphore_mem>>) src(%dma_wait3A_294 : memref<32x128xf32, #tpu.memory_space<hbm>>) dst(%dma_wait3A_291 : memref<32x128xf32, #tpu.memory_space<vmem>>)
    %dma_wait3A_295 = arith.constant 192 : i32
    %dma_wait3A_296 = arith.constant 0 : i32
    %dma_wait3A_297 = tpu.memref_slice %arg8[%dma_wait3A_295, %dma_wait3A_296] : memref<768x128xf32, #tpu.memory_space<vmem>> -> memref<32x128xf32, #tpu.memory_space<vmem>>
    %dma_wait3A_298 = arith.constant 0 : i32
    %dma_wait3A_299 = arith.constant 0 : i32
    %dma_wait3A_300 = tpu.memref_slice %arg3[%dma_wait3A_298, %dma_wait3A_299] : memref<32x1000000xf32, #tpu.memory_space<hbm>> -> memref<32x128xf32, #tpu.memory_space<hbm>>
    %dma_wait3A_301 = arith.constant 192 : i32
    %dma_wait3A_302 = arith.constant 0 : i32
    %dma_wait3A_303 = tpu.memref_slice %arg8[%dma_wait3A_301, %dma_wait3A_302] : memref<768x128xf32, #tpu.memory_space<vmem>> -> memref<32x128xf32, #tpu.memory_space<vmem>>
    %dma_wait3A_304 = arith.constant 0 : i32
    %dma_wait3A_305 = arith.constant 0 : i32
    %dma_wait3A_306 = tpu.memref_slice %arg3[%dma_wait3A_304, %dma_wait3A_305] : memref<32x1000000xf32, #tpu.memory_space<hbm>> -> memref<32x128xf32, #tpu.memory_space<hbm>>
    tpu.wait_dma2 semaphore(%arg11 : memref<!tpu.dma_semaphore, #tpu.memory_space<semaphore_mem>>) src(%dma_wait3A_306 : memref<32x128xf32, #tpu.memory_space<hbm>>) dst(%dma_wait3A_303 : memref<32x128xf32, #tpu.memory_space<vmem>>)
    %dma_wait3A_307 = arith.constant 224 : i32
    %dma_wait3A_308 = arith.constant 0 : i32
    %dma_wait3A_309 = tpu.memref_slice %arg8[%dma_wait3A_307, %dma_wait3A_308] : memref<768x128xf32, #tpu.memory_space<vmem>> -> memref<32x128xf32, #tpu.memory_space<vmem>>
    %dma_wait3A_310 = arith.constant 0 : i32
    %dma_wait3A_311 = arith.constant 0 : i32
    %dma_wait3A_312 = tpu.memref_slice %arg3[%dma_wait3A_310, %dma_wait3A_311] : memref<32x1000000xf32, #tpu.memory_space<hbm>> -> memref<32x128xf32, #tpu.memory_space<hbm>>
    %dma_wait3A_313 = arith.constant 224 : i32
    %dma_wait3A_314 = arith.constant 0 : i32
    %dma_wait3A_315 = tpu.memref_slice %arg8[%dma_wait3A_313, %dma_wait3A_314] : memref<768x128xf32, #tpu.memory_space<vmem>> -> memref<32x128xf32, #tpu.memory_space<vmem>>
    %dma_wait3A_316 = arith.constant 0 : i32
    %dma_wait3A_317 = arith.constant 0 : i32
    %dma_wait3A_318 = tpu.memref_slice %arg3[%dma_wait3A_316, %dma_wait3A_317] : memref<32x1000000xf32, #tpu.memory_space<hbm>> -> memref<32x128xf32, #tpu.memory_space<hbm>>
    tpu.wait_dma2 semaphore(%arg11 : memref<!tpu.dma_semaphore, #tpu.memory_space<semaphore_mem>>) src(%dma_wait3A_318 : memref<32x128xf32, #tpu.memory_space<hbm>>) dst(%dma_wait3A_315 : memref<32x128xf32, #tpu.memory_space<vmem>>)
    %get3A_319 = arith.constant 504 : index
    %get3A_320 = tpu.vector_load %arg7[%get3A_319] {strides = array<i32>} : memref<528xi32, #tpu.memory_space<vmem>>, vector<16xi32>,
    %and3A = arith.constant 127 : i32
    %and3A_321 = vector.broadcast %and3A : i32 to vector<16xi32>
    %and3A_322 = arith.andi %get3A_320, %and3A_321 : vector<16xi32>
    %broadcast_in_dim3A = arith.constant 0 : i32
    %broadcast_in_dim3A_323 = vector.broadcast %broadcast_in_dim3A : i32 to vector<16xi32>
    %slice3A_324 = vector.extract_strided_slice %and3A_322 {offsets = [0], sizes = [1], strides = [1]} : vector<16xi32> to vector<1xi32>
    %squeeze3A_325 = vector.extract %slice3A_324[0] : i32 from vector<1xi32>
    %add3A_326 = vector.broadcast %squeeze3A_325 : i32 to vector<16xi32>
    %add3A_327 = arith.addi %broadcast_in_dim3A_323, %add3A_326 : vector<16xi32>
    %broadcast_in_dim3A_328 = arith.constant 0 : i32
    %broadcast_in_dim3A_329 = vector.broadcast %broadcast_in_dim3A_328 : i32 to vector<16xi32>
    %add3A_330 = arith.constant 504 : i32
    %add3A_331 = vector.broadcast %add3A_330 : i32 to vector<16xi32>
    %add3A_332 = arith.addi %broadcast_in_dim3A_329, %add3A_331 : vector<16xi32>
    %add3A_333 = arith.constant 0 : i32
    %add3A_334 = vector.broadcast %add3A_333 : i32 to vector<16xi32>
    %add3A_335 = arith.addi %iota3A, %add3A_334 : vector<16xi32>
    %gather3A = tpu.vector_load_idx %arg8[%add3A_335, %add3A_327] : memref<768x128xf32, #tpu.memory_space<vmem>>[vector<16xi32>, vector<16xi32>], vector<16xf32>,
    tpu.vector_store_idx %arg9[%iota3A, %add3A_332], %gather3A : memref<32x512xf32, #tpu.memory_space<vmem>>[vector<16xi32>, vector<16xi32>], vector<16xf32>,
    %add3A_336 = arith.constant 16 : i32
    %add3A_337 = vector.broadcast %add3A_336 : i32 to vector<16xi32>
    %add3A_338 = arith.addi %add3A_335, %add3A_337 : vector<16xi32>
    %gather3A_339 = tpu.vector_load_idx %arg8[%add3A_338, %add3A_327] : memref<768x128xf32, #tpu.memory_space<vmem>>[vector<16xi32>, vector<16xi32>], vector<16xf32>,
    %add3A_340 = arith.constant 16 : i32
    %add3A_341 = vector.broadcast %add3A_340 : i32 to vector<16xi32>
    %add3A_342 = arith.addi %iota3A, %add3A_341 : vector<16xi32>
    tpu.vector_store_idx %arg9[%add3A_342, %add3A_332], %gather3A_339 : memref<32x512xf32, #tpu.memory_space<vmem>>[vector<16xi32>, vector<16xi32>], vector<16xf32>,
    %broadcast_in_dim3A_343 = arith.constant 0 : i32
    %broadcast_in_dim3A_344 = vector.broadcast %broadcast_in_dim3A_343 : i32 to vector<16xi32>
    %slice3A_345 = vector.extract_strided_slice %and3A_322 {offsets = [1], sizes = [1], strides = [1]} : vector<16xi32> to vector<1xi32>
    %squeeze3A_346 = vector.extract %slice3A_345[0] : i32 from vector<1xi32>
    %add3A_347 = vector.broadcast %squeeze3A_346 : i32 to vector<16xi32>
    %add3A_348 = arith.addi %broadcast_in_dim3A_344, %add3A_347 : vector<16xi32>
    %broadcast_in_dim3A_349 = arith.constant 0 : i32
    %broadcast_in_dim3A_350 = vector.broadcast %broadcast_in_dim3A_349 : i32 to vector<16xi32>
    %add3A_351 = arith.constant 505 : i32
    %add3A_352 = vector.broadcast %add3A_351 : i32 to vector<16xi32>
    %add3A_353 = arith.addi %broadcast_in_dim3A_350, %add3A_352 : vector<16xi32>
    %add3A_354 = arith.constant 32 : i32
    %add3A_355 = vector.broadcast %add3A_354 : i32 to vector<16xi32>
    %add3A_356 = arith.addi %iota3A, %add3A_355 : vector<16xi32>
    %gather3A_357 = tpu.vector_load_idx %arg8[%add3A_356, %add3A_348] : memref<768x128xf32, #tpu.memory_space<vmem>>[vector<16xi32>, vector<16xi32>], vector<16xf32>,
    tpu.vector_store_idx %arg9[%iota3A, %add3A_353], %gather3A_357 : memref<32x512xf32, #tpu.memory_space<vmem>>[vector<16xi32>, vector<16xi32>], vector<16xf32>,
    %add3A_358 = arith.constant 16 : i32
    %add3A_359 = vector.broadcast %add3A_358 : i32 to vector<16xi32>
    %add3A_360 = arith.addi %add3A_356, %add3A_359 : vector<16xi32>
    %gather3A_361 = tpu.vector_load_idx %arg8[%add3A_360, %add3A_348] : memref<768x128xf32, #tpu.memory_space<vmem>>[vector<16xi32>, vector<16xi32>], vector<16xf32>,
    %add3A_362 = arith.constant 16 : i32
    %add3A_363 = vector.broadcast %add3A_362 : i32 to vector<16xi32>
    %add3A_364 = arith.addi %iota3A, %add3A_363 : vector<16xi32>
    tpu.vector_store_idx %arg9[%add3A_364, %add3A_353], %gather3A_361 : memref<32x512xf32, #tpu.memory_space<vmem>>[vector<16xi32>, vector<16xi32>], vector<16xf32>,
    %broadcast_in_dim3A_365 = arith.constant 0 : i32
    %broadcast_in_dim3A_366 = vector.broadcast %broadcast_in_dim3A_365 : i32 to vector<16xi32>
    %slice3A_367 = vector.extract_strided_slice %and3A_322 {offsets = [2], sizes = [1], strides = [1]} : vector<16xi32> to vector<1xi32>
    %squeeze3A_368 = vector.extract %slice3A_367[0] : i32 from vector<1xi32>
    %add3A_369 = vector.broadcast %squeeze3A_368 : i32 to vector<16xi32>
    %add3A_370 = arith.addi %broadcast_in_dim3A_366, %add3A_369 : vector<16xi32>
    %broadcast_in_dim3A_371 = arith.constant 0 : i32
    %broadcast_in_dim3A_372 = vector.broadcast %broadcast_in_dim3A_371 : i32 to vector<16xi32>
    %add3A_373 = arith.constant 506 : i32
    %add3A_374 = vector.broadcast %add3A_373 : i32 to vector<16xi32>
    %add3A_375 = arith.addi %broadcast_in_dim3A_372, %add3A_374 : vector<16xi32>
    %add3A_376 = arith.constant 64 : i32
    %add3A_377 = vector.broadcast %add3A_376 : i32 to vector<16xi32>
    %add3A_378 = arith.addi %iota3A, %add3A_377 : vector<16xi32>
    %gather3A_379 = tpu.vector_load_idx %arg8[%add3A_378, %add3A_370] : memref<768x128xf32, #tpu.memory_space<vmem>>[vector<16xi32>, vector<16xi32>], vector<16xf32>,
    tpu.vector_store_idx %arg9[%iota3A, %add3A_375], %gather3A_379 : memref<32x512xf32, #tpu.memory_space<vmem>>[vector<16xi32>, vector<16xi32>], vector<16xf32>,
    %add3A_380 = arith.constant 16 : i32
    %add3A_381 = vector.broadcast %add3A_380 : i32 to vector<16xi32>
    %add3A_382 = arith.addi %add3A_378, %add3A_381 : vector<16xi32>
    %gather3A_383 = tpu.vector_load_idx %arg8[%add3A_382, %add3A_370] : memref<768x128xf32, #tpu.memory_space<vmem>>[vector<16xi32>, vector<16xi32>], vector<16xf32>,
    %add3A_384 = arith.constant 16 : i32
    %add3A_385 = vector.broadcast %add3A_384 : i32 to vector<16xi32>
    %add3A_386 = arith.addi %iota3A, %add3A_385 : vector<16xi32>
    tpu.vector_store_idx %arg9[%add3A_386, %add3A_375], %gather3A_383 : memref<32x512xf32, #tpu.memory_space<vmem>>[vector<16xi32>, vector<16xi32>], vector<16xf32>,
    %broadcast_in_dim3A_387 = arith.constant 0 : i32
    %broadcast_in_dim3A_388 = vector.broadcast %broadcast_in_dim3A_387 : i32 to vector<16xi32>
    %slice3A_389 = vector.extract_strided_slice %and3A_322 {offsets = [3], sizes = [1], strides = [1]} : vector<16xi32> to vector<1xi32>
    %squeeze3A_390 = vector.extract %slice3A_389[0] : i32 from vector<1xi32>
    %add3A_391 = vector.broadcast %squeeze3A_390 : i32 to vector<16xi32>
    %add3A_392 = arith.addi %broadcast_in_dim3A_388, %add3A_391 : vector<16xi32>
    %broadcast_in_dim3A_393 = arith.constant 0 : i32
    %broadcast_in_dim3A_394 = vector.broadcast %broadcast_in_dim3A_393 : i32 to vector<16xi32>
    %add3A_395 = arith.constant 507 : i32
    %add3A_396 = vector.broadcast %add3A_395 : i32 to vector<16xi32>
    %add3A_397 = arith.addi %broadcast_in_dim3A_394, %add3A_396 : vector<16xi32>
    %add3A_398 = arith.constant 96 : i32
    %add3A_399 = vector.broadcast %add3A_398 : i32 to vector<16xi32>
    %add3A_400 = arith.addi %iota3A, %add3A_399 : vector<16xi32>
    %gather3A_401 = tpu.vector_load_idx %arg8[%add3A_400, %add3A_392] : memref<768x128xf32, #tpu.memory_space<vmem>>[vector<16xi32>, vector<16xi32>], vector<16xf32>,
    tpu.vector_store_idx %arg9[%iota3A, %add3A_397], %gather3A_401 : memref<32x512xf32, #tpu.memory_space<vmem>>[vector<16xi32>, vector<16xi32>], vector<16xf32>,
    %add3A_402 = arith.constant 16 : i32
    %add3A_403 = vector.broadcast %add3A_402 : i32 to vector<16xi32>
    %add3A_404 = arith.addi %add3A_400, %add3A_403 : vector<16xi32>
    %gather3A_405 = tpu.vector_load_idx %arg8[%add3A_404, %add3A_392] : memref<768x128xf32, #tpu.memory_space<vmem>>[vector<16xi32>, vector<16xi32>], vector<16xf32>,
    %add3A_406 = arith.constant 16 : i32
    %add3A_407 = vector.broadcast %add3A_406 : i32 to vector<16xi32>
    %add3A_408 = arith.addi %iota3A, %add3A_407 : vector<16xi32>
    tpu.vector_store_idx %arg9[%add3A_408, %add3A_397], %gather3A_405 : memref<32x512xf32, #tpu.memory_space<vmem>>[vector<16xi32>, vector<16xi32>], vector<16xf32>,
    %broadcast_in_dim3A_409 = arith.constant 0 : i32
    %broadcast_in_dim3A_410 = vector.broadcast %broadcast_in_dim3A_409 : i32 to vector<16xi32>
    %slice3A_411 = vector.extract_strided_slice %and3A_322 {offsets = [4], sizes = [1], strides = [1]} : vector<16xi32> to vector<1xi32>
    %squeeze3A_412 = vector.extract %slice3A_411[0] : i32 from vector<1xi32>
    %add3A_413 = vector.broadcast %squeeze3A_412 : i32 to vector<16xi32>
    %add3A_414 = arith.addi %broadcast_in_dim3A_410, %add3A_413 : vector<16xi32>
    %broadcast_in_dim3A_415 = arith.constant 0 : i32
    %broadcast_in_dim3A_416 = vector.broadcast %broadcast_in_dim3A_415 : i32 to vector<16xi32>
    %add3A_417 = arith.constant 508 : i32
    %add3A_418 = vector.broadcast %add3A_417 : i32 to vector<16xi32>
    %add3A_419 = arith.addi %broadcast_in_dim3A_416, %add3A_418 : vector<16xi32>
    %add3A_420 = arith.constant 128 : i32
    %add3A_421 = vector.broadcast %add3A_420 : i32 to vector<16xi32>
    %add3A_422 = arith.addi %iota3A, %add3A_421 : vector<16xi32>
    %gather3A_423 = tpu.vector_load_idx %arg8[%add3A_422, %add3A_414] : memref<768x128xf32, #tpu.memory_space<vmem>>[vector<16xi32>, vector<16xi32>], vector<16xf32>,
    tpu.vector_store_idx %arg9[%iota3A, %add3A_419], %gather3A_423 : memref<32x512xf32, #tpu.memory_space<vmem>>[vector<16xi32>, vector<16xi32>], vector<16xf32>,
    %add3A_424 = arith.constant 16 : i32
    %add3A_425 = vector.broadcast %add3A_424 : i32 to vector<16xi32>
    %add3A_426 = arith.addi %add3A_422, %add3A_425 : vector<16xi32>
    %gather3A_427 = tpu.vector_load_idx %arg8[%add3A_426, %add3A_414] : memref<768x128xf32, #tpu.memory_space<vmem>>[vector<16xi32>, vector<16xi32>], vector<16xf32>,
    %add3A_428 = arith.constant 16 : i32
    %add3A_429 = vector.broadcast %add3A_428 : i32 to vector<16xi32>
    %add3A_430 = arith.addi %iota3A, %add3A_429 : vector<16xi32>
    tpu.vector_store_idx %arg9[%add3A_430, %add3A_419], %gather3A_427 : memref<32x512xf32, #tpu.memory_space<vmem>>[vector<16xi32>, vector<16xi32>], vector<16xf32>,
    %broadcast_in_dim3A_431 = arith.constant 0 : i32
    %broadcast_in_dim3A_432 = vector.broadcast %broadcast_in_dim3A_431 : i32 to vector<16xi32>
    %slice3A_433 = vector.extract_strided_slice %and3A_322 {offsets = [5], sizes = [1], strides = [1]} : vector<16xi32> to vector<1xi32>
    %squeeze3A_434 = vector.extract %slice3A_433[0] : i32 from vector<1xi32>
    %add3A_435 = vector.broadcast %squeeze3A_434 : i32 to vector<16xi32>
    %add3A_436 = arith.addi %broadcast_in_dim3A_432, %add3A_435 : vector<16xi32>
    %broadcast_in_dim3A_437 = arith.constant 0 : i32
    %broadcast_in_dim3A_438 = vector.broadcast %broadcast_in_dim3A_437 : i32 to vector<16xi32>
    %add3A_439 = arith.constant 509 : i32
    %add3A_440 = vector.broadcast %add3A_439 : i32 to vector<16xi32>
    %add3A_441 = arith.addi %broadcast_in_dim3A_438, %add3A_440 : vector<16xi32>
    %add3A_442 = arith.constant 160 : i32
    %add3A_443 = vector.broadcast %add3A_442 : i32 to vector<16xi32>
    %add3A_444 = arith.addi %iota3A, %add3A_443 : vector<16xi32>
    %gather3A_445 = tpu.vector_load_idx %arg8[%add3A_444, %add3A_436] : memref<768x128xf32, #tpu.memory_space<vmem>>[vector<16xi32>, vector<16xi32>], vector<16xf32>,
    tpu.vector_store_idx %arg9[%iota3A, %add3A_441], %gather3A_445 : memref<32x512xf32, #tpu.memory_space<vmem>>[vector<16xi32>, vector<16xi32>], vector<16xf32>,
    %add3A_446 = arith.constant 16 : i32
    %add3A_447 = vector.broadcast %add3A_446 : i32 to vector<16xi32>
    %add3A_448 = arith.addi %add3A_444, %add3A_447 : vector<16xi32>
    %gather3A_449 = tpu.vector_load_idx %arg8[%add3A_448, %add3A_436] : memref<768x128xf32, #tpu.memory_space<vmem>>[vector<16xi32>, vector<16xi32>], vector<16xf32>,
    %add3A_450 = arith.constant 16 : i32
    %add3A_451 = vector.broadcast %add3A_450 : i32 to vector<16xi32>
    %add3A_452 = arith.addi %iota3A, %add3A_451 : vector<16xi32>
    tpu.vector_store_idx %arg9[%add3A_452, %add3A_441], %gather3A_449 : memref<32x512xf32, #tpu.memory_space<vmem>>[vector<16xi32>, vector<16xi32>], vector<16xf32>,
    %broadcast_in_dim3A_453 = arith.constant 0 : i32
    %broadcast_in_dim3A_454 = vector.broadcast %broadcast_in_dim3A_453 : i32 to vector<16xi32>
    %slice3A_455 = vector.extract_strided_slice %and3A_322 {offsets = [6], sizes = [1], strides = [1]} : vector<16xi32> to vector<1xi32>
    %squeeze3A_456 = vector.extract %slice3A_455[0] : i32 from vector<1xi32>
    %add3A_457 = vector.broadcast %squeeze3A_456 : i32 to vector<16xi32>
    %add3A_458 = arith.addi %broadcast_in_dim3A_454, %add3A_457 : vector<16xi32>
    %broadcast_in_dim3A_459 = arith.constant 0 : i32
    %broadcast_in_dim3A_460 = vector.broadcast %broadcast_in_dim3A_459 : i32 to vector<16xi32>
    %add3A_461 = arith.constant 510 : i32
    %add3A_462 = vector.broadcast %add3A_461 : i32 to vector<16xi32>
    %add3A_463 = arith.addi %broadcast_in_dim3A_460, %add3A_462 : vector<16xi32>
    %add3A_464 = arith.constant 192 : i32
    %add3A_465 = vector.broadcast %add3A_464 : i32 to vector<16xi32>
    %add3A_466 = arith.addi %iota3A, %add3A_465 : vector<16xi32>
    %gather3A_467 = tpu.vector_load_idx %arg8[%add3A_466, %add3A_458] : memref<768x128xf32, #tpu.memory_space<vmem>>[vector<16xi32>, vector<16xi32>], vector<16xf32>,
    tpu.vector_store_idx %arg9[%iota3A, %add3A_463], %gather3A_467 : memref<32x512xf32, #tpu.memory_space<vmem>>[vector<16xi32>, vector<16xi32>], vector<16xf32>,
    %add3A_468 = arith.constant 16 : i32
    %add3A_469 = vector.broadcast %add3A_468 : i32 to vector<16xi32>
    %add3A_470 = arith.addi %add3A_466, %add3A_469 : vector<16xi32>
    %gather3A_471 = tpu.vector_load_idx %arg8[%add3A_470, %add3A_458] : memref<768x128xf32, #tpu.memory_space<vmem>>[vector<16xi32>, vector<16xi32>], vector<16xf32>,
    %add3A_472 = arith.constant 16 : i32
    %add3A_473 = vector.broadcast %add3A_472 : i32 to vector<16xi32>
    %add3A_474 = arith.addi %iota3A, %add3A_473 : vector<16xi32>
    tpu.vector_store_idx %arg9[%add3A_474, %add3A_463], %gather3A_471 : memref<32x512xf32, #tpu.memory_space<vmem>>[vector<16xi32>, vector<16xi32>], vector<16xf32>,
    %broadcast_in_dim3A_475 = arith.constant 0 : i32
    %broadcast_in_dim3A_476 = vector.broadcast %broadcast_in_dim3A_475 : i32 to vector<16xi32>
    %slice3A_477 = vector.extract_strided_slice %and3A_322 {offsets = [7], sizes = [1], strides = [1]} : vector<16xi32> to vector<1xi32>
    %squeeze3A_478 = vector.extract %slice3A_477[0] : i32 from vector<1xi32>
    %add3A_479 = vector.broadcast %squeeze3A_478 : i32 to vector<16xi32>
    %add3A_480 = arith.addi %broadcast_in_dim3A_476, %add3A_479 : vector<16xi32>
    %broadcast_in_dim3A_481 = arith.constant 0 : i32
    %broadcast_in_dim3A_482 = vector.broadcast %broadcast_in_dim3A_481 : i32 to vector<16xi32>
    %add3A_483 = arith.constant 511 : i32
    %add3A_484 = vector.broadcast %add3A_483 : i32 to vector<16xi32>
    %add3A_485 = arith.addi %broadcast_in_dim3A_482, %add3A_484 : vector<16xi32>
    %add3A_486 = arith.constant 224 : i32
    %add3A_487 = vector.broadcast %add3A_486 : i32 to vector<16xi32>
    %add3A_488 = arith.addi %iota3A, %add3A_487 : vector<16xi32>
    %gather3A_489 = tpu.vector_load_idx %arg8[%add3A_488, %add3A_480] : memref<768x128xf32, #tpu.memory_space<vmem>>[vector<16xi32>, vector<16xi32>], vector<16xf32>,
    tpu.vector_store_idx %arg9[%iota3A, %add3A_485], %gather3A_489 : memref<32x512xf32, #tpu.memory_space<vmem>>[vector<16xi32>, vector<16xi32>], vector<16xf32>,
    %add3A_490 = arith.constant 16 : i32
    %add3A_491 = vector.broadcast %add3A_490 : i32 to vector<16xi32>
    %add3A_492 = arith.addi %add3A_488, %add3A_491 : vector<16xi32>
    %gather3A_493 = tpu.vector_load_idx %arg8[%add3A_492, %add3A_480] : memref<768x128xf32, #tpu.memory_space<vmem>>[vector<16xi32>, vector<16xi32>], vector<16xf32>,
    %add3A_494 = arith.constant 16 : i32
    %add3A_495 = vector.broadcast %add3A_494 : i32 to vector<16xi32>
    %add3A_496 = arith.addi %iota3A, %add3A_495 : vector<16xi32>
    tpu.vector_store_idx %arg9[%add3A_496, %add3A_485], %gather3A_493 : memref<32x512xf32, #tpu.memory_space<vmem>>[vector<16xi32>, vector<16xi32>], vector<16xf32>,
    %mul3A_497 = arith.constant 512 : i32
    %mul3A_498 = arith.muli %mul3A_497, %add3A : i32
    "tpu.region"() ({
      %run_scoped3A = tpu.sem_alloc : memref<!tpu.dma_semaphore, #tpu.memory_space<semaphore_mem>>
      %dma_start3A_501 = arith.constant 0 : i32
      %dma_start3A_502 = tpu.memref_slice %arg5[%dma_start3A_501, %mul3A_498] : memref<32x16384xf32, #tpu.memory_space<hbm>> -> memref<32x512xf32, #tpu.memory_space<hbm>>
      %dma_start3A_503 = arith.constant 0 : i32
      %dma_start3A_504 = tpu.memref_slice %arg5[%dma_start3A_503, %mul3A_498] : memref<32x16384xf32, #tpu.memory_space<hbm>> -> memref<32x512xf32, #tpu.memory_space<hbm>>
      tpu.enqueue_dma source(%arg9 : memref<32x512xf32, #tpu.memory_space<vmem>>) target(%dma_start3A_504 : memref<32x512xf32, #tpu.memory_space<hbm>>) target_semaphore(%run_scoped3A : memref<!tpu.dma_semaphore, #tpu.memory_space<semaphore_mem>>)
      %dma_wait3A_505 = arith.constant 0 : i32
      %dma_wait3A_506 = tpu.memref_slice %arg5[%dma_wait3A_505, %mul3A_498] : memref<32x16384xf32, #tpu.memory_space<hbm>> -> memref<32x512xf32, #tpu.memory_space<hbm>>
      %dma_wait3A_507 = arith.constant 0 : i32
      %dma_wait3A_508 = tpu.memref_slice %arg5[%dma_wait3A_507, %mul3A_498] : memref<32x16384xf32, #tpu.memory_space<hbm>> -> memref<32x512xf32, #tpu.memory_space<hbm>>
      tpu.wait_dma2 semaphore(%run_scoped3A : memref<!tpu.dma_semaphore, #tpu.memory_space<semaphore_mem>>) src(%arg9 : memref<32x512xf32, #tpu.memory_space<vmem>>) dst(%dma_wait3A_508 : memref<32x512xf32, #tpu.memory_space<hbm>>)
      tpu.yield
    }) : () -> ()
    %eq3A = arith.constant 0 : i32
    %eq3A_499 = arith.cmpi eq, %add3A, %eq3A : i32
    %convert_element_type3A = arith.extui %eq3A_499 : i1 to i32
    %cond3A = arith.constant 0 : i32
    %cond3A_500 = arith.cmpi ne, %convert_element_type3A, %cond3A : i32
    scf.if %cond3A_500 {
      "tpu.region"() ({
        %run_scoped3A = tpu.sem_alloc : memref<!tpu.dma_semaphore, #tpu.memory_space<semaphore_mem>>
        tpu.enqueue_dma source(%arg4 : memref<16xf32, #tpu.memory_space<hbm>>) target(%arg10 : memref<16xf32, #tpu.memory_space<vmem>>) target_semaphore(%run_scoped3A : memref<!tpu.dma_semaphore, #tpu.memory_space<semaphore_mem>>)
        tpu.wait_dma2 semaphore(%run_scoped3A : memref<!tpu.dma_semaphore, #tpu.memory_space<semaphore_mem>>) src(%arg4 : memref<16xf32, #tpu.memory_space<hbm>>) dst(%arg10 : memref<16xf32, #tpu.memory_space<vmem>>)
        tpu.yield
      }) : () -> ()
      %get3A_501 = arith.constant 0 : index
      %get3A_502 = tpu.vector_load %arg10[%get3A_501] {strides = array<i32>} : memref<16xf32, #tpu.memory_space<vmem>>, vector<16xf32>,
      %max3A = arith.constant -2.500000e+00 : f32
      %max3A_503 = vector.broadcast %max3A : f32 to vector<16xf32>
      %max3A_504 = arith.maximumf %get3A_502, %max3A_503 : vector<16xf32>
      %min3A = arith.constant 0.000000e+00 : f32
      %min3A_505 = vector.broadcast %min3A : f32 to vector<16xf32>
      %min3A_506 = arith.minimumf %max3A_504, %min3A_505 : vector<16xf32>
      %swap3A = arith.constant 0 : index
      %swap3A_507 = tpu.vector_load %arg10[%swap3A] {strides = array<i32>} : memref<16xf32, #tpu.memory_space<vmem>>, vector<16xf32>,
      tpu.vector_store %arg10[%swap3A], %min3A_506 {strides = array<i32>} : memref<16xf32, #tpu.memory_space<vmem>>, vector<16xf32>,
      "tpu.region"() ({
        %run_scoped3A = tpu.sem_alloc : memref<!tpu.dma_semaphore, #tpu.memory_space<semaphore_mem>>
        tpu.enqueue_dma source(%arg10 : memref<16xf32, #tpu.memory_space<vmem>>) target(%arg6 : memref<16xf32, #tpu.memory_space<hbm>>) target_semaphore(%run_scoped3A : memref<!tpu.dma_semaphore, #tpu.memory_space<semaphore_mem>>)
        tpu.wait_dma2 semaphore(%run_scoped3A : memref<!tpu.dma_semaphore, #tpu.memory_space<semaphore_mem>>) src(%arg10 : memref<16xf32, #tpu.memory_space<vmem>>) dst(%arg6 : memref<16xf32, #tpu.memory_space<hbm>>)
        tpu.yield
      }) : () -> ()
    } else {
    }
    return
  }
}

</mosaic_0001>

<sc_bundles>
// kernel: kernel.3.cloned.1.call-start
scs
__scs_entry_jumppad:
0x0: {  	(pc) =	sbr.rel $0x88, $3  }
0x1: {  	(tag) =	ssettag $0x0;
	lr =	simm.s32 $0x1  }
0x2: {  	[smem:$0x3F9E] =	sst lr;
	_ =	strace $0xD0000000  }
0x3: {  	_ = 	snop  }
0x4: {  	_ = 	snop  }
0x5: {  	_ = 	snop  }
0x6: {  	_ = 	snop  }
0x7: {  	_ = 	snop  }
__scs_overlays_trampoline_lowered:
0x8: {  	[smem:$0x3FAD] =	sst s0  }
0x9: {  	[smem:$0x3FAE] =	sst s1  }
0xa: {  	[smem:$0x3FAF] =	sst s2  }
0xb: {  	[smem:$0x3FB0] =	sst s3  }
0xc: {  	[smem:$0x3FB1] =	sst s4  }
0xd: {  	[smem:$0x3FB2] =	sst s5  }
0xe: {  	[smem:$0x3FB3] =	sst s6  }
0xf: {  	[smem:$0x3FB4] =	sst s7  }
0x10: {  	[smem:$0x3FB5] =	sst s8  }
0x11: {  	[smem:$0x3FB6] =	sst s9;
	s0 =	simm.s32 @!p0 $0x0  }
0x12: {  	s1 =	sld [smem:$0x3F9C];
	s0 =	simm.s32 @p0 $0x1  }
0x13: {  	[smem:$0x3FB7] =	sst s0;
	s0 =	simm.s32 @!p1 $0x0  }
0x14: {  	s2 =	sld [smem:$0x3F9B];
	s0 =	simm.s32 @p1 $0x1  }
0x15: {  	[smem:$0x3FB8] =	sst s0;
	s0 =	simm.s32 @!p2 $0x0  }
0x16: {  	s3 =	sld [smem:$0x3FDB];
	s0 =	simm.s32 @p2 $0x1  }
0x17: {  	s4 =	simm.s32 $0x1BF5;
	[smem:$0x3FBA] =	sst s0  }
0x18: {  	s0 =	sld [smem:$0x3F9D];
	_ =	swait.ge [sflag:s4], $0x0  }
0x19: {  	s7 =	sld [smem:$0x3F9E]  }
0x1a: {  	s8 =	sadd.s32 $0xFFFFE003, lr  }
0x1b: {  	s9 =	sadd.s32 $0xFFFFFEF7, lr;
	s5 =	simm.s32 $0xFFFFFFFF;
	p2 =	slt.u32 s8, $0xFFFFF086  }
0x1c: {  	p1 =	slt.u32 s9, $0xF7A;
	s5 =	simm.s32 @!p2 $0x0  }
0x1d: {  	s5 =	simm.s32 @p1 $0x1;
	p0 =	seq.s32 s7, s2  }
0x1e: {  	s7 =	smul.u32 @!p0 $0xF7A, s2;
	p2 =	seq.s32 @!p0 s5, $0x0  }
0x1f: {  	s9 =	smul.u32 $0xF7A, s1;
	s8 =	simm.s32 @!p0 $0x1BF5;
	p2 =	por !p2, p0  }
0x20: {  	[sflag:s8] =	ssyncset.s32 @!p0 $0xFFFFF086;
	s6 =	sadd.s32 @!p0 s3, s7;
	s7 =	simm.s32 @!p0 $0x108  }
0x21: {  	s3 =	sadd.s32 s3, s9;
	s6 =	sadd.s32 @!p0 $0x88, s6;
	s7 =	simm.s32 @p2 $0x1082  }
0x22: {  	[simem:s7], [sflag:s8] =	dma.local @!p0 [hbm:s6], $0xF7A  }
0x23: {  	s9 =	sor.u32 $0xD0000000, s2;
	s6 =	simm.s32 $0x108;
	_ =	swait.ge @!p0 [sflag:s8], $0x0  }
0x24: {  	s3 =	sadd.s32 $0x88, s3;
	s6 =	simm.s32 @!p1 $0x1082;
	[sflag:s4] =	ssyncset.s32 $0xFFFFF086  }
0x25: {  	[simem:s6], [sflag:s4] =	dma.local [hbm:s3], $0xF7A  }
0x26: {  	[smem:$0x3F9E] =	sst s1;
	(tag) =	ssettag s2;
	_ =	strace s9  }
0x27: {  	s1 =	sld [smem:$0x3FAE]  }
0x28: {  	s2 =	sld [smem:$0x3FAF]  }
0x29: {  	s4 =	sld [smem:$0x3FB1]  }
0x2a: {  	p0 =	seq.s32 s5, $0x0;
	s5 =	sld [smem:$0x3FB2]  }
0x2b: {  	s6 =	sld [smem:$0x3FB3]  }
0x2c: {  	s7 =	sld [smem:$0x3FB4]  }
0x2d: {  	s3 =	simm.s32 $0x108;
	s8 =	sld [smem:$0x3FB5]  }
0x2e: {  	s3 =	simm.s32 @!p0 $0x1082;
	s9 =	sld [smem:$0x3FB6]  }
0x2f: {  	lr =	sadd.s32 s0, s3;
	s0 =	sld [smem:$0x3FAD]  }
0x30: {  	s3 =	sld [smem:$0x3FB0]  }
0x31: {  	[smem:$0x3FB9] =	sst s10  }
0x32: {  	s10 =	sld [smem:$0x3FB7];
	_ =	sdelay $0x3  }
0x33: {  	p0 =	seq.s32 s10, $0x1;
	s10 =	sld [smem:$0x3FB9];
	_ =	sdelay $0x3  }
0x34: {  	[smem:$0x3FB9] =	sst s10  }
0x35: {  	s10 =	sld [smem:$0x3FB8];
	_ =	sdelay $0x3  }
0x36: {  	p1 =	seq.s32 s10, $0x1;
	s10 =	sld [smem:$0x3FB9];
	_ =	sdelay $0x3  }
0x37: {  	[smem:$0x3FB9] =	sst s10  }
0x38: {  	s10 =	sld [smem:$0x3FBA]  }
0x39: {  	_ = 	snop;
	(pc) =	sbr.ind lr, $3  }
0x3a: {  	_ = 	snop  }
0x3b: {  	_ = 	snop  }
0x3c: {  	p2 =	seq.s32 s10, $0x1;
	s10 =	sld [smem:$0x3FB9]  }
0x3d: {  	_ =	shalt  }
0x3e: {  	_ =	shalt  }
0x3f: {  	_ =	shalt  }
0x40: {  	_ =	shalt  }
0x41: {  	_ =	shalt  }
0x42: {  	_ =	shalt  }
0x43: {  	_ =	shalt  }
0x44: {  	_ =	shalt  }
0x45: {  	_ =	shalt  }
0x46: {  	_ =	shalt  }
0x47: {  	_ =	shalt  }
0x48: {  	_ =	shalt  }
0x49: {  	_ =	shalt  }
0x4a: {  	_ =	shalt  }
0x4b: {  	_ =	shalt  }
0x4c: {  	_ =	shalt  }
0x4d: {  	_ =	shalt  }
0x4e: {  	_ =	shalt  }
0x4f: {  	_ =	shalt  }
0x50: {  	_ =	shalt  }
0x51: {  	_ =	shalt  }
0x52: {  	_ =	shalt  }
0x53: {  	_ =	shalt  }
0x54: {  	_ =	shalt  }
0x55: {  	_ =	shalt  }
0x56: {  	_ =	shalt  }
0x57: {  	_ =	shalt  }
0x58: {  	_ =	shalt  }
0x59: {  	_ =	shalt  }
0x5a: {  	_ =	shalt  }
0x5b: {  	_ =	shalt  }
0x5c: {  	_ =	shalt  }
0x5d: {  	_ =	shalt  }
0x5e: {  	_ =	shalt  }
0x5f: {  	_ =	shalt  }
0x60: {  	_ =	shalt  }
0x61: {  	_ =	shalt  }
0x62: {  	_ =	shalt  }
0x63: {  	_ =	shalt  }
0x64: {  	_ =	shalt  }
0x65: {  	_ =	shalt  }
0x66: {  	_ =	shalt  }
0x67: {  	_ =	shalt  }
0x68: {  	_ =	shalt  }
0x69: {  	_ =	shalt  }
0x6a: {  	_ =	shalt  }
0x6b: {  	_ =	shalt  }
0x6c: {  	_ =	shalt  }
0x6d: {  	_ =	shalt  }
0x6e: {  	_ =	shalt  }
0x6f: {  	_ =	shalt  }
0x70: {  	_ =	shalt  }
0x71: {  	_ =	shalt  }
0x72: {  	_ =	shalt  }
0x73: {  	_ =	shalt  }
0x74: {  	_ =	shalt  }
0x75: {  	_ =	shalt  }
0x76: {  	_ =	shalt  }
0x77: {  	_ =	shalt  }
0x78: {  	_ =	shalt  }
0x79: {  	_ =	shalt  }
0x7a: {  	_ =	shalt  }
0x7b: {  	_ =	shalt  }
0x7c: {  	_ =	shalt  }
0x7d: {  	_ =	shalt  }
0x7e: {  	_ =	shalt  }
0x7f: {  	_ =	shalt  }
0x80: {  	_ =	shalt  }
0x81: {  	_ =	shalt  }
0x82: {  	_ =	shalt  }
0x83: {  	_ =	shalt  }
0x84: {  	_ =	shalt  }
0x85: {  	_ =	shalt  }
0x86: {  	_ =	shalt  }
0x87: {  	_ =	shalt  }
.Lfunc_end0:
.L_simem_size_0:
called_computation_lowered:
.L_overlay_start_0:
0x88: {  	s2 =	sld [smem:$0x3FD9]  }
0x89: {  	s3 =	sld [smem:$0x3FFE];
	_ =	sdelay $0x1  }
0x8a: {  	s1 =	srdreg.scid  }
0x8b: {  	s0 =	sand.u32 $0x1, s1  }
0x8c: {  	s14 =	sshll.u32 s0, $0xA;
	s2 =	sadd.s32 s3, s2  }
0x8d: {  	s2 =	sadd.s32 s2, s14  }
0x8e: {  	[smem:$0x3FC5] =	sst s2  }
0x8f: {  	_ = 	snop  }
0x90: {  	s2 =	sld [smem:$0x3FD0];
	_ =	sdelay $0x1  }
0x91: {  	s15 =	sld [smem:$0x3FC9]  }
0x92: {  	s5 =	simm.s32 $0xA;
	s6 =	simm.s32 $0x10;
	s4 =	sld [smem:$0x3FC8]  }
0x93: {  	[smem:s6], [sflag:s5] =	dma.local [hbm:s2], $0x1  }
0x94: {  	_ =	swait.eq [sflag:s5], $0x1  }
0x95: {  	[sflag:s5] =	ssyncset.done $0x0  }
0x96: {  	s16 =	sld [smem:$0x10];
	[sflag:s5] =	ssyncadd.s32 $0xFFFFFFFF  }
0x97: {  	s17 =	sld [smem:$0x11];
	(tm) =	ssettm $0x1  }
0x98: {  	s18 =	sld [smem:$0x3FFB];
	_ =	sdelay $0x3  }
0x99: {  	_ =	strace s18  }
0x9a: {  	s6 =	sld [smem:$0x3FFC];
	_ =	sdelay $0x3  }
0x9b: {  	_ =	strace s6  }
0x9c: {  	s6 =	sld [smem:$0x3FFD];
	_ =	sdelay $0x3  }
0x9d: {  	_ =	strace s6  }
0x9e: {  	_ =	strace $0x8FFFFFFF  }
0x9f: {  	s19 =	sld [smem:$0x3FDB];
	_ =	sdelay $0x1  }
0xa0: {  	s7 =	simm.s32 $_scs_section_size  }
0xa1: {  	s8 =	simm.s32 $_size__tile_overlayer_lowered;
	s9 =	simm.s32 $_tile_overlayer_lowered  }
0xa2: {  	s22 =	simm.s32 $0x1BFF;
	s21 =	sshll.u32 s9, $0x1;
	s6 =	sadd.s32 s7, s19  }
0xa3: {  	s10 =	simm.s32 $0x0;
	s20 =	sshll.u32 s8, $0x1;
	s8 =	sadd.s32 s21, s6  }
0xa4: {  	[timem:s10], [sflag:s22] =	dma.local [hbm:s8], s20  }
0xa5: {  	_ =	swait.ge [sflag:s22], s20  }
0xa6: {  	s7 =	ssub.s32 $0x0, s20;
	[sflag:s22] =	ssyncset.done $0x0  }
0xa7: {  	[sflag:s22] =	ssyncadd.s32 s7;
	_ =	sdelay $0x1  }
0xa8: {  	s23 =	simm.s32 $0x1B8B  }
0xa9: {  	_ =	swait.ge [sflag:s23], $0x1  }
0xaa: {  	[sflag:s23] =	ssyncset.done $0x0  }
0xab: {  	s25 =	simm.s32 $0x1B8E;
	s24 =	sld [smem:$0x3FFE];
	[sflag:s23] =	ssyncadd.s32 $0xFFFFFFFF  }
0xac: {  	s26 =	simm.s32 $execute0_lowered;
	[smem:$0x3FD2] =	sst s25  }
0xad: {  	s8 =	sshll.u32 s26, $0x1;
	_ =	strace $0x80000046;
	[dreg:$0x1] =	wrdreg $0xFFFFFFFF  }
0xae: {  	s28 =	simm.s32 $_size_execute0_lowered;
	s6 =	sadd.s32 s6, s8;
	[dreg:$0x0] =	wrdreg $0x0  }
0xaf: {  	s8 =	sshll.u32 s28, $0x1;
	[dreg:$0x2] =	wrdreg s6  }
0xb0: {  	[dreg:$0x3] =	wrdreg s8  }
0xb1: {  	[dreg:$0x4] =	wrdreg $0xC0  }
0xb2: {  	_ =	task [dreg:s10], $0x5FFFF  }
0xb3: {  	[dreg:$0x1] =	wrdreg $0xFFFFFFFF  }
0xb4: {  	[dreg:$0x0] =	wrdreg $0x60  }
0xb5: {  	[dreg:$0x2] =	wrdreg s15  }
0xb6: {  	[dreg:$0x3] =	wrdreg s4  }
0xb7: {  	[dreg:$0x4] =	wrdreg s24  }
0xb8: {  	[dreg:$0x5] =	wrdreg s16  }
0xb9: {  	[dreg:$0x6] =	wrdreg s17  }
0xba: {  	[dreg:$0x7] =	wrdreg $0x9  }
0xbb: {  	_ =	task.clear_ibuf [dreg:s10], $0x8FFFF;
	_ =	strace $0x90000046  }
0xbc: {  	s29 =	simm.s32 $0x9;
	_ =	strace $0x80000048  }
0xbd: {  	_ =	swait.ge [sflag:s29], $0x1  }
0xbe: {  	[sflag:s29] =	ssyncadd.s32 $0xFFFFFFFF  }
0xbf: {  	_ =	strace $0x90000048  }
0xc0: {  	_ =	sfence  }
0xc1: {  	s30 =	sld [smem:$0x0];
	_ =	sdelay $0x2  }
0xc2: {  	s31 =	sshll.u32 s1, $0xD;
	s1 =	sshrl.u32 s1, $0x2  }
0xc3: {  	s3 =	sand.u32 $0x4000, s31;
	s1 =	sadd.s32 s1, s30  }
0xc4: {  	s0 =	sor.u32 s3, s0;
	s1 =	sshll.u32 s1, $0x11  }
0xc5: {  	s0 =	sor.u32 s1, s0  }
0xc6: {  	s0 =	sadd.s32 $0x8F2B, s0  }
0xc7: {  	[sflag:s0] =	ssyncadd.remote.s32 $0x1  }
0xc8: {  	_ =	sfence.sel $0xFFFF  }
0xc9: {  	[dreg:$0x0] =	wrdreg $0xFFFFFFFF;
	(pc) =	sbr.abs _section_cstart, $3  }
0xca: {  	[dreg:$0x1] =	wrdreg $0xFFFFFFFF  }
0xcb: {  	_ =	task.clear_ibuf [dreg:s10], $0x2FFFF;
	_ =	strace $0x9FFFFFFF  }
0xcc: {  	(tm) =	ssettm $0x7FFFFFFF  }
0xcd: {  	_ =	shalt  }
tec
execute0_lowered:
.L_overlay_start_1:
0x0: {  	(tag) =	ssettag $0x1  }
0x1: {  	v0 =	vlaneseq.u32  }
0x2: {  	v1 =	vimm.s32 $0x1380;
	vm14 =	vcmask $0x300;
	vm13 =	vcmask $0x704  }
0x3: {  	v2 =	vimm.s32 $0x3380;
	vm12 =	vcmask $0xB08;
	vm11 =	vcmask $0xF0C  }
0x4: {  	vm10 =	vcmask $0x1310;
	vm9 =	vcmask $0x1714;
	vm8 =	vcmask $0x1B18  }
0x5: {  	vm7 =	vcmask $0x1F1C;
	vm6 =	vcmask $0x2320;
	vm5 =	vcmask $0x2724  }
0x6: {  	vm4 =	vcmask $0x2B28;
	vm2 =	vcmask $0x2F2C;
	vm3 =	vcmask $0x3330  }
0x7: {  	vm1 =	vcmask $0x3734;
	vm0 =	vcmask $0x3B38;
	v22 =	vimm.s32 $0x1FF8  }
0x8: {  	v59 =	vimm.s32 $0x3FF8;
	v49 =	vimm.s32 $0x1FF9;
	v50 =	vimm.s32 $0x3FF9  }
0x9: {  	v62 =	vimm.s32 $0x1FFA;
	v63 =	vimm.s32 $0x3FFA;
	v52 =	vimm.s32 $0x1FFB  }
0xa: {  	v55 =	vimm.s32 $0x1FFC;
	v58 =	vimm.s32 $0x1FFD;
	v0 =	vmul.u32 $0x80, v0  }
0xb: {  	v1 =	vsel vm14, $0x0, v1;
	v2 =	vsel vm14, $0x2000, v2;
	v24 =	vsel vm14, $0xC78, v22  }
0xc: {  	v49 =	vsel vm14, $0xC79, v49;
	v50 =	vsel vm14, $0x2C79, v50;
	v52 =	vsel vm14, $0xC7B, v52  }
0xd: {  	v1 =	vsel vm13, $0x80, v1;
	v2 =	vsel vm13, $0x2080, v2;
	v26 =	vsel vm13, $0xCF8, v24  }
0xe: {  	v49 =	vsel vm13, $0xCF9, v49;
	v50 =	vsel vm13, $0x2CF9, v50;
	v52 =	vsel vm13, $0xCFB, v52  }
0xf: {  	v1 =	vsel vm12, $0x100, v1;
	v2 =	vsel vm12, $0x2100, v2;
	v4 =	vor.u32 $0x1000, v0  }
0x10: {  	v5 =	vor.u32 $0x1800, v0;
	v6 =	vor.u32 $0x2000, v0;
	v7 =	vor.u32 $0x2800, v0  }
0x11: {  	v8 =	vor.u32 $0x3000, v0;
	v9 =	vor.u32 $0x3800, v0;
	v10 =	vor.u32 $0x4000, v0  }
0x12: {  	v11 =	vor.u32 $0x4800, v0;
	v12 =	vor.u32 $0x5000, v0;
	v13 =	vor.u32 $0x5800, v0  }
0x13: {  	v14 =	vor.u32 $0x6000, v0;
	v15 =	vor.u32 $0x6800, v0;
	v16 =	vor.u32 $0x7000, v0  }
0x14: {  	v17 =	vor.u32 $0x7800, v0;
	v18 =	vor.u32 $0x8000, v0;
	v19 =	vor.u32 $0x8800, v0  }
0x15: {  	v20 =	vor.u32 $0x9000, v0;
	v21 =	vor.u32 $0x9800, v0;
	v22 =	vor.u32 $0xA000, v0  }
0x16: {  	v23 =	vor.u32 $0xA800, v0;
	v24 =	vor.u32 $0xB000, v0;
	v25 =	vor.u32 $0xB800, v0  }
0x17: {  	v28 =	vsel vm12, $0xD78, v26;
	v26 =	vor.u32 $0xC000, v0;
	v27 =	vor.u32 $0xC800, v0  }
0x18: {  	v29 =	vor.u32 $0xD800, v0;
	v31 =	vor.u32 $0xE800, v0;
	v33 =	vor.u32 $0xF800, v0  }
0x19: {  	v35 =	vor.u32 $0x10800, v0;
	v37 =	vor.u32 $0x11800, v0;
	v39 =	vor.u32 $0x12800, v0  }
0x1a: {  	v41 =	vor.u32 $0x13800, v0;
	v43 =	vor.u32 $0x14800, v0;
	v45 =	vor.u32 $0x15800, v0  }
0x1b: {  	v47 =	vor.u32 $0x16800, v0;
	v49 =	vsel vm12, $0xD79, v49;
	v50 =	vsel vm12, $0x2D79, v50  }
0x1c: {  	v52 =	vsel vm12, $0xD7B, v52;
	v1 =	vsel vm11, $0x180, v1;
	v2 =	vsel vm11, $0x2180, v2  }
0x1d: {  	v30 =	vsel vm11, $0xDF8, v28;
	v28 =	vor.u32 $0xD000, v0;
	v49 =	vsel vm11, $0xDF9, v49  }
0x1e: {  	v50 =	vsel vm11, $0x2DF9, v50;
	v52 =	vsel vm11, $0xDFB, v52;
	v1 =	vsel vm10, $0x200, v1  }
0x1f: {  	v2 =	vsel vm10, $0x2200, v2;
	v32 =	vsel vm10, $0xE78, v30;
	v30 =	vor.u32 $0xE000, v0  }
0x20: {  	v49 =	vsel vm10, $0xE79, v49;
	v50 =	vsel vm10, $0x2E79, v50;
	v34 =	vsel vm9, $0xEF8, v32  }
0x21: {  	v52 =	vsel vm10, $0xE7B, v52;
	v1 =	vsel vm9, $0x280, v1;
	v36 =	vsel vm8, $0xF78, v34  }
0x22: {  	v2 =	vsel vm9, $0x2280, v2;
	v32 =	vor.u32 $0xF000, v0;
	v38 =	vsel vm7, $0xFF8, v36  }
0x23: {  	v49 =	vsel vm9, $0xEF9, v49;
	v50 =	vsel vm9, $0x2EF9, v50;
	v40 =	vsel vm6, $0x1C78, v38  }
0x24: {  	v52 =	vsel vm9, $0xEFB, v52;
	v1 =	vsel vm8, $0x300, v1;
	v42 =	vsel vm5, $0x1CF8, v40  }
0x25: {  	v2 =	vsel vm8, $0x2300, v2;
	v34 =	vor.u32 $0x10000, v0;
	v44 =	vsel vm4, $0x1D78, v42  }
0x26: {  	v49 =	vsel vm8, $0xF79, v49;
	v50 =	vsel vm8, $0x2F79, v50;
	v46 =	vsel vm2, $0x1DF8, v44  }
0x27: {  	v52 =	vsel vm8, $0xF7B, v52;
	v1 =	vsel vm7, $0x380, v1;
	v48 =	vsel vm3, $0x1E78, v46  }
0x28: {  	v2 =	vsel vm7, $0x2380, v2;
	v36 =	vor.u32 $0x11000, v0;
	v48 =	vsel vm1, $0x1EF8, v48  }
0x29: {  	v49 =	vsel vm7, $0xFF9, v49;
	v50 =	vsel vm7, $0x2FF9, v50;
	v48 =	vsel vm0, $0x1F78, v48  }
0x2a: {  	v52 =	vsel vm7, $0xFFB, v52;
	v1 =	vsel vm6, $0x1000, v1;
	[tilespmem:$0x1FF70] =	vst v48;
	v48 =	vsel vm14, $0x2C78, v59  }
0x2b: {  	v2 =	vsel vm6, $0x3000, v2;
	v38 =	vor.u32 $0x12000, v0;
	v48 =	vsel vm13, $0x2CF8, v48  }
0x2c: {  	v49 =	vsel vm6, $0x1C79, v49;
	v50 =	vsel vm6, $0x3C79, v50;
	v48 =	vsel vm12, $0x2D78, v48  }
0x2d: {  	v52 =	vsel vm6, $0x1C7B, v52;
	v1 =	vsel vm5, $0x1080, v1;
	v48 =	vsel vm11, $0x2DF8, v48  }
0x2e: {  	v2 =	vsel vm5, $0x3080, v2;
	v40 =	vor.u32 $0x13000, v0;
	v48 =	vsel vm10, $0x2E78, v48  }
0x2f: {  	v49 =	vsel vm5, $0x1CF9, v49;
	v50 =	vsel vm5, $0x3CF9, v50;
	v48 =	vsel vm9, $0x2EF8, v48  }
0x30: {  	v52 =	vsel vm5, $0x1CFB, v52;
	v1 =	vsel vm4, $0x1100, v1;
	v48 =	vsel vm8, $0x2F78, v48  }
0x31: {  	v2 =	vsel vm4, $0x3100, v2;
	v42 =	vor.u32 $0x14000, v0;
	v48 =	vsel vm7, $0x2FF8, v48  }
0x32: {  	v49 =	vsel vm4, $0x1D79, v49;
	v50 =	vsel vm4, $0x3D79, v50;
	v48 =	vsel vm6, $0x3C78, v48  }
0x33: {  	v52 =	vsel vm4, $0x1D7B, v52;
	v1 =	vsel vm2, $0x1180, v1;
	v48 =	vsel vm5, $0x3CF8, v48  }
0x34: {  	v2 =	vsel vm2, $0x3180, v2;
	v44 =	vor.u32 $0x15000, v0;
	v48 =	vsel vm4, $0x3D78, v48  }
0x35: {  	v49 =	vsel vm2, $0x1DF9, v49;
	v50 =	vsel vm2, $0x3DF9, v50;
	v48 =	vsel vm2, $0x3DF8, v48  }
0x36: {  	v49 =	vsel vm3, $0x1E79, v49;
	v51 =	vsel vm3, $0x3E79, v50;
	v48 =	vsel vm3, $0x3E78, v48  }
0x37: {  	v49 =	vsel vm1, $0x1EF9, v49;
	v61 =	vsel vm1, $0x3EF9, v51;
	v48 =	vsel vm1, $0x3EF8, v48  }
0x38: {  	v60 =	vsel vm0, $0x1F79, v49;
	v49 =	vsel vm14, $0x2C7A, v63;
	v48 =	vsel vm0, $0x3F78, v48  }
0x39: {  	v52 =	vsel vm2, $0x1DFB, v52;
	v49 =	vsel vm13, $0x2CFA, v49;
	[tilespmem:$0x1FF80] =	vst v48;
	v48 =	vsel vm0, $0x3F79, v61  }
0x3a: {  	v1 =	vsel vm3, $0x1200, v1;
	v49 =	vsel vm12, $0x2D7A, v49;
	[tilespmem:$0x1FFA0] =	vst v48;
	v48 =	vsel vm14, $0xC7A, v62  }
0x3b: {  	v3 =	vsel vm3, $0x3200, v2;
	v49 =	vsel vm11, $0x2DFA, v49;
	v48 =	vsel vm13, $0xCFA, v48  }
0x3c: {  	v2 =	vor.u32 $0x800, v0;
	v49 =	vsel vm10, $0x2E7A, v49;
	v48 =	vsel vm12, $0xD7A, v48  }
0x3d: {  	v46 =	vor.u32 $0x16000, v0;
	v49 =	vsel vm9, $0x2EFA, v49;
	v48 =	vsel vm11, $0xDFA, v48  }
0x3e: {  	v54 =	vsel vm3, $0x1E7B, v52;
	v49 =	vsel vm8, $0x2F7A, v49;
	v48 =	vsel vm10, $0xE7A, v48  }
0x3f: {  	v1 =	vsel vm1, $0x1280, v1;
	v49 =	vsel vm7, $0x2FFA, v49;
	v48 =	vsel vm9, $0xEFA, v48  }
0x40: {  	v3 =	vsel vm1, $0x3280, v3;
	v49 =	vsel vm6, $0x3C7A, v49;
	v48 =	vsel vm8, $0xF7A, v48  }
0x41: {  	v53 =	vsel vm1, $0x1EFB, v54;
	v49 =	vsel vm5, $0x3CFA, v49;
	v48 =	vsel vm7, $0xFFA, v48  }
0x42: {  	v54 =	vimm.s32 $0x3FFB;
	v49 =	vsel vm4, $0x3D7A, v49;
	v48 =	vsel vm6, $0x1C7A, v48  }
0x43: {  	v1 =	vsel vm0, $0x1300, v1;
	v49 =	vsel vm2, $0x3DFA, v49;
	v48 =	vsel vm5, $0x1CFA, v48  }
0x44: {  	v3 =	vsel vm0, $0x3300, v3;
	v49 =	vsel vm3, $0x3E7A, v49;
	v48 =	vsel vm4, $0x1D7A, v48  }
0x45: {  	v59 =	vimm.s32 $0x3FFD;
	v49 =	vsel vm1, $0x3EFA, v49;
	v48 =	vsel vm2, $0x1DFA, v48  }
0x46: {  	v52 =	vsel vm0, $0x3F7A, v49;
	v49 =	vsel vm14, $0xC7C, v55;
	v48 =	vsel vm3, $0x1E7A, v48  }
0x47: {  	v55 =	vimm.s32 $0x3FFC;
	v49 =	vsel vm13, $0xCFC, v49;
	v48 =	vsel vm1, $0x1EFA, v48  }
0x48: {  	v55 =	vsel vm14, $0x2C7C, v55;
	v49 =	vsel vm12, $0xD7C, v49;
	v48 =	vsel vm0, $0x1F7A, v48  }
0x49: {  	v55 =	vsel vm13, $0x2CFC, v55;
	v49 =	vsel vm11, $0xDFC, v49;
	[tilespmem:$0x1FFB0] =	vst v48;
	v48 =	vsel vm0, $0x1F7B, v53  }
0x4a: {  	v61 =	vimm.s32 $0x3FFE;
	v49 =	vsel vm10, $0xE7C, v49;
	[tilespmem:$0x1FFD0] =	vst v48;
	v48 =	vsel vm14, $0x2C7B, v54  }
0x4b: {  	v55 =	vsel vm12, $0x2D7C, v55;
	v49 =	vsel vm9, $0xEFC, v49;
	v48 =	vsel vm13, $0x2CFB, v48  }
0x4c: {  	v62 =	vimm.s32 $0x1FFF;
	v49 =	vsel vm8, $0xF7C, v49;
	v48 =	vsel vm12, $0x2D7B, v48  }
0x4d: {  	v55 =	vsel vm11, $0x2DFC, v55;
	v49 =	vsel vm7, $0xFFC, v49;
	v48 =	vsel vm11, $0x2DFB, v48  }
0x4e: {  	v55 =	vsel vm10, $0x2E7C, v55;
	v49 =	vsel vm6, $0x1C7C, v49;
	v48 =	vsel vm10, $0x2E7B, v48  }
0x4f: {  	v55 =	vsel vm9, $0x2EFC, v55;
	v49 =	vsel vm5, $0x1CFC, v49;
	v48 =	vsel vm9, $0x2EFB, v48  }
0x50: {  	v55 =	vsel vm8, $0x2F7C, v55;
	v49 =	vsel vm4, $0x1D7C, v49;
	v48 =	vsel vm8, $0x2F7B, v48  }
0x51: {  	v55 =	vsel vm7, $0x2FFC, v55;
	v49 =	vsel vm2, $0x1DFC, v49;
	v48 =	vsel vm7, $0x2FFB, v48  }
0x52: {  	v55 =	vsel vm6, $0x3C7C, v55;
	v49 =	vsel vm3, $0x1E7C, v49;
	v48 =	vsel vm6, $0x3C7B, v48  }
0x53: {  	v55 =	vsel vm5, $0x3CFC, v55;
	v49 =	vsel vm1, $0x1EFC, v49;
	v48 =	vsel vm5, $0x3CFB, v48  }
0x54: {  	v56 =	vsel vm0, $0x1F7C, v49;
	v49 =	vsel vm14, $0x2C7D, v59;
	v48 =	vsel vm4, $0x3D7B, v48  }
0x55: {  	v55 =	vsel vm4, $0x3D7C, v55;
	v49 =	vsel vm13, $0x2CFD, v49;
	v48 =	vsel vm2, $0x3DFB, v48  }
0x56: {  	v55 =	vsel vm2, $0x3DFC, v55;
	v49 =	vsel vm12, $0x2D7D, v49;
	v48 =	vsel vm3, $0x3E7B, v48  }
0x57: {  	v57 =	vsel vm3, $0x3E7C, v55;
	v49 =	vsel vm11, $0x2DFD, v49;
	v48 =	vsel vm1, $0x3EFB, v48  }
0x58: {  	v57 =	vsel vm1, $0x3EFC, v57;
	v49 =	vsel vm10, $0x2E7D, v49;
	v48 =	vsel vm0, $0x3F7B, v48  }
0x59: {  	v49 =	vsel vm9, $0x2EFD, v49;
	[tilespmem:$0x1FFE0] =	vst v48;
	v48 =	vsel vm14, $0xC7D, v58;
	v58 =	vimm.s32 $0x1FFE  }
0x5a: {  	v49 =	vsel vm8, $0x2F7D, v49;
	v48 =	vsel vm13, $0xCFD, v48;
	v58 =	vsel vm14, $0xC7E, v58  }
0x5b: {  	v49 =	vsel vm7, $0x2FFD, v49;
	v48 =	vsel vm12, $0xD7D, v48;
	v58 =	vsel vm13, $0xCFE, v58  }
0x5c: {  	v49 =	vsel vm6, $0x3C7D, v49;
	v48 =	vsel vm11, $0xDFD, v48;
	v58 =	vsel vm12, $0xD7E, v58  }
0x5d: {  	v49 =	vsel vm5, $0x3CFD, v49;
	v48 =	vsel vm10, $0xE7D, v48;
	v58 =	vsel vm11, $0xDFE, v58  }
0x5e: {  	v49 =	vsel vm4, $0x3D7D, v49;
	v48 =	vsel vm9, $0xEFD, v48;
	v58 =	vsel vm10, $0xE7E, v58  }
0x5f: {  	v49 =	vsel vm2, $0x3DFD, v49;
	v48 =	vsel vm8, $0xF7D, v48;
	v58 =	vsel vm9, $0xEFE, v58  }
0x60: {  	v49 =	vsel vm3, $0x3E7D, v49;
	v48 =	vsel vm7, $0xFFD, v48;
	v58 =	vsel vm8, $0xF7E, v58  }
0x61: {  	s2 =	rddreg [dreg:$0x0];
	v49 =	vsel vm1, $0x3EFD, v49;
	v48 =	vsel vm6, $0x1C7D, v48;
	v58 =	vsel vm7, $0xFFE, v58  }
0x62: {  	s0 =	rddreg [dreg:$0x1];
	v59 =	vsel vm0, $0x3F7D, v49;
	v48 =	vsel vm5, $0x1CFD, v48;
	v58 =	vsel vm6, $0x1C7E, v58  }
0x63: {  	s3 =	rddreg [dreg:$0x2];
	v49 =	vsel vm14, $0xC7F, v62;
	v48 =	vsel vm4, $0x1D7D, v48;
	v58 =	vsel vm5, $0x1CFE, v58  }
0x64: {  	s4 =	rddreg [dreg:$0x3];
	v49 =	vsel vm13, $0xCFF, v49;
	v48 =	vsel vm2, $0x1DFD, v48;
	v58 =	vsel vm4, $0x1D7E, v58  }
0x65: {  	s6 =	simm.s32 $0x0;
	s1 =	srdreg.scid;
	s9 =	simm.s32 $0x400;
	v49 =	vsel vm12, $0xD7F, v49;
	v48 =	vsel vm3, $0x1E7D, v48;
	v58 =	vsel vm2, $0x1DFE, v58  }
0x66: {  	s5 =	stileid.u32;
	s10 =	simm.s32 $0x4;
	s11 =	simm.s32 $0x7A1400;
	[tilespmem:$0x1FF90] =	vst v60;
	v49 =	vsel vm11, $0xDFF, v49;
	v48 =	vsel vm1, $0x1EFD, v48;
	v60 =	vsel vm3, $0x1E7E, v58  }
0x67: {  	s12 =	simm.s32 $0x280;
	s13 =	simm.s32 $0x1280;
	s14 =	simm.s32 $0x2280;
	v58 =	vsel vm0, $0x1F7D, v48;
	v48 =	vsel vm14, $0x2C7E, v61;
	v61 =	vimm.s32 $0x3FFF  }
0x68: {  	s19 =	simm.s32 $0x10280;
	s15 =	simm.s32 $0x3280;
	s20 =	simm.s32 $0x11280;
	v57 =	vsel vm0, $0x3F7C, v57;
	v49 =	vsel vm10, $0xE7F, v49;
	v61 =	vsel vm14, $0x2C7F, v61  }
0x69: {  	s16 =	simm.s32 $0x4280;
	s21 =	simm.s32 $0x12280;
	s22 =	simm.s32 $0x13280;
	v49 =	vsel vm9, $0xEFF, v49;
	v48 =	vsel vm13, $0x2CFE, v48;
	v61 =	vsel vm13, $0x2CFF, v61  }
0x6a: {  	s23 =	simm.s32 $0x14280;
	s24 =	simm.s32 $0x15280;
	s25 =	simm.s32 $0x16280;
	v49 =	vsel vm8, $0xF7F, v49;
	v48 =	vsel vm12, $0x2D7E, v48;
	v61 =	vsel vm12, $0x2D7F, v61  }
0x6b: {  	s26 =	simm.s32 $0x17280;
	s28 =	simm.s32 $0xF280;
	s29 =	simm.s32 $0x1;
	v49 =	vsel vm7, $0xFFF, v49;
	v48 =	vsel vm11, $0x2DFE, v48;
	v61 =	vsel vm11, $0x2DFF, v61  }
0x6c: {  	s30 =	simm.s32 $0x18280;
	s31 =	simm.s32 $0x2;
	s1 =	sand.u32 $0x1, s1;
	v49 =	vsel vm6, $0x1C7F, v49;
	v48 =	vsel vm10, $0x2E7E, v48;
	v61 =	vsel vm10, $0x2E7F, v61  }
0x6d: {  	[smem:$0x7FF] =	sst s6;
	s5 =	sshll.u32 s5, $0x1;
	s17 =	ssub.s32 $0x2, s1;
	[tilespmem:$0x1FFC0] =	vst v52;
	v49 =	vsel vm5, $0x1CFF, v49;
	v48 =	vsel vm9, $0x2EFE, v48;
	v61 =	vsel vm9, $0x2EFF, v61  }
0x6e: {  	s1 =	sor.u32 s1, s5;
	s5 =	sadd.s32 $0x800, s3;
	s18 =	sshrl.u32 s17, $0x1;
	[tilespmem:$0x1FFF0] =	vst v56;
	v49 =	vsel vm4, $0x1D7F, v49;
	v48 =	vsel vm8, $0x2F7E, v48;
	v61 =	vsel vm8, $0x2F7F, v61  }
0x6f: {  	s7 =	sshll.u32 s1, $0x6;
	_ =	strace $0x80000047;
	[dreg:$0x6] =	wrdreg s19;
	v49 =	vsel vm2, $0x1DFF, v49;
	v48 =	vsel vm7, $0x2FFE, v48;
	v61 =	vsel vm7, $0x2FFF, v61  }
0x70: {  	s8 =	sshll.u32 s1, $0x9;
	p0 =	sne.s32 s1, $0x0;
	[dreg:$0x7] =	wrdreg s20;
	v49 =	vsel vm3, $0x1E7F, v49;
	v48 =	vsel vm6, $0x3C7E, v48;
	v61 =	vsel vm6, $0x3C7F, v61  }
0x71: {  	s1 =	simm.s32 $0x3;
	s3 =	ssub.s32 s17, s18;
	[dreg:$0x8] =	wrdreg s21;
	v49 =	vsel vm1, $0x1EFF, v49;
	v48 =	vsel vm5, $0x3CFE, v48;
	v61 =	vsel vm5, $0x3CFF, v61  }
0x72: {  	s6 =	sadd.s32 s2, s7;
	s7 =	sadd.s32 s4, s8;
	[dreg:$0x9] =	wrdreg s22;
	v62 =	vsel vm0, $0x1F7F, v49;
	v48 =	vsel vm4, $0x3D7E, v48;
	v61 =	vsel vm4, $0x3D7F, v61  }
0x73: {  	s17 =	simm.s32 $0x5280;
	s18 =	simm.s32 $0x6280;
	[dreg:$0xa] =	wrdreg s23;
	v49 =	vor.u32 $0x17800, v0;
	v48 =	vsel vm2, $0x3DFE, v48;
	v61 =	vsel vm2, $0x3DFF, v61  }
0x74: {  	s2 =	simm.s32 $0x20000;
	s4 =	simm.s32 $0x0;
	[dreg:$0xb] =	wrdreg s24;
	v60 =	vsel vm1, $0x1EFE, v60;
	v48 =	vsel vm3, $0x3E7E, v48;
	v63 =	vsel vm3, $0x3E7F, v61  }
0x75: {  	s8 =	smax.u32 s3, $0x1;
	s3 =	simm.s32 $0x1000;
	[dreg:$0xc] =	wrdreg s25;
	v60 =	vsel vm0, $0x1F7E, v60;
	v48 =	vsel vm1, $0x3EFE, v48;
	v63 =	vsel vm1, $0x3EFF, v63  }
0x76: {  	s19 =	simm.s32 $0x7280;
	[dreg:$0xd] =	wrdreg s26;
	s26 =	simm.s32 $0xE280;
	v61 =	vsel vm0, $0x3F7E, v48;
	v48 =	vor.u32 $0x17000, v0;
	v63 =	vsel vm0, $0x3F7F, v63  }
.LBB2_1:
0x77: {  	s20 =	simm.s32 $0x0  }
0x78: {  	[tilespmem:s20], [sflag:$0x4] =	stream.linear.gather [hbm4b:s6+s20], $0x200, $0x38;
	[tilespmem:$0x1C300] =	vst v63  }
0x79: {  	_ =	swait.ge [sflag:s10], $0x200  }
0x7a: {  	[sflag:s10] =	ssyncset.done $0x0  }
0x7b: {  	[sflag:s10] =	ssyncadd.s32 $0xFFFFFE00  }
0x7c: {  	v50 =	vld [tilespmem:$0x0];
	_ =	sdelay $0x4  }
0x7d: {  	v50 =	vand.u32 $0xFFFFFF80, v50  }
0x7e: {  	v50 =	vadd.s32 s0, v50  }
0x7f: {  	(v2sf) =	vpush v50, $0x0;
	_ =	sdelay $0x1  }
0x80: {  	(v2sf) =	vpush v50, $0x1;
	_ =	sdelay $0x1  }
0x81: {  	(v2sf) =	vpush v50, $0x2;
	_ =	sdelay $0x1  }
0x82: {  	(v2sf) =	vpush v50, $0x3;
	_ =	sdelay $0x1  }
0x83: {  	(v2sf) =	vpush v50, $0x4;
	_ =	sdelay $0x1  }
0x84: {  	(v2sf) =	vpush v50, $0x5;
	_ =	sdelay $0x1  }
0x85: {  	(v2sf) =	vpush v50, $0x6;
	_ =	sdelay $0x1  }
0x86: {  	(v2sf) =	vpush v50, $0x7  }
0x87: {  	s22 =	spop (v2sf)  }
0x88: {  	[tilespmem:s12], [sflag:$0x1] =	stream.strided.gather [hbm4b:s22+s9], $0x1000, s11, s9, $0x38;
	[tilespmem:$0x1C300] =	vst v63  }
0x89: {  	s23 =	spop (v2sf)  }
0x8a: {  	[tilespmem:s13], [sflag:$0x1] =	stream.strided.gather [hbm4b:s23+s9], $0x1000, s11, s9, $0x38;
	[tilespmem:$0x1C300] =	vst v63  }
0x8b: {  	s24 =	spop (v2sf)  }
0x8c: {  	[tilespmem:s14], [sflag:$0x1] =	stream.strided.gather [hbm4b:s24+s9], $0x1000, s11, s9, $0x38;
	[tilespmem:$0x1C300] =	vst v63  }
0x8d: {  	s25 =	spop (v2sf)  }
0x8e: {  	[tilespmem:s15], [sflag:$0x1] =	stream.strided.gather [hbm4b:s25+s9], $0x1000, s11, s9, $0x38;
	[tilespmem:$0x1C300] =	vst v63  }
0x8f: {  	s21 =	spop (v2sf)  }
0x90: {  	[tilespmem:s16], [sflag:$0x1] =	stream.strided.gather [hbm4b:s21+s9], $0x1000, s11, s9, $0x38;
	[tilespmem:$0x1C300] =	vst v63  }
0x91: {  	s22 =	spop (v2sf)  }
0x92: {  	[tilespmem:s17], [sflag:$0x1] =	stream.strided.gather [hbm4b:s22+s9], $0x1000, s11, s9, $0x38;
	[tilespmem:$0x1C300] =	vst v63  }
0x93: {  	s23 =	spop (v2sf)  }
0x94: {  	[tilespmem:s18], [sflag:$0x1] =	stream.strided.gather [hbm4b:s23+s9], $0x1000, s11, s9, $0x38;
	[tilespmem:$0x1C300] =	vst v63  }
0x95: {  	s24 =	spop (v2sf)  }
0x96: {  	[tilespmem:s19], [sflag:$0x1] =	stream.strided.gather [hbm4b:s24+s9], $0x1000, s11, s9, $0x38;
	[tilespmem:$0x1C300] =	vst v63  }
0x97: {  	v56 =	vld [tilespmem:$0x8];
	_ =	sdelay $0x4  }
0x98: {  	v50 =	vand.u32 $0xFFFFFF80, v56  }
0x99: {  	v50 =	vadd.s32 s0, v50  }
0x9a: {  	(v2sf) =	vpush v50, $0x0;
	_ =	sdelay $0x1  }
0x9b: {  	(v2sf) =	vpush v50, $0x1;
	_ =	sdelay $0x1  }
0x9c: {  	(v2sf) =	vpush v50, $0x2;
	_ =	sdelay $0x1  }
0x9d: {  	(v2sf) =	vpush v50, $0x3;
	_ =	sdelay $0x1  }
0x9e: {  	(v2sf) =	vpush v50, $0x4;
	_ =	sdelay $0x1  }
0x9f: {  	(v2sf) =	vpush v50, $0x5;
	_ =	sdelay $0x1  }
0xa0: {  	(v2sf) =	vpush v50, $0x6;
	_ =	sdelay $0x1  }
0xa1: {  	(v2sf) =	vpush v50, $0x7  }
0xa2: {  	s21 =	simm.s32 $0x8280;
	s25 =	spop (v2sf)  }
0xa3: {  	[tilespmem:s21], [sflag:$0x2] =	stream.strided.gather [hbm4b:s25+s9], $0x1000, s11, s9, $0x38;
	[tilespmem:$0x1C300] =	vst v63  }
0xa4: {  	s23 =	simm.s32 $0x9280;
	s22 =	spop (v2sf)  }
0xa5: {  	[tilespmem:s23], [sflag:$0x2] =	stream.strided.gather [hbm4b:s22+s9], $0x1000, s11, s9, $0x38;
	[tilespmem:$0x1C300] =	vst v63  }
0xa6: {  	s25 =	simm.s32 $0xA280;
	s24 =	spop (v2sf)  }
0xa7: {  	[tilespmem:s25], [sflag:$0x2] =	stream.strided.gather [hbm4b:s24+s9], $0x1000, s11, s9, $0x38;
	[tilespmem:$0x1C300] =	vst v63  }
0xa8: {  	s22 =	spop (v2sf);
	s23 =	simm.s32 $0xB280  }
0xa9: {  	[tilespmem:s23], [sflag:$0x2] =	stream.strided.gather [hbm4b:s22+s9], $0x1000, s11, s9, $0x38;
	[tilespmem:$0x1C300] =	vst v63  }
0xaa: {  	s24 =	spop (v2sf);
	s25 =	simm.s32 $0xC280  }
0xab: {  	[tilespmem:s25], [sflag:$0x2] =	stream.strided.gather [hbm4b:s24+s9], $0x1000, s11, s9, $0x38;
	[tilespmem:$0x1C300] =	vst v63  }
0xac: {  	s22 =	spop (v2sf);
	s23 =	simm.s32 $0xD280  }
0xad: {  	[tilespmem:s23], [sflag:$0x2] =	stream.strided.gather [hbm4b:s22+s9], $0x1000, s11, s9, $0x38;
	[tilespmem:$0x1C300] =	vst v63  }
0xae: {  	s24 =	spop (v2sf)  }
0xaf: {  	[tilespmem:s26], [sflag:$0x2] =	stream.strided.gather [hbm4b:s24+s9], $0x1000, s11, s9, $0x38;
	[tilespmem:$0x1C300] =	vst v63  }
0xb0: {  	s20 =	simm.s32 $0x10;
	s21 =	simm.s32 $0x0;
	s25 =	spop (v2sf)  }
0xb1: {  	[tilespmem:s28], [sflag:$0x2] =	stream.strided.gather [hbm4b:s25+s9], $0x1000, s11, s9, $0x38;
	[tilespmem:$0x1C300] =	vst v63  }
.LBB2_2:
0xb2: {  	v50 =	vld [tilespmem:s20+$0x0];
	_ =	sdelay $0x4  }
0xb3: {  	v50 =	vand.u32 $0xFFFFFF80, v50  }
0xb4: {  	v50 =	vadd.s32 s0, v50  }
0xb5: {  	(v2sf) =	vpush v50, $0x0;
	_ =	sdelay $0x1  }
0xb6: {  	(v2sf) =	vpush v50, $0x1;
	_ =	sdelay $0x1  }
0xb7: {  	(v2sf) =	vpush v50, $0x2;
	_ =	sdelay $0x1  }
0xb8: {  	(v2sf) =	vpush v50, $0x3;
	_ =	sdelay $0x1  }
0xb9: {  	(v2sf) =	vpush v50, $0x4;
	_ =	sdelay $0x1  }
0xba: {  	(v2sf) =	vpush v50, $0x5;
	_ =	sdelay $0x1  }
0xbb: {  	(v2sf) =	vpush v50, $0x6;
	_ =	sdelay $0x1  }
0xbc: {  	(v2sf) =	vpush v50, $0x7  }
0xbd: {  	s22 =	rddreg [dreg:$0x6];
	s23 =	spop (v2sf)  }
0xbe: {  	[tilespmem:s22], [sflag:$0x3] =	stream.strided.gather [hbm4b:s23+s9], $0x1000, s11, s9, $0x38;
	[tilespmem:$0x1C300] =	vst v63  }
0xbf: {  	s24 =	rddreg [dreg:$0x7];
	s25 =	spop (v2sf)  }
0xc0: {  	[tilespmem:s24], [sflag:$0x3] =	stream.strided.gather [hbm4b:s25+s9], $0x1000, s11, s9, $0x38;
	[tilespmem:$0x1C300] =	vst v63  }
0xc1: {  	s23 =	rddreg [dreg:$0x8];
	s25 =	spop (v2sf)  }
0xc2: {  	[tilespmem:s23], [sflag:$0x3] =	stream.strided.gather [hbm4b:s25+s9], $0x1000, s11, s9, $0x38;
	[tilespmem:$0x1C300] =	vst v63  }
0xc3: {  	s24 =	rddreg [dreg:$0x9];
	s25 =	spop (v2sf)  }
0xc4: {  	[tilespmem:s24], [sflag:$0x3] =	stream.strided.gather [hbm4b:s25+s9], $0x1000, s11, s9, $0x38;
	[tilespmem:$0x1C300] =	vst v63  }
0xc5: {  	s23 =	rddreg [dreg:$0xa];
	s25 =	spop (v2sf)  }
0xc6: {  	[tilespmem:s23], [sflag:$0x3] =	stream.strided.gather [hbm4b:s25+s9], $0x1000, s11, s9, $0x38;
	[tilespmem:$0x1C300] =	vst v63  }
0xc7: {  	s24 =	rddreg [dreg:$0xb];
	s25 =	spop (v2sf)  }
0xc8: {  	[tilespmem:s24], [sflag:$0x3] =	stream.strided.gather [hbm4b:s25+s9], $0x1000, s11, s9, $0x38;
	[tilespmem:$0x1C300] =	vst v63  }
0xc9: {  	s23 =	rddreg [dreg:$0xc];
	s24 =	spop (v2sf)  }
0xca: {  	[tilespmem:s23], [sflag:$0x3] =	stream.strided.gather [hbm4b:s24+s9], $0x1000, s11, s9, $0x38;
	[tilespmem:$0x1C300] =	vst v63  }
0xcb: {  	s25 =	rddreg [dreg:$0xd];
	s23 =	spop (v2sf)  }
0xcc: {  	[tilespmem:s25], [sflag:$0x3] =	stream.strided.gather [hbm4b:s23+s9], $0x1000, s11, s9, $0x38;
	[tilespmem:$0x1C300] =	vst v63  }
0xcd: {  	_ =	swait.ge [sflag:s29], $0x1000  }
0xce: {  	[sflag:s29] =	ssyncset.done $0x0  }
0xcf: {  	[sflag:s29] =	ssyncadd.s32 $0xFFFFF000  }
0xd0: {  	_ =	swait.ge [sflag:s29], $0x1000  }
0xd1: {  	[sflag:s29] =	ssyncset.done $0x0  }
0xd2: {  	[sflag:s29] =	ssyncadd.s32 $0xFFFFF000  }
0xd3: {  	_ =	swait.ge [sflag:s29], $0x1000  }
0xd4: {  	[sflag:s29] =	ssyncset.done $0x0  }
0xd5: {  	[sflag:s29] =	ssyncadd.s32 $0xFFFFF000  }
0xd6: {  	_ =	swait.ge [sflag:s29], $0x1000  }
0xd7: {  	[sflag:s29] =	ssyncset.done $0x0  }
0xd8: {  	[sflag:s29] =	ssyncadd.s32 $0xFFFFF000  }
0xd9: {  	_ =	swait.ge [sflag:s29], $0x1000  }
0xda: {  	[sflag:s29] =	ssyncset.done $0x0  }
0xdb: {  	[sflag:s29] =	ssyncadd.s32 $0xFFFFF000  }
0xdc: {  	_ =	swait.ge [sflag:s29], $0x1000  }
0xdd: {  	[sflag:s29] =	ssyncset.done $0x0  }
0xde: {  	[sflag:s29] =	ssyncadd.s32 $0xFFFFF000  }
0xdf: {  	_ =	swait.ge [sflag:s29], $0x1000  }
0xe0: {  	[sflag:s29] =	ssyncset.done $0x0  }
0xe1: {  	[sflag:s29] =	ssyncadd.s32 $0xFFFFF000  }
0xe2: {  	_ =	swait.ge [sflag:s29], $0x1000  }
0xe3: {  	[sflag:s29] =	ssyncset.done $0x0  }
0xe4: {  	[sflag:s29] =	ssyncadd.s32 $0xFFFFF000  }
0xe5: {  	v55 =	vld [tilespmem:s20+$0xFFFFFFF0];
	_ =	sdelay $0x4  }
0xe6: {  	v50 =	vand.u32 $0x7F, v55  }
0xe7: {  	v51 =	vbroadcast v50, $0x0;
	_ =	sdelay $0x1  }
0xe8: {  	v52 =	vor.u32 v0, v51  }
0xe9: {  	v53 =	vmov s21  }
0xea: {  	v54 =	vshll.u32 v53, $0x3  }
0xeb: {  	v53 =	vand.u32 $0x78, v53;
	v54 =	vand.u32 $0x1C00, v54  }
0xec: {  	v53 =	vor.u32 v53, v54  }
0xed: {  	v54 =	vadd.s32 v1, v53;
	v52 =	vld.idx.msk [tilespmem:v52+s12+$0x0], $0xffff  }
0xee: {  	v51 =	vor.u32 v2, v51;
	_ =	sdelay $0x3  }
0xef: {  	[tilespmem:v54+s30+$0x0] =	vst.idx.msk $0xffff, v52;
	v52 =	vbroadcast v50, $0x1  }
0xf0: {  	v53 =	vadd.s32 v3, v53;
	v51 =	vld.idx.msk [tilespmem:v51+s12+$0x0], $0xffff  }
0xf1: {  	s25 =	sadd.s32 $0x1, s21;
	v54 =	vor.u32 v4, v52  }
0xf2: {  	v55 =	vmov s25  }
0xf3: {  	v56 =	vshll.u32 v55, $0x3  }
0xf4: {  	v55 =	vand.u32 $0x79, v55;
	v56 =	vand.u32 $0x1C00, v56  }
0xf5: {  	[tilespmem:v53+s30+$0x0] =	vst.idx.msk $0xffff, v51;
	v51 =	vor.u32 v55, v56  }
0xf6: {  	v53 =	vld.idx.msk [tilespmem:v54+s12+$0x0], $0xffff;
	v54 =	vadd.s32 v1, v51  }
0xf7: {  	v52 =	vor.u32 v5, v52;
	_ =	sdelay $0x3  }
0xf8: {  	[tilespmem:v54+s30+$0x0] =	vst.idx.msk $0xffff, v53;
	v53 =	vbroadcast v50, $0x2  }
0xf9: {  	v51 =	vadd.s32 v3, v51;
	v52 =	vld.idx.msk [tilespmem:v52+s12+$0x0], $0xffff  }
0xfa: {  	s23 =	sadd.s32 $0x2, s21;
	v54 =	vor.u32 v6, v53  }
0xfb: {  	v55 =	vmov s23  }
0xfc: {  	v56 =	vshll.u32 v55, $0x3  }
0xfd: {  	v55 =	vand.u32 $0x7A, v55;
	v56 =	vand.u32 $0x1C00, v56  }
0xfe: {  	[tilespmem:v51+s30+$0x0] =	vst.idx.msk $0xffff, v52;
	v51 =	vor.u32 v55, v56  }
0xff: {  	v52 =	vld.idx.msk [tilespmem:v54+s12+$0x0], $0xffff;
	v54 =	vadd.s32 v1, v51  }
0x100: {  	v53 =	vor.u32 v7, v53;
	_ =	sdelay $0x3  }
0x101: {  	[tilespmem:v54+s30+$0x0] =	vst.idx.msk $0xffff, v52;
	v52 =	vbroadcast v50, $0x3  }
0x102: {  	v51 =	vadd.s32 v3, v51;
	v53 =	vld.idx.msk [tilespmem:v53+s12+$0x0], $0xffff  }
0x103: {  	s24 =	sadd.s32 $0x3, s21;
	v54 =	vor.u32 v8, v52  }
0x104: {  	v55 =	vmov s24  }
0x105: {  	v56 =	vshll.u32 v55, $0x3  }
0x106: {  	v55 =	vand.u32 $0x7B, v55;
	v56 =	vand.u32 $0x1C00, v56  }
0x107: {  	[tilespmem:v51+s30+$0x0] =	vst.idx.msk $0xffff, v53;
	v51 =	vor.u32 v55, v56  }
0x108: {  	v53 =	vld.idx.msk [tilespmem:v54+s12+$0x0], $0xffff;
	v54 =	vadd.s32 v1, v51  }
0x109: {  	v52 =	vor.u32 v9, v52;
	_ =	sdelay $0x3  }
0x10a: {  	[tilespmem:v54+s30+$0x0] =	vst.idx.msk $0xffff, v53;
	v53 =	vbroadcast v50, $0x4  }
0x10b: {  	v51 =	vadd.s32 v3, v51;
	v52 =	vld.idx.msk [tilespmem:v52+s12+$0x0], $0xffff  }
0x10c: {  	s25 =	sadd.s32 $0x4, s21;
	v54 =	vor.u32 v10, v53  }
0x10d: {  	v55 =	vmov s25  }
0x10e: {  	v56 =	vshll.u32 v55, $0x3  }
0x10f: {  	v55 =	vand.u32 $0x7C, v55;
	v56 =	vand.u32 $0x1C00, v56  }
0x110: {  	[tilespmem:v51+s30+$0x0] =	vst.idx.msk $0xffff, v52;
	v51 =	vor.u32 v55, v56  }
0x111: {  	v52 =	vld.idx.msk [tilespmem:v54+s12+$0x0], $0xffff;
	v54 =	vadd.s32 v1, v51  }
0x112: {  	v53 =	vor.u32 v11, v53;
	_ =	sdelay $0x3  }
0x113: {  	[tilespmem:v54+s30+$0x0] =	vst.idx.msk $0xffff, v52;
	v52 =	vbroadcast v50, $0x5  }
0x114: {  	v51 =	vadd.s32 v3, v51;
	v53 =	vld.idx.msk [tilespmem:v53+s12+$0x0], $0xffff  }
0x115: {  	s23 =	sadd.s32 $0x5, s21;
	v54 =	vor.u32 v12, v52  }
0x116: {  	v55 =	vmov s23  }
0x117: {  	v56 =	vshll.u32 v55, $0x3  }
0x118: {  	v55 =	vand.u32 $0x7D, v55;
	v56 =	vand.u32 $0x1C00, v56  }
0x119: {  	[tilespmem:v51+s30+$0x0] =	vst.idx.msk $0xffff, v53;
	v51 =	vor.u32 v55, v56  }
0x11a: {  	v53 =	vld.idx.msk [tilespmem:v54+s12+$0x0], $0xffff;
	v54 =	vadd.s32 v1, v51  }
0x11b: {  	v52 =	vor.u32 v13, v52;
	_ =	sdelay $0x3  }
0x11c: {  	[tilespmem:v54+s30+$0x0] =	vst.idx.msk $0xffff, v53;
	v53 =	vbroadcast v50, $0x6  }
0x11d: {  	v51 =	vadd.s32 v3, v51;
	v52 =	vld.idx.msk [tilespmem:v52+s12+$0x0], $0xffff  }
0x11e: {  	s24 =	sadd.s32 $0x6, s21;
	v54 =	vor.u32 v14, v53  }
0x11f: {  	v55 =	vmov s24  }
0x120: {  	v56 =	vshll.u32 v55, $0x3  }
0x121: {  	v55 =	vand.u32 $0x7E, v55;
	v56 =	vand.u32 $0x1C00, v56  }
0x122: {  	[tilespmem:v51+s30+$0x0] =	vst.idx.msk $0xffff, v52;
	v51 =	vor.u32 v55, v56  }
0x123: {  	v52 =	vld.idx.msk [tilespmem:v54+s12+$0x0], $0xffff;
	v54 =	vadd.s32 v1, v51  }
0x124: {  	v53 =	vor.u32 v15, v53;
	_ =	sdelay $0x3  }
0x125: {  	v50 =	vbroadcast v50, $0x7;
	[tilespmem:v54+s30+$0x0] =	vst.idx.msk $0xffff, v52  }
0x126: {  	v51 =	vadd.s32 v3, v51;
	v52 =	vld.idx.msk [tilespmem:v53+s12+$0x0], $0xffff  }
0x127: {  	s25 =	sadd.s32 $0x7, s21;
	v53 =	vor.u32 v16, v50  }
0x128: {  	v54 =	vmov s25  }
0x129: {  	v55 =	vshll.u32 v54, $0x3  }
0x12a: {  	v54 =	vand.u32 $0x7F, v54;
	v55 =	vand.u32 $0x1C00, v55  }
0x12b: {  	[tilespmem:v51+s30+$0x0] =	vst.idx.msk $0xffff, v52;
	v51 =	vor.u32 v54, v55  }
0x12c: {  	v52 =	vld.idx.msk [tilespmem:v53+s12+$0x0], $0xffff;
	v56 =	vadd.s32 v1, v51  }
0x12d: {  	v50 =	vor.u32 v17, v50;
	_ =	sdelay $0x3  }
0x12e: {  	[tilespmem:v56+s30+$0x0] =	vst.idx.msk $0xffff, v52  }
0x12f: {  	v51 =	vadd.s32 v3, v51;
	v50 =	vld.idx.msk [tilespmem:v50+s12+$0x0], $0xffff;
	_ =	sdelay $0x4  }
0x130: {  	[tilespmem:v51+s30+$0x0] =	vst.idx.msk $0xffff, v50  }
0x131: {  	v50 =	vld [tilespmem:s20+$0x8];
	_ =	sdelay $0x4  }
0x132: {  	v50 =	vand.u32 $0xFFFFFF80, v50  }
0x133: {  	v50 =	vadd.s32 s0, v50  }
0x134: {  	(v2sf) =	vpush v50, $0x0;
	_ =	sdelay $0x1  }
0x135: {  	(v2sf) =	vpush v50, $0x1;
	_ =	sdelay $0x1  }
0x136: {  	(v2sf) =	vpush v50, $0x2;
	_ =	sdelay $0x1  }
0x137: {  	(v2sf) =	vpush v50, $0x3;
	_ =	sdelay $0x1  }
0x138: {  	(v2sf) =	vpush v50, $0x4;
	_ =	sdelay $0x1  }
0x139: {  	(v2sf) =	vpush v50, $0x5;
	_ =	sdelay $0x1  }
0x13a: {  	(v2sf) =	vpush v50, $0x6;
	_ =	sdelay $0x1  }
0x13b: {  	(v2sf) =	vpush v50, $0x7  }
0x13c: {  	s23 =	spop (v2sf)  }
0x13d: {  	[tilespmem:s12], [sflag:$0x1] =	stream.strided.gather [hbm4b:s23+s9], $0x1000, s11, s9, $0x38;
	[tilespmem:$0x1C300] =	vst v63  }
0x13e: {  	s24 =	spop (v2sf)  }
0x13f: {  	[tilespmem:s13], [sflag:$0x1] =	stream.strided.gather [hbm4b:s24+s9], $0x1000, s11, s9, $0x38;
	[tilespmem:$0x1C300] =	vst v63  }
0x140: {  	s25 =	spop (v2sf)  }
0x141: {  	[tilespmem:s14], [sflag:$0x1] =	stream.strided.gather [hbm4b:s25+s9], $0x1000, s11, s9, $0x38;
	[tilespmem:$0x1C300] =	vst v63  }
0x142: {  	s23 =	spop (v2sf)  }
0x143: {  	[tilespmem:s15], [sflag:$0x1] =	stream.strided.gather [hbm4b:s23+s9], $0x1000, s11, s9, $0x38;
	[tilespmem:$0x1C300] =	vst v63  }
0x144: {  	s24 =	spop (v2sf)  }
0x145: {  	[tilespmem:s16], [sflag:$0x1] =	stream.strided.gather [hbm4b:s24+s9], $0x1000, s11, s9, $0x38;
	[tilespmem:$0x1C300] =	vst v63  }
0x146: {  	s25 =	spop (v2sf)  }
0x147: {  	[tilespmem:s17], [sflag:$0x1] =	stream.strided.gather [hbm4b:s25+s9], $0x1000, s11, s9, $0x38;
	[tilespmem:$0x1C300] =	vst v63  }
0x148: {  	s23 =	spop (v2sf)  }
0x149: {  	[tilespmem:s18], [sflag:$0x1] =	stream.strided.gather [hbm4b:s23+s9], $0x1000, s11, s9, $0x38;
	[tilespmem:$0x1C300] =	vst v63  }
0x14a: {  	s24 =	spop (v2sf)  }
0x14b: {  	[tilespmem:s19], [sflag:$0x1] =	stream.strided.gather [hbm4b:s24+s9], $0x1000, s11, s9, $0x38;
	[tilespmem:$0x1C300] =	vst v63  }
0x14c: {  	_ =	swait.ge [sflag:s31], $0x1000  }
0x14d: {  	[sflag:s31] =	ssyncset.done $0x0  }
0x14e: {  	[sflag:s31] =	ssyncadd.s32 $0xFFFFF000  }
0x14f: {  	_ =	swait.ge [sflag:s31], $0x1000  }
0x150: {  	[sflag:s31] =	ssyncset.done $0x0  }
0x151: {  	[sflag:s31] =	ssyncadd.s32 $0xFFFFF000  }
0x152: {  	_ =	swait.ge [sflag:s31], $0x1000  }
0x153: {  	[sflag:s31] =	ssyncset.done $0x0  }
0x154: {  	[sflag:s31] =	ssyncadd.s32 $0xFFFFF000  }
0x155: {  	_ =	swait.ge [sflag:s31], $0x1000  }
0x156: {  	[sflag:s31] =	ssyncset.done $0x0  }
0x157: {  	[sflag:s31] =	ssyncadd.s32 $0xFFFFF000  }
0x158: {  	_ =	swait.ge [sflag:s31], $0x1000  }
0x159: {  	[sflag:s31] =	ssyncset.done $0x0  }
0x15a: {  	[sflag:s31] =	ssyncadd.s32 $0xFFFFF000  }
0x15b: {  	_ =	swait.ge [sflag:s31], $0x1000  }
0x15c: {  	[sflag:s31] =	ssyncset.done $0x0  }
0x15d: {  	[sflag:s31] =	ssyncadd.s32 $0xFFFFF000  }
0x15e: {  	_ =	swait.ge [sflag:s31], $0x1000  }
0x15f: {  	[sflag:s31] =	ssyncset.done $0x0  }
0x160: {  	[sflag:s31] =	ssyncadd.s32 $0xFFFFF000  }
0x161: {  	_ =	swait.ge [sflag:s31], $0x1000  }
0x162: {  	[sflag:s31] =	ssyncset.done $0x0  }
0x163: {  	[sflag:s31] =	ssyncadd.s32 $0xFFFFF000  }
0x164: {  	v55 =	vld [tilespmem:s20+$0xFFFFFFF8];
	_ =	sdelay $0x4  }
0x165: {  	v50 =	vand.u32 $0x7F, v55  }
0x166: {  	v51 =	vbroadcast v50, $0x0;
	_ =	sdelay $0x1  }
0x167: {  	s25 =	sadd.s32 $0x8, s21;
	v52 =	vor.u32 v18, v51  }
0x168: {  	v53 =	vmov s25  }
0x169: {  	v54 =	vshll.u32 v53, $0x3  }
0x16a: {  	v53 =	vand.u32 $0x78, v53;
	v54 =	vand.u32 $0x3C00, v54  }
0x16b: {  	v53 =	vor.u32 v53, v54  }
0x16c: {  	v54 =	vadd.s32 v1, v53;
	v52 =	vld.idx.msk [tilespmem:v52+s12+$0x0], $0xffff  }
0x16d: {  	v51 =	vor.u32 v19, v51;
	_ =	sdelay $0x3  }
0x16e: {  	[tilespmem:v54+s30+$0x0] =	vst.idx.msk $0xffff, v52;
	v52 =	vbroadcast v50, $0x1  }
0x16f: {  	v53 =	vadd.s32 v3, v53;
	v51 =	vld.idx.msk [tilespmem:v51+s12+$0x0], $0xffff  }
0x170: {  	s23 =	sadd.s32 $0x9, s21;
	v54 =	vor.u32 v20, v52  }
0x171: {  	v55 =	vmov s23  }
0x172: {  	v56 =	vshll.u32 v55, $0x3  }
0x173: {  	v55 =	vand.u32 $0x79, v55;
	v56 =	vand.u32 $0x3C00, v56  }
0x174: {  	[tilespmem:v53+s30+$0x0] =	vst.idx.msk $0xffff, v51;
	v51 =	vor.u32 v55, v56  }
0x175: {  	v53 =	vld.idx.msk [tilespmem:v54+s12+$0x0], $0xffff;
	v54 =	vadd.s32 v1, v51  }
0x176: {  	v52 =	vor.u32 v21, v52;
	_ =	sdelay $0x3  }
0x177: {  	[tilespmem:v54+s30+$0x0] =	vst.idx.msk $0xffff, v53;
	v53 =	vbroadcast v50, $0x2  }
0x178: {  	v51 =	vadd.s32 v3, v51;
	v52 =	vld.idx.msk [tilespmem:v52+s12+$0x0], $0xffff  }
0x179: {  	s24 =	sadd.s32 $0xA, s21;
	v54 =	vor.u32 v22, v53  }
0x17a: {  	v55 =	vmov s24  }
0x17b: {  	v56 =	vshll.u32 v55, $0x3  }
0x17c: {  	v55 =	vand.u32 $0x7A, v55;
	v56 =	vand.u32 $0x3C00, v56  }
0x17d: {  	[tilespmem:v51+s30+$0x0] =	vst.idx.msk $0xffff, v52;
	v51 =	vor.u32 v55, v56  }
0x17e: {  	v52 =	vld.idx.msk [tilespmem:v54+s12+$0x0], $0xffff;
	v54 =	vadd.s32 v1, v51  }
0x17f: {  	v53 =	vor.u32 v23, v53;
	_ =	sdelay $0x3  }
0x180: {  	[tilespmem:v54+s30+$0x0] =	vst.idx.msk $0xffff, v52;
	v52 =	vbroadcast v50, $0x3  }
0x181: {  	v51 =	vadd.s32 v3, v51;
	v53 =	vld.idx.msk [tilespmem:v53+s12+$0x0], $0xffff  }
0x182: {  	s25 =	sadd.s32 $0xB, s21;
	v54 =	vor.u32 v24, v52  }
0x183: {  	v55 =	vmov s25  }
0x184: {  	v56 =	vshll.u32 v55, $0x3  }
0x185: {  	v55 =	vand.u32 $0x7B, v55;
	v56 =	vand.u32 $0x3C00, v56  }
0x186: {  	[tilespmem:v51+s30+$0x0] =	vst.idx.msk $0xffff, v53;
	v51 =	vor.u32 v55, v56  }
0x187: {  	v53 =	vld.idx.msk [tilespmem:v54+s12+$0x0], $0xffff;
	v54 =	vadd.s32 v1, v51  }
0x188: {  	v52 =	vor.u32 v25, v52;
	_ =	sdelay $0x3  }
0x189: {  	[tilespmem:v54+s30+$0x0] =	vst.idx.msk $0xffff, v53;
	v53 =	vbroadcast v50, $0x4  }
0x18a: {  	v51 =	vadd.s32 v3, v51;
	v52 =	vld.idx.msk [tilespmem:v52+s12+$0x0], $0xffff  }
0x18b: {  	s23 =	sadd.s32 $0xC, s21;
	v54 =	vor.u32 v26, v53  }
0x18c: {  	v55 =	vmov s23  }
0x18d: {  	v56 =	vshll.u32 v55, $0x3  }
0x18e: {  	v55 =	vand.u32 $0x7C, v55;
	v56 =	vand.u32 $0x3C00, v56  }
0x18f: {  	[tilespmem:v51+s30+$0x0] =	vst.idx.msk $0xffff, v52;
	v51 =	vor.u32 v55, v56  }
0x190: {  	v52 =	vld.idx.msk [tilespmem:v54+s12+$0x0], $0xffff;
	v54 =	vadd.s32 v1, v51  }
0x191: {  	v53 =	vor.u32 v27, v53;
	_ =	sdelay $0x3  }
0x192: {  	[tilespmem:v54+s30+$0x0] =	vst.idx.msk $0xffff, v52;
	v52 =	vbroadcast v50, $0x5  }
0x193: {  	v51 =	vadd.s32 v3, v51;
	v53 =	vld.idx.msk [tilespmem:v53+s12+$0x0], $0xffff  }
0x194: {  	s24 =	sadd.s32 $0xD, s21;
	v54 =	vor.u32 v28, v52  }
0x195: {  	v55 =	vmov s24  }
0x196: {  	v56 =	vshll.u32 v55, $0x3  }
0x197: {  	v55 =	vand.u32 $0x7D, v55;
	v56 =	vand.u32 $0x3C00, v56  }
0x198: {  	[tilespmem:v51+s30+$0x0] =	vst.idx.msk $0xffff, v53;
	v51 =	vor.u32 v55, v56  }
0x199: {  	v53 =	vld.idx.msk [tilespmem:v54+s12+$0x0], $0xffff;
	v54 =	vadd.s32 v1, v51  }
0x19a: {  	v52 =	vor.u32 v29, v52;
	_ =	sdelay $0x3  }
0x19b: {  	[tilespmem:v54+s30+$0x0] =	vst.idx.msk $0xffff, v53;
	v53 =	vbroadcast v50, $0x6  }
0x19c: {  	v51 =	vadd.s32 v3, v51;
	v52 =	vld.idx.msk [tilespmem:v52+s12+$0x0], $0xffff  }
0x19d: {  	s25 =	sadd.s32 $0xE, s21;
	v54 =	vor.u32 v30, v53  }
0x19e: {  	v55 =	vmov s25  }
0x19f: {  	v56 =	vshll.u32 v55, $0x3  }
0x1a0: {  	v55 =	vand.u32 $0x7E, v55;
	v56 =	vand.u32 $0x3C00, v56  }
0x1a1: {  	[tilespmem:v51+s30+$0x0] =	vst.idx.msk $0xffff, v52;
	v51 =	vor.u32 v55, v56  }
0x1a2: {  	v52 =	vld.idx.msk [tilespmem:v54+s12+$0x0], $0xffff;
	v54 =	vadd.s32 v1, v51  }
0x1a3: {  	v53 =	vor.u32 v31, v53;
	_ =	sdelay $0x3  }
0x1a4: {  	v50 =	vbroadcast v50, $0x7;
	[tilespmem:v54+s30+$0x0] =	vst.idx.msk $0xffff, v52  }
0x1a5: {  	v51 =	vadd.s32 v3, v51;
	v52 =	vld.idx.msk [tilespmem:v53+s12+$0x0], $0xffff  }
0x1a6: {  	s23 =	sadd.s32 $0xF, s21;
	v53 =	vor.u32 v32, v50  }
0x1a7: {  	v54 =	vmov s23  }
0x1a8: {  	v55 =	vshll.u32 v54, $0x3  }
0x1a9: {  	v54 =	vand.u32 $0x7F, v54;
	v55 =	vand.u32 $0x3C00, v55  }
0x1aa: {  	[tilespmem:v51+s30+$0x0] =	vst.idx.msk $0xffff, v52;
	v51 =	vor.u32 v54, v55  }
0x1ab: {  	v52 =	vld.idx.msk [tilespmem:v53+s12+$0x0], $0xffff;
	v56 =	vadd.s32 v1, v51  }
0x1ac: {  	v50 =	vor.u32 v33, v50;
	_ =	sdelay $0x3  }
0x1ad: {  	[tilespmem:v56+s30+$0x0] =	vst.idx.msk $0xffff, v52  }
0x1ae: {  	v51 =	vadd.s32 v3, v51;
	v50 =	vld.idx.msk [tilespmem:v50+s12+$0x0], $0xffff;
	_ =	sdelay $0x4  }
0x1af: {  	p1 =	seq.s32 s21, $0x1E0;
	[tilespmem:v51+s30+$0x0] =	vst.idx.msk $0xffff, v50  }
0x1b0: {  	v50 =	vld @!p1 [tilespmem:s20+$0x10];
	_ =	sdelay $0x4  }
0x1b1: {  	v50 =	vand.u32 @!p1 $0xFFFFFF80, v50  }
0x1b2: {  	v50 =	vadd.s32 @!p1 s0, v50  }
0x1b3: {  	(v2sf) =	vpush @!p1 v50, $0x0;
	_ =	sdelay $0x2  }
0x1b4: {  	(v2sf) =	vpush @!p1 v50, $0x1;
	_ =	sdelay $0x1  }
0x1b5: {  	(v2sf) =	vpush @!p1 v50, $0x2;
	_ =	sdelay $0x1  }
0x1b6: {  	(v2sf) =	vpush @!p1 v50, $0x3;
	_ =	sdelay $0x1  }
0x1b7: {  	(v2sf) =	vpush @!p1 v50, $0x4;
	_ =	sdelay $0x1  }
0x1b8: {  	(v2sf) =	vpush @!p1 v50, $0x5;
	_ =	sdelay $0x1  }
0x1b9: {  	(v2sf) =	vpush @!p1 v50, $0x6;
	_ =	sdelay $0x1  }
0x1ba: {  	s22 =	spop @!p1 (v2sf);
	(v2sf) =	vpush @!p1 v50, $0x7  }
0x1bb: {  	s24 =	simm.s32 @!p1 $0x7A1400;
	s25 =	simm.s32 @!p1 $0x8280;
	s23 =	simm.s32 @!p1 $0x400  }
0x1bc: {  	[tilespmem:s25], [sflag:$0x2] =	stream.strided.gather @!p1 [hbm4b:s22+s23], $0x1000, s24, s23, $0x38;
	[tilespmem:$0x1C300] =	vst v63  }
0x1bd: {  	s22 =	spop @!p1 (v2sf);
	s25 =	simm.s32 @!p1 $0x9280  }
0x1be: {  	[tilespmem:s25], [sflag:$0x2] =	stream.strided.gather @!p1 [hbm4b:s22+s23], $0x1000, s24, s23, $0x38;
	[tilespmem:$0x1C300] =	vst v63  }
0x1bf: {  	s22 =	spop @!p1 (v2sf);
	s25 =	simm.s32 @!p1 $0xA280  }
0x1c0: {  	[tilespmem:s25], [sflag:$0x2] =	stream.strided.gather @!p1 [hbm4b:s22+s23], $0x1000, s24, s23, $0x38;
	[tilespmem:$0x1C300] =	vst v63  }
0x1c1: {  	s22 =	spop @!p1 (v2sf);
	s25 =	simm.s32 @!p1 $0xB280  }
0x1c2: {  	[tilespmem:s25], [sflag:$0x2] =	stream.strided.gather @!p1 [hbm4b:s22+s23], $0x1000, s24, s23, $0x38;
	[tilespmem:$0x1C300] =	vst v63  }
0x1c3: {  	s22 =	spop @!p1 (v2sf);
	s25 =	simm.s32 @!p1 $0xC280  }
0x1c4: {  	[tilespmem:s25], [sflag:$0x2] =	stream.strided.gather @!p1 [hbm4b:s22+s23], $0x1000, s24, s23, $0x38;
	[tilespmem:$0x1C300] =	vst v63  }
0x1c5: {  	s22 =	spop @!p1 (v2sf);
	s25 =	simm.s32 @!p1 $0xD280  }
0x1c6: {  	[tilespmem:s25], [sflag:$0x2] =	stream.strided.gather @!p1 [hbm4b:s22+s23], $0x1000, s24, s23, $0x38;
	[tilespmem:$0x1C300] =	vst v63  }
0x1c7: {  	s22 =	spop @!p1 (v2sf);
	s25 =	simm.s32 @!p1 $0xE280  }
0x1c8: {  	[tilespmem:s25], [sflag:$0x2] =	stream.strided.gather @!p1 [hbm4b:s22+s23], $0x1000, s24, s23, $0x38;
	[tilespmem:$0x1C300] =	vst v63  }
0x1c9: {  	s25 =	simm.s32 @!p1 $0xF280;
	s22 =	spop @!p1 (v2sf)  }
0x1ca: {  	[tilespmem:s25], [sflag:$0x2] =	stream.strided.gather @!p1 [hbm4b:s22+s23], $0x1000, s24, s23, $0x38;
	[tilespmem:$0x1C300] =	vst v63  }
0x1cb: {  	_ =	swait.ge [sflag:s1], $0x1000  }
0x1cc: {  	[sflag:s1] =	ssyncset.done $0x0  }
0x1cd: {  	[sflag:s1] =	ssyncadd.s32 $0xFFFFF000  }
0x1ce: {  	_ =	swait.ge [sflag:s1], $0x1000  }
0x1cf: {  	[sflag:s1] =	ssyncset.done $0x0  }
0x1d0: {  	[sflag:s1] =	ssyncadd.s32 $0xFFFFF000  }
0x1d1: {  	_ =	swait.ge [sflag:s1], $0x1000  }
0x1d2: {  	[sflag:s1] =	ssyncset.done $0x0  }
0x1d3: {  	[sflag:s1] =	ssyncadd.s32 $0xFFFFF000  }
0x1d4: {  	_ =	swait.ge [sflag:s1], $0x1000  }
0x1d5: {  	[sflag:s1] =	ssyncset.done $0x0  }
0x1d6: {  	[sflag:s1] =	ssyncadd.s32 $0xFFFFF000  }
0x1d7: {  	_ =	swait.ge [sflag:s1], $0x1000  }
0x1d8: {  	[sflag:s1] =	ssyncset.done $0x0  }
0x1d9: {  	[sflag:s1] =	ssyncadd.s32 $0xFFFFF000  }
0x1da: {  	_ =	swait.ge [sflag:s1], $0x1000  }
0x1db: {  	[sflag:s1] =	ssyncset.done $0x0  }
0x1dc: {  	[sflag:s1] =	ssyncadd.s32 $0xFFFFF000  }
0x1dd: {  	_ =	swait.ge [sflag:s1], $0x1000  }
0x1de: {  	[sflag:s1] =	ssyncset.done $0x0  }
0x1df: {  	[sflag:s1] =	ssyncadd.s32 $0xFFFFF000  }
0x1e0: {  	_ =	swait.ge [sflag:s1], $0x1000  }
0x1e1: {  	[sflag:s1] =	ssyncset.done $0x0  }
0x1e2: {  	[sflag:s1] =	ssyncadd.s32 $0xFFFFF000  }
0x1e3: {  	v55 =	vld [tilespmem:s20+$0x0];
	_ =	sdelay $0x4  }
0x1e4: {  	v50 =	vand.u32 $0x7F, v55  }
0x1e5: {  	v51 =	vbroadcast v50, $0x0;
	_ =	sdelay $0x1  }
0x1e6: {  	s24 =	sadd.s32 $0x10, s21;
	v52 =	vor.u32 v34, v51  }
0x1e7: {  	v53 =	vmov s24  }
0x1e8: {  	v54 =	vshll.u32 v53, $0x3  }
0x1e9: {  	v53 =	vand.u32 $0x78, v53;
	v54 =	vand.u32 $0x7FFFFC00, v54  }
0x1ea: {  	v53 =	vor.u32 v53, v54  }
0x1eb: {  	v54 =	vadd.s32 v1, v53;
	v52 =	vld.idx.msk [tilespmem:v52+s12+$0x0], $0xffff  }
0x1ec: {  	v51 =	vor.u32 v35, v51;
	_ =	sdelay $0x3  }
0x1ed: {  	[tilespmem:v54+s30+$0x0] =	vst.idx.msk $0xffff, v52;
	v52 =	vbroadcast v50, $0x1  }
0x1ee: {  	v53 =	vadd.s32 v3, v53;
	v51 =	vld.idx.msk [tilespmem:v51+s12+$0x0], $0xffff  }
0x1ef: {  	s25 =	sadd.s32 $0x11, s21;
	v54 =	vor.u32 v36, v52  }
0x1f0: {  	v55 =	vmov s25  }
0x1f1: {  	v56 =	vshll.u32 v55, $0x3  }
0x1f2: {  	v55 =	vand.u32 $0x79, v55;
	v56 =	vand.u32 $0x7FFFFC00, v56  }
0x1f3: {  	[tilespmem:v53+s30+$0x0] =	vst.idx.msk $0xffff, v51;
	v51 =	vor.u32 v55, v56  }
0x1f4: {  	v53 =	vld.idx.msk [tilespmem:v54+s12+$0x0], $0xffff;
	v54 =	vadd.s32 v1, v51  }
0x1f5: {  	v52 =	vor.u32 v37, v52;
	_ =	sdelay $0x3  }
0x1f6: {  	[tilespmem:v54+s30+$0x0] =	vst.idx.msk $0xffff, v53;
	v53 =	vbroadcast v50, $0x2  }
0x1f7: {  	v51 =	vadd.s32 v3, v51;
	v52 =	vld.idx.msk [tilespmem:v52+s12+$0x0], $0xffff  }
0x1f8: {  	s23 =	sadd.s32 $0x12, s21;
	v54 =	vor.u32 v38, v53  }
0x1f9: {  	v55 =	vmov s23  }
0x1fa: {  	v56 =	vshll.u32 v55, $0x3  }
0x1fb: {  	v55 =	vand.u32 $0x7A, v55;
	v56 =	vand.u32 $0x7FFFFC00, v56  }
0x1fc: {  	[tilespmem:v51+s30+$0x0] =	vst.idx.msk $0xffff, v52;
	v51 =	vor.u32 v55, v56  }
0x1fd: {  	v52 =	vld.idx.msk [tilespmem:v54+s12+$0x0], $0xffff;
	v54 =	vadd.s32 v1, v51  }
0x1fe: {  	v53 =	vor.u32 v39, v53;
	_ =	sdelay $0x3  }
0x1ff: {  	[tilespmem:v54+s30+$0x0] =	vst.idx.msk $0xffff, v52;
	v52 =	vbroadcast v50, $0x3  }
0x200: {  	v51 =	vadd.s32 v3, v51;
	v53 =	vld.idx.msk [tilespmem:v53+s12+$0x0], $0xffff  }
0x201: {  	s24 =	sadd.s32 $0x13, s21;
	v54 =	vor.u32 v40, v52  }
0x202: {  	v55 =	vmov s24  }
0x203: {  	v56 =	vshll.u32 v55, $0x3  }
0x204: {  	v55 =	vand.u32 $0x7B, v55;
	v56 =	vand.u32 $0x7FFFFC00, v56  }
0x205: {  	[tilespmem:v51+s30+$0x0] =	vst.idx.msk $0xffff, v53;
	v51 =	vor.u32 v55, v56  }
0x206: {  	v53 =	vld.idx.msk [tilespmem:v54+s12+$0x0], $0xffff;
	v54 =	vadd.s32 v1, v51  }
0x207: {  	v52 =	vor.u32 v41, v52;
	_ =	sdelay $0x3  }
0x208: {  	[tilespmem:v54+s30+$0x0] =	vst.idx.msk $0xffff, v53;
	v53 =	vbroadcast v50, $0x4  }
0x209: {  	v51 =	vadd.s32 v3, v51;
	v52 =	vld.idx.msk [tilespmem:v52+s12+$0x0], $0xffff  }
0x20a: {  	s25 =	sadd.s32 $0x14, s21;
	v54 =	vor.u32 v42, v53  }
0x20b: {  	v55 =	vmov s25  }
0x20c: {  	v56 =	vshll.u32 v55, $0x3  }
0x20d: {  	v55 =	vand.u32 $0x7C, v55;
	v56 =	vand.u32 $0x7FFFFC00, v56  }
0x20e: {  	[tilespmem:v51+s30+$0x0] =	vst.idx.msk $0xffff, v52;
	v51 =	vor.u32 v55, v56  }
0x20f: {  	v52 =	vld.idx.msk [tilespmem:v54+s12+$0x0], $0xffff;
	v54 =	vadd.s32 v1, v51  }
0x210: {  	v53 =	vor.u32 v43, v53;
	_ =	sdelay $0x3  }
0x211: {  	[tilespmem:v54+s30+$0x0] =	vst.idx.msk $0xffff, v52;
	v52 =	vbroadcast v50, $0x5  }
0x212: {  	v51 =	vadd.s32 v3, v51;
	v53 =	vld.idx.msk [tilespmem:v53+s12+$0x0], $0xffff  }
0x213: {  	s23 =	sadd.s32 $0x15, s21;
	v54 =	vor.u32 v44, v52  }
0x214: {  	v55 =	vmov s23  }
0x215: {  	v56 =	vshll.u32 v55, $0x3  }
0x216: {  	v55 =	vand.u32 $0x7D, v55;
	v56 =	vand.u32 $0x7FFFFC00, v56  }
0x217: {  	[tilespmem:v51+s30+$0x0] =	vst.idx.msk $0xffff, v53;
	v51 =	vor.u32 v55, v56  }
0x218: {  	v53 =	vld.idx.msk [tilespmem:v54+s12+$0x0], $0xffff;
	v54 =	vadd.s32 v1, v51  }
0x219: {  	v52 =	vor.u32 v45, v52;
	_ =	sdelay $0x3  }
0x21a: {  	[tilespmem:v54+s30+$0x0] =	vst.idx.msk $0xffff, v53;
	v53 =	vbroadcast v50, $0x6  }
0x21b: {  	v51 =	vadd.s32 v3, v51;
	v52 =	vld.idx.msk [tilespmem:v52+s12+$0x0], $0xffff  }
0x21c: {  	s24 =	sadd.s32 $0x16, s21;
	v54 =	vor.u32 v46, v53  }
0x21d: {  	v55 =	vmov s24  }
0x21e: {  	v56 =	vshll.u32 v55, $0x3  }
0x21f: {  	v55 =	vand.u32 $0x7E, v55;
	v56 =	vand.u32 $0x7FFFFC00, v56  }
0x220: {  	[tilespmem:v51+s30+$0x0] =	vst.idx.msk $0xffff, v52;
	v51 =	vor.u32 v55, v56  }
0x221: {  	v52 =	vld.idx.msk [tilespmem:v54+s12+$0x0], $0xffff;
	v54 =	vadd.s32 v1, v51  }
0x222: {  	v53 =	vor.u32 v47, v53;
	_ =	sdelay $0x3  }
0x223: {  	v50 =	vbroadcast v50, $0x7;
	[tilespmem:v54+s30+$0x0] =	vst.idx.msk $0xffff, v52  }
0x224: {  	v51 =	vadd.s32 v3, v51;
	v52 =	vld.idx.msk [tilespmem:v53+s12+$0x0], $0xffff  }
0x225: {  	s25 =	sadd.s32 $0x17, s21;
	v53 =	vor.u32 v48, v50  }
0x226: {  	v54 =	vmov s25  }
0x227: {  	v55 =	vshll.u32 v54, $0x3  }
0x228: {  	v54 =	vand.u32 $0x7F, v54;
	v55 =	vand.u32 $0x7FFFFC00, v55  }
0x229: {  	[tilespmem:v51+s30+$0x0] =	vst.idx.msk $0xffff, v52;
	v51 =	vor.u32 v54, v55  }
0x22a: {  	v52 =	vld.idx.msk [tilespmem:v53+s12+$0x0], $0xffff;
	v56 =	vadd.s32 v1, v51  }
0x22b: {  	v50 =	vor.u32 v49, v50;
	_ =	sdelay $0x3  }
0x22c: {  	s21 =	sadd.s32 $0x18, s21;
	[tilespmem:v56+s30+$0x0] =	vst.idx.msk $0xffff, v52  }
0x22d: {  	p1 =	sne.s32 s21, $0x1F8;
	v51 =	vadd.s32 v3, v51;
	v50 =	vld.idx.msk [tilespmem:v50+s12+$0x0], $0xffff  }
.Ltmp0:
0x22e: {  	_ = 	snop;
	(pc) =	sbr.rel @p1 .LBB2_2-.Ltmp0, $2  }
0x22f: {  	_ =	sdelay $0x2  }
0x230: {  	s20 =	sadd.s32 $0x18, s20;
	[tilespmem:v51+s30+$0x0] =	vst.idx.msk $0xffff, v50  }
0x231: {  	_ =	swait.ge [sflag:s29], $0x1000  }
0x232: {  	[sflag:s29] =	ssyncset.done $0x0  }
0x233: {  	[sflag:s29] =	ssyncadd.s32 $0xFFFFF000  }
0x234: {  	_ =	swait.ge [sflag:s29], $0x1000  }
0x235: {  	[sflag:s29] =	ssyncset.done $0x0  }
0x236: {  	[sflag:s29] =	ssyncadd.s32 $0xFFFFF000  }
0x237: {  	_ =	swait.ge [sflag:s29], $0x1000  }
0x238: {  	[sflag:s29] =	ssyncset.done $0x0  }
0x239: {  	[sflag:s29] =	ssyncadd.s32 $0xFFFFF000  }
0x23a: {  	_ =	swait.ge [sflag:s29], $0x1000  }
0x23b: {  	[sflag:s29] =	ssyncset.done $0x0  }
0x23c: {  	[sflag:s29] =	ssyncadd.s32 $0xFFFFF000  }
0x23d: {  	_ =	swait.ge [sflag:s29], $0x1000  }
0x23e: {  	[sflag:s29] =	ssyncset.done $0x0  }
0x23f: {  	[sflag:s29] =	ssyncadd.s32 $0xFFFFF000  }
0x240: {  	_ =	swait.ge [sflag:s29], $0x1000  }
0x241: {  	[sflag:s29] =	ssyncset.done $0x0  }
0x242: {  	[sflag:s29] =	ssyncadd.s32 $0xFFFFF000  }
0x243: {  	_ =	swait.ge [sflag:s29], $0x1000  }
0x244: {  	[sflag:s29] =	ssyncset.done $0x0  }
0x245: {  	[sflag:s29] =	ssyncadd.s32 $0xFFFFF000  }
0x246: {  	_ =	swait.ge [sflag:s29], $0x1000  }
0x247: {  	[sflag:s29] =	ssyncset.done $0x0  }
0x248: {  	[sflag:s29] =	ssyncadd.s32 $0xFFFFF000  }
0x249: {  	v50 =	vld [tilespmem:$0x1F8];
	_ =	sdelay $0x4  }
0x24a: {  	v50 =	vand.u32 $0x7F, v50  }
0x24b: {  	v51 =	vbroadcast v50, $0x0;
	_ =	sdelay $0x1  }
0x24c: {  	v52 =	vor.u32 v0, v51;
	_ =	sdelay $0x1  }
0x24d: {  	v53 =	vld [tilespmem:$0x1FF70];
	_ =	sdelay $0x2  }
0x24e: {  	v52 =	vld.idx.msk [tilespmem:v52+s12+$0x0], $0xffff  }
0x24f: {  	v51 =	vor.u32 v2, v51;
	_ =	sdelay $0x1  }
0x250: {  	v54 =	vld [tilespmem:$0x1FF80];
	_ =	sdelay $0x1  }
0x251: {  	[tilespmem:v53+s30+$0x0] =	vst.idx.msk $0xffff, v52;
	v52 =	vbroadcast v50, $0x1  }
0x252: {  	v51 =	vld.idx.msk [tilespmem:v51+s12+$0x0], $0xffff  }
0x253: {  	v53 =	vor.u32 v4, v52;
	_ =	sdelay $0x1  }
0x254: {  	v56 =	vld [tilespmem:$0x1FF90];
	_ =	sdelay $0x1  }
0x255: {  	[tilespmem:v54+s30+$0x0] =	vst.idx.msk $0xffff, v51  }
0x256: {  	v51 =	vld.idx.msk [tilespmem:v53+s12+$0x0], $0xffff  }
0x257: {  	v52 =	vor.u32 v5, v52;
	_ =	sdelay $0x1  }
0x258: {  	v54 =	vld [tilespmem:$0x1FFA0];
	_ =	sdelay $0x1  }
0x259: {  	[tilespmem:v56+s30+$0x0] =	vst.idx.msk $0xffff, v51;
	v51 =	vbroadcast v50, $0x2  }
0x25a: {  	v52 =	vld.idx.msk [tilespmem:v52+s12+$0x0], $0xffff  }
0x25b: {  	v53 =	vor.u32 v6, v51;
	_ =	sdelay $0x1  }
0x25c: {  	v56 =	vld [tilespmem:$0x1FFB0];
	_ =	sdelay $0x1  }
0x25d: {  	[tilespmem:v54+s30+$0x0] =	vst.idx.msk $0xffff, v52  }
0x25e: {  	v52 =	vld.idx.msk [tilespmem:v53+s12+$0x0], $0xffff  }
0x25f: {  	v51 =	vor.u32 v7, v51;
	_ =	sdelay $0x1  }
0x260: {  	v54 =	vld [tilespmem:$0x1FFC0];
	_ =	sdelay $0x1  }
0x261: {  	[tilespmem:v56+s30+$0x0] =	vst.idx.msk $0xffff, v52;
	v52 =	vbroadcast v50, $0x3  }
0x262: {  	v51 =	vld.idx.msk [tilespmem:v51+s12+$0x0], $0xffff  }
0x263: {  	v53 =	vor.u32 v8, v52;
	_ =	sdelay $0x1  }
0x264: {  	v56 =	vld [tilespmem:$0x1FFD0];
	_ =	sdelay $0x1  }
0x265: {  	[tilespmem:v54+s30+$0x0] =	vst.idx.msk $0xffff, v51  }
0x266: {  	v51 =	vld.idx.msk [tilespmem:v53+s12+$0x0], $0xffff  }
0x267: {  	v52 =	vor.u32 v9, v52;
	_ =	sdelay $0x1  }
0x268: {  	v54 =	vld [tilespmem:$0x1FFE0];
	_ =	sdelay $0x1  }
0x269: {  	[tilespmem:v56+s30+$0x0] =	vst.idx.msk $0xffff, v51;
	v51 =	vbroadcast v50, $0x4  }
0x26a: {  	v52 =	vld.idx.msk [tilespmem:v52+s12+$0x0], $0xffff  }
0x26b: {  	v53 =	vor.u32 v10, v51;
	_ =	sdelay $0x1  }
0x26c: {  	v56 =	vld [tilespmem:$0x1FFF0];
	_ =	sdelay $0x1  }
0x26d: {  	[tilespmem:v54+s30+$0x0] =	vst.idx.msk $0xffff, v52  }
0x26e: {  	v52 =	vld.idx.msk [tilespmem:v53+s12+$0x0], $0xffff  }
0x26f: {  	v51 =	vor.u32 v11, v51;
	_ =	sdelay $0x3  }
0x270: {  	[tilespmem:v56+s30+$0x0] =	vst.idx.msk $0xffff, v52;
	v52 =	vbroadcast v50, $0x5  }
0x271: {  	v51 =	vld.idx.msk [tilespmem:v51+s12+$0x0], $0xffff  }
0x272: {  	v56 =	vor.u32 v12, v52;
	_ =	sdelay $0x3  }
0x273: {  	[tilespmem:v57+s30+$0x0] =	vst.idx.msk $0xffff, v51  }
0x274: {  	v51 =	vld.idx.msk [tilespmem:v56+s12+$0x0], $0xffff  }
0x275: {  	v52 =	vor.u32 v13, v52;
	_ =	sdelay $0x3  }
0x276: {  	[tilespmem:v58+s30+$0x0] =	vst.idx.msk $0xffff, v51;
	v51 =	vbroadcast v50, $0x6  }
0x277: {  	v52 =	vld.idx.msk [tilespmem:v52+s12+$0x0], $0xffff  }
0x278: {  	v56 =	vor.u32 v14, v51;
	_ =	sdelay $0x3  }
0x279: {  	[tilespmem:v59+s30+$0x0] =	vst.idx.msk $0xffff, v52  }
0x27a: {  	v52 =	vld.idx.msk [tilespmem:v56+s12+$0x0], $0xffff  }
0x27b: {  	v51 =	vor.u32 v15, v51;
	_ =	sdelay $0x3  }
0x27c: {  	v50 =	vbroadcast v50, $0x7;
	[tilespmem:v60+s30+$0x0] =	vst.idx.msk $0xffff, v52  }
0x27d: {  	v51 =	vld.idx.msk [tilespmem:v51+s12+$0x0], $0xffff  }
0x27e: {  	v56 =	vor.u32 v16, v50;
	_ =	sdelay $0x3  }
0x27f: {  	[tilespmem:v61+s30+$0x0] =	vst.idx.msk $0xffff, v51  }
0x280: {  	v51 =	vld.idx.msk [tilespmem:v56+s12+$0x0], $0xffff  }
0x281: {  	v50 =	vor.u32 v17, v50;
	_ =	sdelay $0x3  }
0x282: {  	[tilespmem:v62+s30+$0x0] =	vst.idx.msk $0xffff, v51  }
0x283: {  	v50 =	vld.idx.msk [tilespmem:v50+s12+$0x0], $0xffff;
	_ =	sdelay $0x4  }
0x284: {  	[tilespmem:v63+s30+$0x0] =	vst.idx.msk $0xffff, v50  }
0x285: {  	[hbm4b:s7+s3] =	stream.strided.scatter [tilespmem:s30], [sflag:$0x4], $0x4000, s2, s3, $0x38;
	[tilespmem:$0x1C300] =	vst v63  }
0x286: {  	_ =	swait.ge [sflag:s10], $0x4000  }
0x287: {  	s20 =	simm.s32 @!p0 $0x0;
	[sflag:s10] =	ssyncset.done $0x0  }
0x288: {  	s21 =	simm.s32 @!p0 $0x1C280;
	s22 =	simm.s32 @!p0 $0x4;
	[sflag:s10] =	ssyncadd.s32 $0xFFFFC000  }
0x289: {  	[tilespmem:s21], [sflag:$0x4] =	stream.linear.gather @!p0 [hbm4b:s5+s20], $0x80, $0x38;
	[tilespmem:$0x1C300] =	vst v63  }
0x28a: {  	_ =	swait.ge @!p0 [sflag:s22], $0x80  }
0x28b: {  	[sflag:s22] =	ssyncset.done @!p0 $0x0  }
0x28c: {  	[sflag:s22] =	ssyncadd.s32 @!p0 $0xFFFFFF80  }
0x28d: {  	v50 =	vld @!p0 [tilespmem:$0x1C280];
	_ =	sdelay $0x4  }
0x28e: {  	s4 =	sadd.s32 $0x1, s4;
	v50 =	vmax.f32 @!p0 v50, $-2.500000000e+00  }
0x28f: {  	p1 =	sne.s32 s4, s8;
	v50 =	vmin.f32 @!p0 v50, $0.0e+00  }
.Ltmp1:
0x290: {  	s23 =	rddreg [dreg:$0x4];
	[tilespmem:$0x1C280] =	vst @!p0 v50;
	(pc) =	sbr.rel @p1 .LBB2_1-.Ltmp1, $4  }
0x291: {  	[hbm4b:s23+s20] =	stream.linear.scatter @!p0 [tilespmem:s21], [sflag:$0x4], $0x80, $0x38;
	[tilespmem:$0x1C300] =	vst v63  }
0x292: {  	_ =	swait.ge @!p0 [sflag:s22], $0x80  }
0x293: {  	[sflag:s22] =	ssyncset.done @!p0 $0x0  }
0x294: {  	[sflag:s22] =	ssyncadd.s32 @!p0 $0xFFFFFF80  }
0x295: {  	_ =	sfence.sel $0x180000  }
0x296: {  	[bflag:$0x0] =	sbarrier.arrive $0xFFFF  }
0x297: {  	_ =	strace $0x90000047  }
0x298: {  	s0 =	stileid.u32;
	[bflag:$0x2] =	sbarrier.arrive $0xFFFF  }
0x299: {  	p0 =	sne.s32 s0, $0x0;
	s0 =	rddreg [dreg:$0x5]  }
0x29a: {  	s0 =	sadd.s32 @!p0 $0x100000, s0  }
0x29b: {  	[sflag:s0] =	ssyncadd.tile.s32 @!p0 $0x1;
	_ =	shalt  }
.Lfunc_end2:
_tile_overlayer_lowered:
.L_overlay_start_2:
0x29c: {  	(tag) =	ssettag $0x2  }
0x29d: {  	s0 =	rddreg [dreg:$0x0];
	s2 =	stileid.u32  }
0x29e: {  	s1 =	rddreg [dreg:$0x1];
	p0 =	sne.s32 s2, $0x0  }
0x29f: {  	s3 =	rddreg [dreg:$0x2];
	[bflag:$0x3] =	sbarrier.arrive $0xFFFF;
	s2 =	simm.s32 @!p0 $0x1C04  }
0x2a0: {  	[timem:s3], [sflag:s2] =	dma.local @!p0 [hbm:s0], s1  }
0x2a1: {  	s0 =	simm.s32 @!p0 $0x4  }
0x2a2: {  	_ =	swait.ge @!p0 [sflag:s0], s1  }
0x2a3: {  	s1 =	ssub.s32 @!p0 $0x0, s1;
	[sflag:s0] =	ssyncset.done @!p0 $0x0  }
0x2a4: {  	[sflag:s0] =	ssyncadd.s32 @!p0 s1  }
0x2a5: {  	[bflag:$0x3] =	sbarrier.arrive $0xFFFF  }
0x2a6: {  	_ =	shalt  }

</sc_bundles>
